<compile_context>
chip_gen: v7x
topology: tpu7x:2x2x1
jax: 0.10.2.dev20260603
libtpu: 0.0.44.dev20260713+nightly
codegen_flags: <defaults>
</compile_context>

<pallas_src>
import functools
import jax
import jax.numpy as jnp
from jax import lax
from jax.experimental import pallas as pl
from jax.experimental.pallas import tpu as pltpu
from jax.experimental.pallas import tpu_sc as plsc

_B, _N, _D, _K = 16, 4096, 256, 4
_NC, _NS, _L = 2, 16, 16
_NW = _NC * _NS
_NPW = _N // _NW
_NCH = 8
_CHUNKS = _NPW // _NCH
_GD = _D // _L
_ZS = 3
_AS = 2

_mesh = plsc.VectorSubcoreMesh(core_axis_name="c", subcore_axis_name="s")


@functools.partial(
    pl.kernel,
    out_type=jax.ShapeDtypeStruct((_B, _N, 2 * _D), jnp.float32),
    mesh=_mesh,
    scratch_types=[
        pltpu.VMEM((_ZS, _B, _NCH, _D), jnp.float32),
        pltpu.VMEM((_AS, _K, _NCH, _D), jnp.float32),
        pltpu.VMEM((_L,), jnp.int32),
        pltpu.SemaphoreType.DMA((_ZS,)),
        pltpu.SemaphoreType.DMA((_ZS,)),
        pltpu.SemaphoreType.DMA((_AS,)),
    ],
)
def _mixer(z_hbm, ch_hbm, out_hbm, z_ring, acc_ring, ch_v, in_sems, cp_sems,
           ag_sems):
    wid = lax.axis_index("s") * _NC + lax.axis_index("c")
    n0 = wid * _NPW

    pltpu.async_copy(z_hbm.at[:, pl.ds(n0, _NCH), :], z_ring.at[0],
                     in_sems.at[0])
    pltpu.async_copy(z_hbm.at[:, pl.ds(n0 + _NCH, _NCH), :], z_ring.at[1],
                     in_sems.at[1])

    pltpu.sync_copy(ch_hbm, ch_v)
    ch = ch_v[...]
    ks = [ch[b] for b in range(_B)]
    wks = []
    for k in range(_K):
        cnt = jnp.int32(0)
        for b in range(_B):
            cnt = cnt + jnp.where(ks[b] == k, 1, 0)
        wk = jnp.float32(1.0)
        for c in range(2, _B + 1):
            wk = jnp.where(cnt == c, jnp.float32(1.0 / c), wk)
        wks.append(wk)
    ws = []
    for b in range(_B):
        wb = wks[0]
        for k in range(1, _K):
            wb = jnp.where(ks[b] == k, wks[k], wb)
        ws.append(wb)

    zero = jnp.zeros((_L,), jnp.float32)

    def start_in(nb, zs):
        pltpu.async_copy(z_hbm.at[:, pl.ds(nb, _NCH), :], z_ring.at[zs],
                         in_sems.at[zs])

    def wait_in(zs):
        pltpu.make_async_copy(z_hbm.at[:, pl.ds(0, _NCH), :], z_ring.at[zs],
                              in_sems.at[zs]).wait()

    def start_copy_out(nb, zs):
        pltpu.async_copy(z_ring.at[zs],
                         out_hbm.at[:, pl.ds(nb, _NCH), pl.ds(0, _D)],
                         cp_sems.at[zs])

    def wait_copy_out(zs):
        pltpu.make_async_copy(z_ring.at[zs],
                              out_hbm.at[:, pl.ds(0, _NCH), pl.ds(0, _D)],
                              cp_sems.at[zs]).wait()

    def start_aggr_out(nb, asl):
        for b in range(_B):
            pltpu.async_copy(acc_ring.at[asl, ks[b]],
                             out_hbm.at[b, pl.ds(nb, _NCH), pl.ds(_D, _D)],
                             ag_sems.at[asl])

    def wait_aggr_out(asl):
        pltpu.make_async_copy(out_hbm.at[:, pl.ds(0, _NCH), pl.ds(_D, _D)],
                              z_ring.at[0], ag_sems.at[asl]).wait()

    def chunk_body(c, _):
        zs = lax.rem(c, _ZS)
        asl = lax.rem(c, _AS)
        nb = n0 + c * _NCH
        wait_in(zs)

        nzs = lax.rem(c + 1, _ZS)

        @pl.when(c >= _ZS - 1)
        def _():
            wait_copy_out(nzs)

        @pl.when(jnp.logical_and(c >= 1, c < _CHUNKS - 1))
        def _():
            start_in(nb + _NCH, nzs)

        start_copy_out(nb, zs)

        @pl.when(c >= _AS)
        def _():
            wait_aggr_out(asl)

        @plsc.parallel_loop(0, _K * _NCH * _D, step=_L, unroll=8)
        def _(p):
            k = lax.shift_right_logical(p, 11)
            rem = lax.bitwise_and(p, _NCH * _D - 1)
            r = lax.shift_right_logical(rem, 8)
            col = pl.multiple_of(lax.bitwise_and(rem, _D - 1), _L)
            acc_ring[asl, k, r, pl.ds(col, _L)] = zero

        for b in range(_B):
            wb = ws[b]
            kb = ks[b]

            @plsc.parallel_loop(0, _NCH * _D, step=_L, unroll=8)
            def _(p, b=b, wb=wb, kb=kb):
                r = lax.shift_right_logical(p, 8)
                col = pl.multiple_of(lax.bitwise_and(p, _D - 1), _L)
                seg = z_ring[zs, b, r, pl.ds(col, _L)]
                plsc.addupdate(acc_ring.at[asl, kb, r, pl.ds(col, _L)],
                               seg * wb)

        start_aggr_out(nb, asl)
        return 0

    lax.fori_loop(0, _CHUNKS, chunk_body, 0)

    for c in range(_CHUNKS - (_ZS - 1), _CHUNKS):
        wait_copy_out(c % _ZS)
    for asl in range(_AS):
        wait_aggr_out(asl)


def kernel(z, ch_ids):
    zs = z.reshape(_B, _N, _D)
    return _mixer(zs, ch_ids)

# --- scband reference (transcript-rebuilt; emitter-appended) ---
"""Pipeline reference for scband-channel-latent-mixer-48661979464238 (READ-ONLY COPY).

The authoritative reference and input builder live on the scoring server;
editing this copy changes nothing except your own understanding.
"""

import jax, jax.numpy as jnp
import numpy as np

B, N, D, K = 16, 4096, 256, 4


def setup_inputs(seed: int = 0) -> dict:
    key = jax.random.key(seed)
    k1, k2 = jax.random.split(key)
    z = jax.random.normal(k1, (B, 1, N, D), dtype=jnp.float32)
    ch_ids = jax.random.randint(k2, (B,), 0, K, dtype=jnp.int32)
    return {"z": z, "ch_ids": ch_ids}


def reference(z, ch_ids):
    # z: (B, 1, N, D) -> squeeze -> (B, N, D)
    zs = jnp.squeeze(z, axis=1)
    # Per-channel mean over the batch dimension (segment reduce by ch_ids),
    # faithful to the torch loop over unique channel ids with reduction='mean'.
    sums = jax.ops.segment_sum(zs, ch_ids, num_segments=K)  # (K, N, D)
    counts = jax.ops.segment_sum(jnp.ones((zs.shape[0],), dtype=zs.dtype), ch_ids, num_segments=K)
    counts = jnp.maximum(counts, 1.0)  # guard empty segments (never gathered)
    means = sums / counts[:, None, None]  # (K, N, D)
    # Broadcast each channel's aggregated representation back to its batch rows
    aggr = jnp.take(means, ch_ids, axis=0)  # (B, N, D)
    # combination == 'concat_embed_dim' -> concat along embedding dim
    new_z = jnp.concatenate([zs, aggr], axis=-1)  # (B, N, 2*D)
    return new_z

if __name__ == "__main__":
    import jax
    _d = setup_inputs()
    print(jax.jit(kernel)(*tuple(_d.values())))

</pallas_src>

<mosaic_0001>
#map = affine_map<(d0, d1) -> (0, 0, 0)>
#map1 = affine_map<(d0, d1) -> (0)>
module attributes {stable_mosaic.version = 14 : i64} {
  func.func @_mixer(%arg0: i32, %arg1: i32, %arg2: memref<16x4096x256xf32, #tpu.memory_space<hbm>>, %arg3: memref<16xi32, #tpu.memory_space<hbm>>, %arg4: memref<16x4096x512xf32, #tpu.memory_space<hbm>>, %arg5: memref<3x16x8x256xf32, #tpu.memory_space<vmem>>, %arg6: memref<2x4x8x256xf32, #tpu.memory_space<vmem>>, %arg7: memref<16xi32, #tpu.memory_space<vmem>>, %arg8: memref<3x!tpu.dma_semaphore, #tpu.memory_space<semaphore_mem>>, %arg9: memref<3x!tpu.dma_semaphore, #tpu.memory_space<semaphore_mem>>, %arg10: memref<2x!tpu.dma_semaphore, #tpu.memory_space<semaphore_mem>>) attributes {dimension_semantics = [#tpu.dimension_semantics<core_parallel>, #tpu.dimension_semantics<subcore_parallel>], iteration_bounds = array<i64: 2, 16>, scalar_prefetch = 0 : i64, scratch_operands = 6 : i64, tpu.core_type = #tpu.core_type<sc_vector_subcore>, window_params = [{transform_indices = #map}, {transform_indices = #map1}, {transform_indices = #map}]} {
    %mul3A = arith.constant 2 : i32
    %mul3A_0 = arith.muli %arg1, %mul3A : i32
    %add3A = arith.addi %mul3A_0, %arg0 : i32
    %mul3A_1 = arith.constant 128 : i32
    %mul3A_2 = arith.muli %add3A, %mul3A_1 : i32
    %dma_start3A = arith.constant 0 : i32
    %dma_start3A_3 = arith.constant 0 : i32
    %dma_start3A_4 = arith.constant 0 : i32
    %dma_start3A_5 = arith.constant 0 : i32
    %dma_start3A_6 = arith.constant 0 : i32
    %dma_start3A_7 = tpu.memref_slice %arg5[%dma_start3A, %dma_start3A_4, %dma_start3A_5, %dma_start3A_6] : memref<3x16x8x256xf32, #tpu.memory_space<vmem>> -> memref<1x16x8x256xf32, #tpu.memory_space<vmem>>
    %dma_start3A_8 = tpu.memref_squeeze %dma_start3A_7 : memref<1x16x8x256xf32, #tpu.memory_space<vmem>> -> memref<16x8x256xf32, #tpu.memory_space<vmem>>
    %dma_start3A_9 = arith.constant 0 : i32
    %dma_start3A_10 = arith.constant 0 : i32
    %dma_start3A_11 = tpu.memref_slice %arg2[%dma_start3A_9, %mul3A_2, %dma_start3A_10] : memref<16x4096x256xf32, #tpu.memory_space<hbm>> -> memref<16x8x256xf32, #tpu.memory_space<hbm>>
    %dma_start3A_12 = tpu.memref_slice %arg8[%dma_start3A_3] : memref<3x!tpu.dma_semaphore, #tpu.memory_space<semaphore_mem>> -> memref<1x!tpu.dma_semaphore, #tpu.memory_space<semaphore_mem>>
    %dma_start3A_13 = tpu.memref_squeeze %dma_start3A_12 : memref<1x!tpu.dma_semaphore, #tpu.memory_space<semaphore_mem>> -> memref<!tpu.dma_semaphore, #tpu.memory_space<semaphore_mem>>
    %dma_start3A_14 = arith.constant 0 : i32
    %dma_start3A_15 = arith.constant 0 : i32
    %dma_start3A_16 = arith.constant 0 : i32
    %dma_start3A_17 = tpu.memref_slice %arg5[%dma_start3A, %dma_start3A_14, %dma_start3A_15, %dma_start3A_16] : memref<3x16x8x256xf32, #tpu.memory_space<vmem>> -> memref<1x16x8x256xf32, #tpu.memory_space<vmem>>
    %dma_start3A_18 = tpu.memref_squeeze %dma_start3A_17 : memref<1x16x8x256xf32, #tpu.memory_space<vmem>> -> memref<16x8x256xf32, #tpu.memory_space<vmem>>
    %dma_start3A_19 = arith.constant 0 : i32
    %dma_start3A_20 = arith.constant 0 : i32
    %dma_start3A_21 = tpu.memref_slice %arg2[%dma_start3A_19, %mul3A_2, %dma_start3A_20] : memref<16x4096x256xf32, #tpu.memory_space<hbm>> -> memref<16x8x256xf32, #tpu.memory_space<hbm>>
    tpu.enqueue_dma source(%dma_start3A_21 : memref<16x8x256xf32, #tpu.memory_space<hbm>>) target(%dma_start3A_18 : memref<16x8x256xf32, #tpu.memory_space<vmem>>) target_semaphore(%dma_start3A_13 : memref<!tpu.dma_semaphore, #tpu.memory_space<semaphore_mem>>)
    %add3A_22 = arith.constant 8 : i32
    %add3A_23 = arith.addi %mul3A_2, %add3A_22 : i32
    %dma_start3A_24 = arith.constant 1 : i32
    %dma_start3A_25 = arith.constant 1 : i32
    %dma_start3A_26 = arith.constant 0 : i32
    %dma_start3A_27 = arith.constant 0 : i32
    %dma_start3A_28 = arith.constant 0 : i32
    %dma_start3A_29 = tpu.memref_slice %arg5[%dma_start3A_24, %dma_start3A_26, %dma_start3A_27, %dma_start3A_28] : memref<3x16x8x256xf32, #tpu.memory_space<vmem>> -> memref<1x16x8x256xf32, #tpu.memory_space<vmem>>
    %dma_start3A_30 = tpu.memref_squeeze %dma_start3A_29 : memref<1x16x8x256xf32, #tpu.memory_space<vmem>> -> memref<16x8x256xf32, #tpu.memory_space<vmem>>
    %dma_start3A_31 = arith.constant 0 : i32
    %dma_start3A_32 = arith.constant 0 : i32
    %dma_start3A_33 = tpu.memref_slice %arg2[%dma_start3A_31, %add3A_23, %dma_start3A_32] : memref<16x4096x256xf32, #tpu.memory_space<hbm>> -> memref<16x8x256xf32, #tpu.memory_space<hbm>>
    %dma_start3A_34 = tpu.memref_slice %arg8[%dma_start3A_25] : memref<3x!tpu.dma_semaphore, #tpu.memory_space<semaphore_mem>> -> memref<1x!tpu.dma_semaphore, #tpu.memory_space<semaphore_mem>>
    %dma_start3A_35 = tpu.memref_squeeze %dma_start3A_34 : memref<1x!tpu.dma_semaphore, #tpu.memory_space<semaphore_mem>> -> memref<!tpu.dma_semaphore, #tpu.memory_space<semaphore_mem>>
    %dma_start3A_36 = arith.constant 0 : i32
    %dma_start3A_37 = arith.constant 0 : i32
    %dma_start3A_38 = arith.constant 0 : i32
    %dma_start3A_39 = tpu.memref_slice %arg5[%dma_start3A_24, %dma_start3A_36, %dma_start3A_37, %dma_start3A_38] : memref<3x16x8x256xf32, #tpu.memory_space<vmem>> -> memref<1x16x8x256xf32, #tpu.memory_space<vmem>>
    %dma_start3A_40 = tpu.memref_squeeze %dma_start3A_39 : memref<1x16x8x256xf32, #tpu.memory_space<vmem>> -> memref<16x8x256xf32, #tpu.memory_space<vmem>>
    %dma_start3A_41 = arith.constant 0 : i32
    %dma_start3A_42 = arith.constant 0 : i32
    %dma_start3A_43 = tpu.memref_slice %arg2[%dma_start3A_41, %add3A_23, %dma_start3A_42] : memref<16x4096x256xf32, #tpu.memory_space<hbm>> -> memref<16x8x256xf32, #tpu.memory_space<hbm>>
    tpu.enqueue_dma source(%dma_start3A_43 : memref<16x8x256xf32, #tpu.memory_space<hbm>>) target(%dma_start3A_40 : memref<16x8x256xf32, #tpu.memory_space<vmem>>) target_semaphore(%dma_start3A_35 : memref<!tpu.dma_semaphore, #tpu.memory_space<semaphore_mem>>)
    "tpu.region"() ({
      %run_scoped3A = tpu.sem_alloc : memref<!tpu.dma_semaphore, #tpu.memory_space<semaphore_mem>>
      tpu.enqueue_dma source(%arg3 : memref<16xi32, #tpu.memory_space<hbm>>) target(%arg7 : memref<16xi32, #tpu.memory_space<vmem>>) target_semaphore(%run_scoped3A : memref<!tpu.dma_semaphore, #tpu.memory_space<semaphore_mem>>)
      tpu.wait_dma2 semaphore(%run_scoped3A : memref<!tpu.dma_semaphore, #tpu.memory_space<semaphore_mem>>) src(%arg3 : memref<16xi32, #tpu.memory_space<hbm>>) dst(%arg7 : memref<16xi32, #tpu.memory_space<vmem>>)
      tpu.yield
    }) : () -> ()
    %get3A = arith.constant 0 : index
    %get3A_44 = tpu.vector_load %arg7[%get3A] {strides = array<i32>} : memref<16xi32, #tpu.memory_space<vmem>>, vector<16xi32>,
    %get3A_45 = vector.shape_cast %get3A_44 : vector<16xi32> to vector<16xi32>
    %slice3A = vector.extract_strided_slice %get3A_45 {offsets = [0], sizes = [1], strides = [1]} : vector<16xi32> to vector<1xi32>
    %squeeze3A = vector.extract %slice3A[0] : i32 from vector<1xi32>
    %slice3A_46 = vector.extract_strided_slice %get3A_45 {offsets = [1], sizes = [1], strides = [1]} : vector<16xi32> to vector<1xi32>
    %squeeze3A_47 = vector.extract %slice3A_46[0] : i32 from vector<1xi32>
    %slice3A_48 = vector.extract_strided_slice %get3A_45 {offsets = [2], sizes = [1], strides = [1]} : vector<16xi32> to vector<1xi32>
    %squeeze3A_49 = vector.extract %slice3A_48[0] : i32 from vector<1xi32>
    %slice3A_50 = vector.extract_strided_slice %get3A_45 {offsets = [3], sizes = [1], strides = [1]} : vector<16xi32> to vector<1xi32>
    %squeeze3A_51 = vector.extract %slice3A_50[0] : i32 from vector<1xi32>
    %slice3A_52 = vector.extract_strided_slice %get3A_45 {offsets = [4], sizes = [1], strides = [1]} : vector<16xi32> to vector<1xi32>
    %squeeze3A_53 = vector.extract %slice3A_52[0] : i32 from vector<1xi32>
    %slice3A_54 = vector.extract_strided_slice %get3A_45 {offsets = [5], sizes = [1], strides = [1]} : vector<16xi32> to vector<1xi32>
    %squeeze3A_55 = vector.extract %slice3A_54[0] : i32 from vector<1xi32>
    %slice3A_56 = vector.extract_strided_slice %get3A_45 {offsets = [6], sizes = [1], strides = [1]} : vector<16xi32> to vector<1xi32>
    %squeeze3A_57 = vector.extract %slice3A_56[0] : i32 from vector<1xi32>
    %slice3A_58 = vector.extract_strided_slice %get3A_45 {offsets = [7], sizes = [1], strides = [1]} : vector<16xi32> to vector<1xi32>
    %squeeze3A_59 = vector.extract %slice3A_58[0] : i32 from vector<1xi32>
    %slice3A_60 = vector.extract_strided_slice %get3A_45 {offsets = [8], sizes = [1], strides = [1]} : vector<16xi32> to vector<1xi32>
    %squeeze3A_61 = vector.extract %slice3A_60[0] : i32 from vector<1xi32>
    %slice3A_62 = vector.extract_strided_slice %get3A_45 {offsets = [9], sizes = [1], strides = [1]} : vector<16xi32> to vector<1xi32>
    %squeeze3A_63 = vector.extract %slice3A_62[0] : i32 from vector<1xi32>
    %slice3A_64 = vector.extract_strided_slice %get3A_45 {offsets = [10], sizes = [1], strides = [1]} : vector<16xi32> to vector<1xi32>
    %squeeze3A_65 = vector.extract %slice3A_64[0] : i32 from vector<1xi32>
    %slice3A_66 = vector.extract_strided_slice %get3A_45 {offsets = [11], sizes = [1], strides = [1]} : vector<16xi32> to vector<1xi32>
    %squeeze3A_67 = vector.extract %slice3A_66[0] : i32 from vector<1xi32>
    %slice3A_68 = vector.extract_strided_slice %get3A_45 {offsets = [12], sizes = [1], strides = [1]} : vector<16xi32> to vector<1xi32>
    %squeeze3A_69 = vector.extract %slice3A_68[0] : i32 from vector<1xi32>
    %slice3A_70 = vector.extract_strided_slice %get3A_45 {offsets = [13], sizes = [1], strides = [1]} : vector<16xi32> to vector<1xi32>
    %squeeze3A_71 = vector.extract %slice3A_70[0] : i32 from vector<1xi32>
    %slice3A_72 = vector.extract_strided_slice %get3A_45 {offsets = [14], sizes = [1], strides = [1]} : vector<16xi32> to vector<1xi32>
    %squeeze3A_73 = vector.extract %slice3A_72[0] : i32 from vector<1xi32>
    %slice3A_74 = vector.extract_strided_slice %get3A_45 {offsets = [15], sizes = [1], strides = [1]} : vector<16xi32> to vector<1xi32>
    %squeeze3A_75 = vector.extract %slice3A_74[0] : i32 from vector<1xi32>
    %eq3A = arith.constant 0 : i32
    %eq3A_76 = arith.cmpi eq, %squeeze3A, %eq3A : i32
    %jit3A = arith.constant 1 : i32
    %jit3A_77 = arith.constant 0 : i32
    %select_n3A = arith.select %eq3A_76, %jit3A, %jit3A_77 : i32
    %add3A_78 = arith.constant 0 : i32
    %add3A_79 = arith.addi %add3A_78, %select_n3A : i32
    %eq3A_80 = arith.constant 0 : i32
    %eq3A_81 = arith.cmpi eq, %squeeze3A_47, %eq3A_80 : i32
    %jit3A_82 = arith.constant 1 : i32
    %jit3A_83 = arith.constant 0 : i32
    %select_n3A_84 = arith.select %eq3A_81, %jit3A_82, %jit3A_83 : i32
    %add3A_85 = arith.addi %add3A_79, %select_n3A_84 : i32
    %eq3A_86 = arith.constant 0 : i32
    %eq3A_87 = arith.cmpi eq, %squeeze3A_49, %eq3A_86 : i32
    %jit3A_88 = arith.constant 1 : i32
    %jit3A_89 = arith.constant 0 : i32
    %select_n3A_90 = arith.select %eq3A_87, %jit3A_88, %jit3A_89 : i32
    %add3A_91 = arith.addi %add3A_85, %select_n3A_90 : i32
    %eq3A_92 = arith.constant 0 : i32
    %eq3A_93 = arith.cmpi eq, %squeeze3A_51, %eq3A_92 : i32
    %jit3A_94 = arith.constant 1 : i32
    %jit3A_95 = arith.constant 0 : i32
    %select_n3A_96 = arith.select %eq3A_93, %jit3A_94, %jit3A_95 : i32
    %add3A_97 = arith.addi %add3A_91, %select_n3A_96 : i32
    %eq3A_98 = arith.constant 0 : i32
    %eq3A_99 = arith.cmpi eq, %squeeze3A_53, %eq3A_98 : i32
    %jit3A_100 = arith.constant 1 : i32
    %jit3A_101 = arith.constant 0 : i32
    %select_n3A_102 = arith.select %eq3A_99, %jit3A_100, %jit3A_101 : i32
    %add3A_103 = arith.addi %add3A_97, %select_n3A_102 : i32
    %eq3A_104 = arith.constant 0 : i32
    %eq3A_105 = arith.cmpi eq, %squeeze3A_55, %eq3A_104 : i32
    %jit3A_106 = arith.constant 1 : i32
    %jit3A_107 = arith.constant 0 : i32
    %select_n3A_108 = arith.select %eq3A_105, %jit3A_106, %jit3A_107 : i32
    %add3A_109 = arith.addi %add3A_103, %select_n3A_108 : i32
    %eq3A_110 = arith.constant 0 : i32
    %eq3A_111 = arith.cmpi eq, %squeeze3A_57, %eq3A_110 : i32
    %jit3A_112 = arith.constant 1 : i32
    %jit3A_113 = arith.constant 0 : i32
    %select_n3A_114 = arith.select %eq3A_111, %jit3A_112, %jit3A_113 : i32
    %add3A_115 = arith.addi %add3A_109, %select_n3A_114 : i32
    %eq3A_116 = arith.constant 0 : i32
    %eq3A_117 = arith.cmpi eq, %squeeze3A_59, %eq3A_116 : i32
    %jit3A_118 = arith.constant 1 : i32
    %jit3A_119 = arith.constant 0 : i32
    %select_n3A_120 = arith.select %eq3A_117, %jit3A_118, %jit3A_119 : i32
    %add3A_121 = arith.addi %add3A_115, %select_n3A_120 : i32
    %eq3A_122 = arith.constant 0 : i32
    %eq3A_123 = arith.cmpi eq, %squeeze3A_61, %eq3A_122 : i32
    %jit3A_124 = arith.constant 1 : i32
    %jit3A_125 = arith.constant 0 : i32
    %select_n3A_126 = arith.select %eq3A_123, %jit3A_124, %jit3A_125 : i32
    %add3A_127 = arith.addi %add3A_121, %select_n3A_126 : i32
    %eq3A_128 = arith.constant 0 : i32
    %eq3A_129 = arith.cmpi eq, %squeeze3A_63, %eq3A_128 : i32
    %jit3A_130 = arith.constant 1 : i32
    %jit3A_131 = arith.constant 0 : i32
    %select_n3A_132 = arith.select %eq3A_129, %jit3A_130, %jit3A_131 : i32
    %add3A_133 = arith.addi %add3A_127, %select_n3A_132 : i32
    %eq3A_134 = arith.constant 0 : i32
    %eq3A_135 = arith.cmpi eq, %squeeze3A_65, %eq3A_134 : i32
    %jit3A_136 = arith.constant 1 : i32
    %jit3A_137 = arith.constant 0 : i32
    %select_n3A_138 = arith.select %eq3A_135, %jit3A_136, %jit3A_137 : i32
    %add3A_139 = arith.addi %add3A_133, %select_n3A_138 : i32
    %eq3A_140 = arith.constant 0 : i32
    %eq3A_141 = arith.cmpi eq, %squeeze3A_67, %eq3A_140 : i32
    %jit3A_142 = arith.constant 1 : i32
    %jit3A_143 = arith.constant 0 : i32
    %select_n3A_144 = arith.select %eq3A_141, %jit3A_142, %jit3A_143 : i32
    %add3A_145 = arith.addi %add3A_139, %select_n3A_144 : i32
    %eq3A_146 = arith.constant 0 : i32
    %eq3A_147 = arith.cmpi eq, %squeeze3A_69, %eq3A_146 : i32
    %jit3A_148 = arith.constant 1 : i32
    %jit3A_149 = arith.constant 0 : i32
    %select_n3A_150 = arith.select %eq3A_147, %jit3A_148, %jit3A_149 : i32
    %add3A_151 = arith.addi %add3A_145, %select_n3A_150 : i32
    %eq3A_152 = arith.constant 0 : i32
    %eq3A_153 = arith.cmpi eq, %squeeze3A_71, %eq3A_152 : i32
    %jit3A_154 = arith.constant 1 : i32
    %jit3A_155 = arith.constant 0 : i32
    %select_n3A_156 = arith.select %eq3A_153, %jit3A_154, %jit3A_155 : i32
    %add3A_157 = arith.addi %add3A_151, %select_n3A_156 : i32
    %eq3A_158 = arith.constant 0 : i32
    %eq3A_159 = arith.cmpi eq, %squeeze3A_73, %eq3A_158 : i32
    %jit3A_160 = arith.constant 1 : i32
    %jit3A_161 = arith.constant 0 : i32
    %select_n3A_162 = arith.select %eq3A_159, %jit3A_160, %jit3A_161 : i32
    %add3A_163 = arith.addi %add3A_157, %select_n3A_162 : i32
    %eq3A_164 = arith.constant 0 : i32
    %eq3A_165 = arith.cmpi eq, %squeeze3A_75, %eq3A_164 : i32
    %jit3A_166 = arith.constant 1 : i32
    %jit3A_167 = arith.constant 0 : i32
    %select_n3A_168 = arith.select %eq3A_165, %jit3A_166, %jit3A_167 : i32
    %add3A_169 = arith.addi %add3A_163, %select_n3A_168 : i32
    %eq3A_170 = arith.constant 2 : i32
    %eq3A_171 = arith.cmpi eq, %add3A_169, %eq3A_170 : i32
    %jit3A_172 = arith.constant 5.000000e-01 : f32
    %jit3A_173 = arith.constant 1.000000e+00 : f32
    %select_n3A_174 = arith.select %eq3A_171, %jit3A_172, %jit3A_173 : f32
    %eq3A_175 = arith.constant 3 : i32
    %eq3A_176 = arith.cmpi eq, %add3A_169, %eq3A_175 : i32
    %jit3A_177 = arith.constant 0.333333343 : f32
    %select_n3A_178 = arith.select %eq3A_176, %jit3A_177, %select_n3A_174 : f32
    %eq3A_179 = arith.constant 4 : i32
    %eq3A_180 = arith.cmpi eq, %add3A_169, %eq3A_179 : i32
    %jit3A_181 = arith.constant 2.500000e-01 : f32
    %select_n3A_182 = arith.select %eq3A_180, %jit3A_181, %select_n3A_178 : f32
    %eq3A_183 = arith.constant 5 : i32
    %eq3A_184 = arith.cmpi eq, %add3A_169, %eq3A_183 : i32
    %jit3A_185 = arith.constant 2.000000e-01 : f32
    %select_n3A_186 = arith.select %eq3A_184, %jit3A_185, %select_n3A_182 : f32
    %eq3A_187 = arith.constant 6 : i32
    %eq3A_188 = arith.cmpi eq, %add3A_169, %eq3A_187 : i32
    %jit3A_189 = arith.constant 0.166666672 : f32
    %select_n3A_190 = arith.select %eq3A_188, %jit3A_189, %select_n3A_186 : f32
    %eq3A_191 = arith.constant 7 : i32
    %eq3A_192 = arith.cmpi eq, %add3A_169, %eq3A_191 : i32
    %jit3A_193 = arith.constant 0.142857149 : f32
    %select_n3A_194 = arith.select %eq3A_192, %jit3A_193, %select_n3A_190 : f32
    %eq3A_195 = arith.constant 8 : i32
    %eq3A_196 = arith.cmpi eq, %add3A_169, %eq3A_195 : i32
    %jit3A_197 = arith.constant 1.250000e-01 : f32
    %select_n3A_198 = arith.select %eq3A_196, %jit3A_197, %select_n3A_194 : f32
    %eq3A_199 = arith.constant 9 : i32
    %eq3A_200 = arith.cmpi eq, %add3A_169, %eq3A_199 : i32
    %jit3A_201 = arith.constant 0.111111112 : f32
    %select_n3A_202 = arith.select %eq3A_200, %jit3A_201, %select_n3A_198 : f32
    %eq3A_203 = arith.constant 10 : i32
    %eq3A_204 = arith.cmpi eq, %add3A_169, %eq3A_203 : i32
    %jit3A_205 = arith.constant 1.000000e-01 : f32
    %select_n3A_206 = arith.select %eq3A_204, %jit3A_205, %select_n3A_202 : f32
    %eq3A_207 = arith.constant 11 : i32
    %eq3A_208 = arith.cmpi eq, %add3A_169, %eq3A_207 : i32
    %jit3A_209 = arith.constant 0.0909090936 : f32
    %select_n3A_210 = arith.select %eq3A_208, %jit3A_209, %select_n3A_206 : f32
    %eq3A_211 = arith.constant 12 : i32
    %eq3A_212 = arith.cmpi eq, %add3A_169, %eq3A_211 : i32
    %jit3A_213 = arith.constant 0.0833333358 : f32
    %select_n3A_214 = arith.select %eq3A_212, %jit3A_213, %select_n3A_210 : f32
    %eq3A_215 = arith.constant 13 : i32
    %eq3A_216 = arith.cmpi eq, %add3A_169, %eq3A_215 : i32
    %jit3A_217 = arith.constant 0.0769230798 : f32
    %select_n3A_218 = arith.select %eq3A_216, %jit3A_217, %select_n3A_214 : f32
    %eq3A_219 = arith.constant 14 : i32
    %eq3A_220 = arith.cmpi eq, %add3A_169, %eq3A_219 : i32
    %jit3A_221 = arith.constant 0.0714285746 : f32
    %select_n3A_222 = arith.select %eq3A_220, %jit3A_221, %select_n3A_218 : f32
    %eq3A_223 = arith.constant 15 : i32
    %eq3A_224 = arith.cmpi eq, %add3A_169, %eq3A_223 : i32
    %jit3A_225 = arith.constant 0.0666666701 : f32
    %select_n3A_226 = arith.select %eq3A_224, %jit3A_225, %select_n3A_222 : f32
    %eq3A_227 = arith.constant 16 : i32
    %eq3A_228 = arith.cmpi eq, %add3A_169, %eq3A_227 : i32
    %jit3A_229 = arith.constant 6.250000e-02 : f32
    %select_n3A_230 = arith.select %eq3A_228, %jit3A_229, %select_n3A_226 : f32
    %eq3A_231 = arith.constant 1 : i32
    %eq3A_232 = arith.cmpi eq, %squeeze3A, %eq3A_231 : i32
    %jit3A_233 = arith.constant 1 : i32
    %jit3A_234 = arith.constant 0 : i32
    %select_n3A_235 = arith.select %eq3A_232, %jit3A_233, %jit3A_234 : i32
    %add3A_236 = arith.constant 0 : i32
    %add3A_237 = arith.addi %add3A_236, %select_n3A_235 : i32
    %eq3A_238 = arith.constant 1 : i32
    %eq3A_239 = arith.cmpi eq, %squeeze3A_47, %eq3A_238 : i32
    %jit3A_240 = arith.constant 1 : i32
    %jit3A_241 = arith.constant 0 : i32
    %select_n3A_242 = arith.select %eq3A_239, %jit3A_240, %jit3A_241 : i32
    %add3A_243 = arith.addi %add3A_237, %select_n3A_242 : i32
    %eq3A_244 = arith.constant 1 : i32
    %eq3A_245 = arith.cmpi eq, %squeeze3A_49, %eq3A_244 : i32
    %jit3A_246 = arith.constant 1 : i32
    %jit3A_247 = arith.constant 0 : i32
    %select_n3A_248 = arith.select %eq3A_245, %jit3A_246, %jit3A_247 : i32
    %add3A_249 = arith.addi %add3A_243, %select_n3A_248 : i32
    %eq3A_250 = arith.constant 1 : i32
    %eq3A_251 = arith.cmpi eq, %squeeze3A_51, %eq3A_250 : i32
    %jit3A_252 = arith.constant 1 : i32
    %jit3A_253 = arith.constant 0 : i32
    %select_n3A_254 = arith.select %eq3A_251, %jit3A_252, %jit3A_253 : i32
    %add3A_255 = arith.addi %add3A_249, %select_n3A_254 : i32
    %eq3A_256 = arith.constant 1 : i32
    %eq3A_257 = arith.cmpi eq, %squeeze3A_53, %eq3A_256 : i32
    %jit3A_258 = arith.constant 1 : i32
    %jit3A_259 = arith.constant 0 : i32
    %select_n3A_260 = arith.select %eq3A_257, %jit3A_258, %jit3A_259 : i32
    %add3A_261 = arith.addi %add3A_255, %select_n3A_260 : i32
    %eq3A_262 = arith.constant 1 : i32
    %eq3A_263 = arith.cmpi eq, %squeeze3A_55, %eq3A_262 : i32
    %jit3A_264 = arith.constant 1 : i32
    %jit3A_265 = arith.constant 0 : i32
    %select_n3A_266 = arith.select %eq3A_263, %jit3A_264, %jit3A_265 : i32
    %add3A_267 = arith.addi %add3A_261, %select_n3A_266 : i32
    %eq3A_268 = arith.constant 1 : i32
    %eq3A_269 = arith.cmpi eq, %squeeze3A_57, %eq3A_268 : i32
    %jit3A_270 = arith.constant 1 : i32
    %jit3A_271 = arith.constant 0 : i32
    %select_n3A_272 = arith.select %eq3A_269, %jit3A_270, %jit3A_271 : i32
    %add3A_273 = arith.addi %add3A_267, %select_n3A_272 : i32
    %eq3A_274 = arith.constant 1 : i32
    %eq3A_275 = arith.cmpi eq, %squeeze3A_59, %eq3A_274 : i32
    %jit3A_276 = arith.constant 1 : i32
    %jit3A_277 = arith.constant 0 : i32
    %select_n3A_278 = arith.select %eq3A_275, %jit3A_276, %jit3A_277 : i32
    %add3A_279 = arith.addi %add3A_273, %select_n3A_278 : i32
    %eq3A_280 = arith.constant 1 : i32
    %eq3A_281 = arith.cmpi eq, %squeeze3A_61, %eq3A_280 : i32
    %jit3A_282 = arith.constant 1 : i32
    %jit3A_283 = arith.constant 0 : i32
    %select_n3A_284 = arith.select %eq3A_281, %jit3A_282, %jit3A_283 : i32
    %add3A_285 = arith.addi %add3A_279, %select_n3A_284 : i32
    %eq3A_286 = arith.constant 1 : i32
    %eq3A_287 = arith.cmpi eq, %squeeze3A_63, %eq3A_286 : i32
    %jit3A_288 = arith.constant 1 : i32
    %jit3A_289 = arith.constant 0 : i32
    %select_n3A_290 = arith.select %eq3A_287, %jit3A_288, %jit3A_289 : i32
    %add3A_291 = arith.addi %add3A_285, %select_n3A_290 : i32
    %eq3A_292 = arith.constant 1 : i32
    %eq3A_293 = arith.cmpi eq, %squeeze3A_65, %eq3A_292 : i32
    %jit3A_294 = arith.constant 1 : i32
    %jit3A_295 = arith.constant 0 : i32
    %select_n3A_296 = arith.select %eq3A_293, %jit3A_294, %jit3A_295 : i32
    %add3A_297 = arith.addi %add3A_291, %select_n3A_296 : i32
    %eq3A_298 = arith.constant 1 : i32
    %eq3A_299 = arith.cmpi eq, %squeeze3A_67, %eq3A_298 : i32
    %jit3A_300 = arith.constant 1 : i32
    %jit3A_301 = arith.constant 0 : i32
    %select_n3A_302 = arith.select %eq3A_299, %jit3A_300, %jit3A_301 : i32
    %add3A_303 = arith.addi %add3A_297, %select_n3A_302 : i32
    %eq3A_304 = arith.constant 1 : i32
    %eq3A_305 = arith.cmpi eq, %squeeze3A_69, %eq3A_304 : i32
    %jit3A_306 = arith.constant 1 : i32
    %jit3A_307 = arith.constant 0 : i32
    %select_n3A_308 = arith.select %eq3A_305, %jit3A_306, %jit3A_307 : i32
    %add3A_309 = arith.addi %add3A_303, %select_n3A_308 : i32
    %eq3A_310 = arith.constant 1 : i32
    %eq3A_311 = arith.cmpi eq, %squeeze3A_71, %eq3A_310 : i32
    %jit3A_312 = arith.constant 1 : i32
    %jit3A_313 = arith.constant 0 : i32
    %select_n3A_314 = arith.select %eq3A_311, %jit3A_312, %jit3A_313 : i32
    %add3A_315 = arith.addi %add3A_309, %select_n3A_314 : i32
    %eq3A_316 = arith.constant 1 : i32
    %eq3A_317 = arith.cmpi eq, %squeeze3A_73, %eq3A_316 : i32
    %jit3A_318 = arith.constant 1 : i32
    %jit3A_319 = arith.constant 0 : i32
    %select_n3A_320 = arith.select %eq3A_317, %jit3A_318, %jit3A_319 : i32
    %add3A_321 = arith.addi %add3A_315, %select_n3A_320 : i32
    %eq3A_322 = arith.constant 1 : i32
    %eq3A_323 = arith.cmpi eq, %squeeze3A_75, %eq3A_322 : i32
    %jit3A_324 = arith.constant 1 : i32
    %jit3A_325 = arith.constant 0 : i32
    %select_n3A_326 = arith.select %eq3A_323, %jit3A_324, %jit3A_325 : i32
    %add3A_327 = arith.addi %add3A_321, %select_n3A_326 : i32
    %eq3A_328 = arith.constant 2 : i32
    %eq3A_329 = arith.cmpi eq, %add3A_327, %eq3A_328 : i32
    %jit3A_330 = arith.constant 5.000000e-01 : f32
    %jit3A_331 = arith.constant 1.000000e+00 : f32
    %select_n3A_332 = arith.select %eq3A_329, %jit3A_330, %jit3A_331 : f32
    %eq3A_333 = arith.constant 3 : i32
    %eq3A_334 = arith.cmpi eq, %add3A_327, %eq3A_333 : i32
    %jit3A_335 = arith.constant 0.333333343 : f32
    %select_n3A_336 = arith.select %eq3A_334, %jit3A_335, %select_n3A_332 : f32
    %eq3A_337 = arith.constant 4 : i32
    %eq3A_338 = arith.cmpi eq, %add3A_327, %eq3A_337 : i32
    %jit3A_339 = arith.constant 2.500000e-01 : f32
    %select_n3A_340 = arith.select %eq3A_338, %jit3A_339, %select_n3A_336 : f32
    %eq3A_341 = arith.constant 5 : i32
    %eq3A_342 = arith.cmpi eq, %add3A_327, %eq3A_341 : i32
    %jit3A_343 = arith.constant 2.000000e-01 : f32
    %select_n3A_344 = arith.select %eq3A_342, %jit3A_343, %select_n3A_340 : f32
    %eq3A_345 = arith.constant 6 : i32
    %eq3A_346 = arith.cmpi eq, %add3A_327, %eq3A_345 : i32
    %jit3A_347 = arith.constant 0.166666672 : f32
    %select_n3A_348 = arith.select %eq3A_346, %jit3A_347, %select_n3A_344 : f32
    %eq3A_349 = arith.constant 7 : i32
    %eq3A_350 = arith.cmpi eq, %add3A_327, %eq3A_349 : i32
    %jit3A_351 = arith.constant 0.142857149 : f32
    %select_n3A_352 = arith.select %eq3A_350, %jit3A_351, %select_n3A_348 : f32
    %eq3A_353 = arith.constant 8 : i32
    %eq3A_354 = arith.cmpi eq, %add3A_327, %eq3A_353 : i32
    %jit3A_355 = arith.constant 1.250000e-01 : f32
    %select_n3A_356 = arith.select %eq3A_354, %jit3A_355, %select_n3A_352 : f32
    %eq3A_357 = arith.constant 9 : i32
    %eq3A_358 = arith.cmpi eq, %add3A_327, %eq3A_357 : i32
    %jit3A_359 = arith.constant 0.111111112 : f32
    %select_n3A_360 = arith.select %eq3A_358, %jit3A_359, %select_n3A_356 : f32
    %eq3A_361 = arith.constant 10 : i32
    %eq3A_362 = arith.cmpi eq, %add3A_327, %eq3A_361 : i32
    %jit3A_363 = arith.constant 1.000000e-01 : f32
    %select_n3A_364 = arith.select %eq3A_362, %jit3A_363, %select_n3A_360 : f32
    %eq3A_365 = arith.constant 11 : i32
    %eq3A_366 = arith.cmpi eq, %add3A_327, %eq3A_365 : i32
    %jit3A_367 = arith.constant 0.0909090936 : f32
    %select_n3A_368 = arith.select %eq3A_366, %jit3A_367, %select_n3A_364 : f32
    %eq3A_369 = arith.constant 12 : i32
    %eq3A_370 = arith.cmpi eq, %add3A_327, %eq3A_369 : i32
    %jit3A_371 = arith.constant 0.0833333358 : f32
    %select_n3A_372 = arith.select %eq3A_370, %jit3A_371, %select_n3A_368 : f32
    %eq3A_373 = arith.constant 13 : i32
    %eq3A_374 = arith.cmpi eq, %add3A_327, %eq3A_373 : i32
    %jit3A_375 = arith.constant 0.0769230798 : f32
    %select_n3A_376 = arith.select %eq3A_374, %jit3A_375, %select_n3A_372 : f32
    %eq3A_377 = arith.constant 14 : i32
    %eq3A_378 = arith.cmpi eq, %add3A_327, %eq3A_377 : i32
    %jit3A_379 = arith.constant 0.0714285746 : f32
    %select_n3A_380 = arith.select %eq3A_378, %jit3A_379, %select_n3A_376 : f32
    %eq3A_381 = arith.constant 15 : i32
    %eq3A_382 = arith.cmpi eq, %add3A_327, %eq3A_381 : i32
    %jit3A_383 = arith.constant 0.0666666701 : f32
    %select_n3A_384 = arith.select %eq3A_382, %jit3A_383, %select_n3A_380 : f32
    %eq3A_385 = arith.constant 16 : i32
    %eq3A_386 = arith.cmpi eq, %add3A_327, %eq3A_385 : i32
    %jit3A_387 = arith.constant 6.250000e-02 : f32
    %select_n3A_388 = arith.select %eq3A_386, %jit3A_387, %select_n3A_384 : f32
    %eq3A_389 = arith.constant 2 : i32
    %eq3A_390 = arith.cmpi eq, %squeeze3A, %eq3A_389 : i32
    %jit3A_391 = arith.constant 1 : i32
    %jit3A_392 = arith.constant 0 : i32
    %select_n3A_393 = arith.select %eq3A_390, %jit3A_391, %jit3A_392 : i32
    %add3A_394 = arith.constant 0 : i32
    %add3A_395 = arith.addi %add3A_394, %select_n3A_393 : i32
    %eq3A_396 = arith.constant 2 : i32
    %eq3A_397 = arith.cmpi eq, %squeeze3A_47, %eq3A_396 : i32
    %jit3A_398 = arith.constant 1 : i32
    %jit3A_399 = arith.constant 0 : i32
    %select_n3A_400 = arith.select %eq3A_397, %jit3A_398, %jit3A_399 : i32
    %add3A_401 = arith.addi %add3A_395, %select_n3A_400 : i32
    %eq3A_402 = arith.constant 2 : i32
    %eq3A_403 = arith.cmpi eq, %squeeze3A_49, %eq3A_402 : i32
    %jit3A_404 = arith.constant 1 : i32
    %jit3A_405 = arith.constant 0 : i32
    %select_n3A_406 = arith.select %eq3A_403, %jit3A_404, %jit3A_405 : i32
    %add3A_407 = arith.addi %add3A_401, %select_n3A_406 : i32
    %eq3A_408 = arith.constant 2 : i32
    %eq3A_409 = arith.cmpi eq, %squeeze3A_51, %eq3A_408 : i32
    %jit3A_410 = arith.constant 1 : i32
    %jit3A_411 = arith.constant 0 : i32
    %select_n3A_412 = arith.select %eq3A_409, %jit3A_410, %jit3A_411 : i32
    %add3A_413 = arith.addi %add3A_407, %select_n3A_412 : i32
    %eq3A_414 = arith.constant 2 : i32
    %eq3A_415 = arith.cmpi eq, %squeeze3A_53, %eq3A_414 : i32
    %jit3A_416 = arith.constant 1 : i32
    %jit3A_417 = arith.constant 0 : i32
    %select_n3A_418 = arith.select %eq3A_415, %jit3A_416, %jit3A_417 : i32
    %add3A_419 = arith.addi %add3A_413, %select_n3A_418 : i32
    %eq3A_420 = arith.constant 2 : i32
    %eq3A_421 = arith.cmpi eq, %squeeze3A_55, %eq3A_420 : i32
    %jit3A_422 = arith.constant 1 : i32
    %jit3A_423 = arith.constant 0 : i32
    %select_n3A_424 = arith.select %eq3A_421, %jit3A_422, %jit3A_423 : i32
    %add3A_425 = arith.addi %add3A_419, %select_n3A_424 : i32
    %eq3A_426 = arith.constant 2 : i32
    %eq3A_427 = arith.cmpi eq, %squeeze3A_57, %eq3A_426 : i32
    %jit3A_428 = arith.constant 1 : i32
    %jit3A_429 = arith.constant 0 : i32
    %select_n3A_430 = arith.select %eq3A_427, %jit3A_428, %jit3A_429 : i32
    %add3A_431 = arith.addi %add3A_425, %select_n3A_430 : i32
    %eq3A_432 = arith.constant 2 : i32
    %eq3A_433 = arith.cmpi eq, %squeeze3A_59, %eq3A_432 : i32
    %jit3A_434 = arith.constant 1 : i32
    %jit3A_435 = arith.constant 0 : i32
    %select_n3A_436 = arith.select %eq3A_433, %jit3A_434, %jit3A_435 : i32
    %add3A_437 = arith.addi %add3A_431, %select_n3A_436 : i32
    %eq3A_438 = arith.constant 2 : i32
    %eq3A_439 = arith.cmpi eq, %squeeze3A_61, %eq3A_438 : i32
    %jit3A_440 = arith.constant 1 : i32
    %jit3A_441 = arith.constant 0 : i32
    %select_n3A_442 = arith.select %eq3A_439, %jit3A_440, %jit3A_441 : i32
    %add3A_443 = arith.addi %add3A_437, %select_n3A_442 : i32
    %eq3A_444 = arith.constant 2 : i32
    %eq3A_445 = arith.cmpi eq, %squeeze3A_63, %eq3A_444 : i32
    %jit3A_446 = arith.constant 1 : i32
    %jit3A_447 = arith.constant 0 : i32
    %select_n3A_448 = arith.select %eq3A_445, %jit3A_446, %jit3A_447 : i32
    %add3A_449 = arith.addi %add3A_443, %select_n3A_448 : i32
    %eq3A_450 = arith.constant 2 : i32
    %eq3A_451 = arith.cmpi eq, %squeeze3A_65, %eq3A_450 : i32
    %jit3A_452 = arith.constant 1 : i32
    %jit3A_453 = arith.constant 0 : i32
    %select_n3A_454 = arith.select %eq3A_451, %jit3A_452, %jit3A_453 : i32
    %add3A_455 = arith.addi %add3A_449, %select_n3A_454 : i32
    %eq3A_456 = arith.constant 2 : i32
    %eq3A_457 = arith.cmpi eq, %squeeze3A_67, %eq3A_456 : i32
    %jit3A_458 = arith.constant 1 : i32
    %jit3A_459 = arith.constant 0 : i32
    %select_n3A_460 = arith.select %eq3A_457, %jit3A_458, %jit3A_459 : i32
    %add3A_461 = arith.addi %add3A_455, %select_n3A_460 : i32
    %eq3A_462 = arith.constant 2 : i32
    %eq3A_463 = arith.cmpi eq, %squeeze3A_69, %eq3A_462 : i32
    %jit3A_464 = arith.constant 1 : i32
    %jit3A_465 = arith.constant 0 : i32
    %select_n3A_466 = arith.select %eq3A_463, %jit3A_464, %jit3A_465 : i32
    %add3A_467 = arith.addi %add3A_461, %select_n3A_466 : i32
    %eq3A_468 = arith.constant 2 : i32
    %eq3A_469 = arith.cmpi eq, %squeeze3A_71, %eq3A_468 : i32
    %jit3A_470 = arith.constant 1 : i32
    %jit3A_471 = arith.constant 0 : i32
    %select_n3A_472 = arith.select %eq3A_469, %jit3A_470, %jit3A_471 : i32
    %add3A_473 = arith.addi %add3A_467, %select_n3A_472 : i32
    %eq3A_474 = arith.constant 2 : i32
    %eq3A_475 = arith.cmpi eq, %squeeze3A_73, %eq3A_474 : i32
    %jit3A_476 = arith.constant 1 : i32
    %jit3A_477 = arith.constant 0 : i32
    %select_n3A_478 = arith.select %eq3A_475, %jit3A_476, %jit3A_477 : i32
    %add3A_479 = arith.addi %add3A_473, %select_n3A_478 : i32
    %eq3A_480 = arith.constant 2 : i32
    %eq3A_481 = arith.cmpi eq, %squeeze3A_75, %eq3A_480 : i32
    %jit3A_482 = arith.constant 1 : i32
    %jit3A_483 = arith.constant 0 : i32
    %select_n3A_484 = arith.select %eq3A_481, %jit3A_482, %jit3A_483 : i32
    %add3A_485 = arith.addi %add3A_479, %select_n3A_484 : i32
    %eq3A_486 = arith.constant 2 : i32
    %eq3A_487 = arith.cmpi eq, %add3A_485, %eq3A_486 : i32
    %jit3A_488 = arith.constant 5.000000e-01 : f32
    %jit3A_489 = arith.constant 1.000000e+00 : f32
    %select_n3A_490 = arith.select %eq3A_487, %jit3A_488, %jit3A_489 : f32
    %eq3A_491 = arith.constant 3 : i32
    %eq3A_492 = arith.cmpi eq, %add3A_485, %eq3A_491 : i32
    %jit3A_493 = arith.constant 0.333333343 : f32
    %select_n3A_494 = arith.select %eq3A_492, %jit3A_493, %select_n3A_490 : f32
    %eq3A_495 = arith.constant 4 : i32
    %eq3A_496 = arith.cmpi eq, %add3A_485, %eq3A_495 : i32
    %jit3A_497 = arith.constant 2.500000e-01 : f32
    %select_n3A_498 = arith.select %eq3A_496, %jit3A_497, %select_n3A_494 : f32
    %eq3A_499 = arith.constant 5 : i32
    %eq3A_500 = arith.cmpi eq, %add3A_485, %eq3A_499 : i32
    %jit3A_501 = arith.constant 2.000000e-01 : f32
    %select_n3A_502 = arith.select %eq3A_500, %jit3A_501, %select_n3A_498 : f32
    %eq3A_503 = arith.constant 6 : i32
    %eq3A_504 = arith.cmpi eq, %add3A_485, %eq3A_503 : i32
    %jit3A_505 = arith.constant 0.166666672 : f32
    %select_n3A_506 = arith.select %eq3A_504, %jit3A_505, %select_n3A_502 : f32
    %eq3A_507 = arith.constant 7 : i32
    %eq3A_508 = arith.cmpi eq, %add3A_485, %eq3A_507 : i32
    %jit3A_509 = arith.constant 0.142857149 : f32
    %select_n3A_510 = arith.select %eq3A_508, %jit3A_509, %select_n3A_506 : f32
    %eq3A_511 = arith.constant 8 : i32
    %eq3A_512 = arith.cmpi eq, %add3A_485, %eq3A_511 : i32
    %jit3A_513 = arith.constant 1.250000e-01 : f32
    %select_n3A_514 = arith.select %eq3A_512, %jit3A_513, %select_n3A_510 : f32
    %eq3A_515 = arith.constant 9 : i32
    %eq3A_516 = arith.cmpi eq, %add3A_485, %eq3A_515 : i32
    %jit3A_517 = arith.constant 0.111111112 : f32
    %select_n3A_518 = arith.select %eq3A_516, %jit3A_517, %select_n3A_514 : f32
    %eq3A_519 = arith.constant 10 : i32
    %eq3A_520 = arith.cmpi eq, %add3A_485, %eq3A_519 : i32
    %jit3A_521 = arith.constant 1.000000e-01 : f32
    %select_n3A_522 = arith.select %eq3A_520, %jit3A_521, %select_n3A_518 : f32
    %eq3A_523 = arith.constant 11 : i32
    %eq3A_524 = arith.cmpi eq, %add3A_485, %eq3A_523 : i32
    %jit3A_525 = arith.constant 0.0909090936 : f32
    %select_n3A_526 = arith.select %eq3A_524, %jit3A_525, %select_n3A_522 : f32
    %eq3A_527 = arith.constant 12 : i32
    %eq3A_528 = arith.cmpi eq, %add3A_485, %eq3A_527 : i32
    %jit3A_529 = arith.constant 0.0833333358 : f32
    %select_n3A_530 = arith.select %eq3A_528, %jit3A_529, %select_n3A_526 : f32
    %eq3A_531 = arith.constant 13 : i32
    %eq3A_532 = arith.cmpi eq, %add3A_485, %eq3A_531 : i32
    %jit3A_533 = arith.constant 0.0769230798 : f32
    %select_n3A_534 = arith.select %eq3A_532, %jit3A_533, %select_n3A_530 : f32
    %eq3A_535 = arith.constant 14 : i32
    %eq3A_536 = arith.cmpi eq, %add3A_485, %eq3A_535 : i32
    %jit3A_537 = arith.constant 0.0714285746 : f32
    %select_n3A_538 = arith.select %eq3A_536, %jit3A_537, %select_n3A_534 : f32
    %eq3A_539 = arith.constant 15 : i32
    %eq3A_540 = arith.cmpi eq, %add3A_485, %eq3A_539 : i32
    %jit3A_541 = arith.constant 0.0666666701 : f32
    %select_n3A_542 = arith.select %eq3A_540, %jit3A_541, %select_n3A_538 : f32
    %eq3A_543 = arith.constant 16 : i32
    %eq3A_544 = arith.cmpi eq, %add3A_485, %eq3A_543 : i32
    %jit3A_545 = arith.constant 6.250000e-02 : f32
    %select_n3A_546 = arith.select %eq3A_544, %jit3A_545, %select_n3A_542 : f32
    %eq3A_547 = arith.constant 3 : i32
    %eq3A_548 = arith.cmpi eq, %squeeze3A, %eq3A_547 : i32
    %jit3A_549 = arith.constant 1 : i32
    %jit3A_550 = arith.constant 0 : i32
    %select_n3A_551 = arith.select %eq3A_548, %jit3A_549, %jit3A_550 : i32
    %add3A_552 = arith.constant 0 : i32
    %add3A_553 = arith.addi %add3A_552, %select_n3A_551 : i32
    %eq3A_554 = arith.constant 3 : i32
    %eq3A_555 = arith.cmpi eq, %squeeze3A_47, %eq3A_554 : i32
    %jit3A_556 = arith.constant 1 : i32
    %jit3A_557 = arith.constant 0 : i32
    %select_n3A_558 = arith.select %eq3A_555, %jit3A_556, %jit3A_557 : i32
    %add3A_559 = arith.addi %add3A_553, %select_n3A_558 : i32
    %eq3A_560 = arith.constant 3 : i32
    %eq3A_561 = arith.cmpi eq, %squeeze3A_49, %eq3A_560 : i32
    %jit3A_562 = arith.constant 1 : i32
    %jit3A_563 = arith.constant 0 : i32
    %select_n3A_564 = arith.select %eq3A_561, %jit3A_562, %jit3A_563 : i32
    %add3A_565 = arith.addi %add3A_559, %select_n3A_564 : i32
    %eq3A_566 = arith.constant 3 : i32
    %eq3A_567 = arith.cmpi eq, %squeeze3A_51, %eq3A_566 : i32
    %jit3A_568 = arith.constant 1 : i32
    %jit3A_569 = arith.constant 0 : i32
    %select_n3A_570 = arith.select %eq3A_567, %jit3A_568, %jit3A_569 : i32
    %add3A_571 = arith.addi %add3A_565, %select_n3A_570 : i32
    %eq3A_572 = arith.constant 3 : i32
    %eq3A_573 = arith.cmpi eq, %squeeze3A_53, %eq3A_572 : i32
    %jit3A_574 = arith.constant 1 : i32
    %jit3A_575 = arith.constant 0 : i32
    %select_n3A_576 = arith.select %eq3A_573, %jit3A_574, %jit3A_575 : i32
    %add3A_577 = arith.addi %add3A_571, %select_n3A_576 : i32
    %eq3A_578 = arith.constant 3 : i32
    %eq3A_579 = arith.cmpi eq, %squeeze3A_55, %eq3A_578 : i32
    %jit3A_580 = arith.constant 1 : i32
    %jit3A_581 = arith.constant 0 : i32
    %select_n3A_582 = arith.select %eq3A_579, %jit3A_580, %jit3A_581 : i32
    %add3A_583 = arith.addi %add3A_577, %select_n3A_582 : i32
    %eq3A_584 = arith.constant 3 : i32
    %eq3A_585 = arith.cmpi eq, %squeeze3A_57, %eq3A_584 : i32
    %jit3A_586 = arith.constant 1 : i32
    %jit3A_587 = arith.constant 0 : i32
    %select_n3A_588 = arith.select %eq3A_585, %jit3A_586, %jit3A_587 : i32
    %add3A_589 = arith.addi %add3A_583, %select_n3A_588 : i32
    %eq3A_590 = arith.constant 3 : i32
    %eq3A_591 = arith.cmpi eq, %squeeze3A_59, %eq3A_590 : i32
    %jit3A_592 = arith.constant 1 : i32
    %jit3A_593 = arith.constant 0 : i32
    %select_n3A_594 = arith.select %eq3A_591, %jit3A_592, %jit3A_593 : i32
    %add3A_595 = arith.addi %add3A_589, %select_n3A_594 : i32
    %eq3A_596 = arith.constant 3 : i32
    %eq3A_597 = arith.cmpi eq, %squeeze3A_61, %eq3A_596 : i32
    %jit3A_598 = arith.constant 1 : i32
    %jit3A_599 = arith.constant 0 : i32
    %select_n3A_600 = arith.select %eq3A_597, %jit3A_598, %jit3A_599 : i32
    %add3A_601 = arith.addi %add3A_595, %select_n3A_600 : i32
    %eq3A_602 = arith.constant 3 : i32
    %eq3A_603 = arith.cmpi eq, %squeeze3A_63, %eq3A_602 : i32
    %jit3A_604 = arith.constant 1 : i32
    %jit3A_605 = arith.constant 0 : i32
    %select_n3A_606 = arith.select %eq3A_603, %jit3A_604, %jit3A_605 : i32
    %add3A_607 = arith.addi %add3A_601, %select_n3A_606 : i32
    %eq3A_608 = arith.constant 3 : i32
    %eq3A_609 = arith.cmpi eq, %squeeze3A_65, %eq3A_608 : i32
    %jit3A_610 = arith.constant 1 : i32
    %jit3A_611 = arith.constant 0 : i32
    %select_n3A_612 = arith.select %eq3A_609, %jit3A_610, %jit3A_611 : i32
    %add3A_613 = arith.addi %add3A_607, %select_n3A_612 : i32
    %eq3A_614 = arith.constant 3 : i32
    %eq3A_615 = arith.cmpi eq, %squeeze3A_67, %eq3A_614 : i32
    %jit3A_616 = arith.constant 1 : i32
    %jit3A_617 = arith.constant 0 : i32
    %select_n3A_618 = arith.select %eq3A_615, %jit3A_616, %jit3A_617 : i32
    %add3A_619 = arith.addi %add3A_613, %select_n3A_618 : i32
    %eq3A_620 = arith.constant 3 : i32
    %eq3A_621 = arith.cmpi eq, %squeeze3A_69, %eq3A_620 : i32
    %jit3A_622 = arith.constant 1 : i32
    %jit3A_623 = arith.constant 0 : i32
    %select_n3A_624 = arith.select %eq3A_621, %jit3A_622, %jit3A_623 : i32
    %add3A_625 = arith.addi %add3A_619, %select_n3A_624 : i32
    %eq3A_626 = arith.constant 3 : i32
    %eq3A_627 = arith.cmpi eq, %squeeze3A_71, %eq3A_626 : i32
    %jit3A_628 = arith.constant 1 : i32
    %jit3A_629 = arith.constant 0 : i32
    %select_n3A_630 = arith.select %eq3A_627, %jit3A_628, %jit3A_629 : i32
    %add3A_631 = arith.addi %add3A_625, %select_n3A_630 : i32
    %eq3A_632 = arith.constant 3 : i32
    %eq3A_633 = arith.cmpi eq, %squeeze3A_73, %eq3A_632 : i32
    %jit3A_634 = arith.constant 1 : i32
    %jit3A_635 = arith.constant 0 : i32
    %select_n3A_636 = arith.select %eq3A_633, %jit3A_634, %jit3A_635 : i32
    %add3A_637 = arith.addi %add3A_631, %select_n3A_636 : i32
    %eq3A_638 = arith.constant 3 : i32
    %eq3A_639 = arith.cmpi eq, %squeeze3A_75, %eq3A_638 : i32
    %jit3A_640 = arith.constant 1 : i32
    %jit3A_641 = arith.constant 0 : i32
    %select_n3A_642 = arith.select %eq3A_639, %jit3A_640, %jit3A_641 : i32
    %add3A_643 = arith.addi %add3A_637, %select_n3A_642 : i32
    %eq3A_644 = arith.constant 2 : i32
    %eq3A_645 = arith.cmpi eq, %add3A_643, %eq3A_644 : i32
    %jit3A_646 = arith.constant 5.000000e-01 : f32
    %jit3A_647 = arith.constant 1.000000e+00 : f32
    %select_n3A_648 = arith.select %eq3A_645, %jit3A_646, %jit3A_647 : f32
    %eq3A_649 = arith.constant 3 : i32
    %eq3A_650 = arith.cmpi eq, %add3A_643, %eq3A_649 : i32
    %jit3A_651 = arith.constant 0.333333343 : f32
    %select_n3A_652 = arith.select %eq3A_650, %jit3A_651, %select_n3A_648 : f32
    %eq3A_653 = arith.constant 4 : i32
    %eq3A_654 = arith.cmpi eq, %add3A_643, %eq3A_653 : i32
    %jit3A_655 = arith.constant 2.500000e-01 : f32
    %select_n3A_656 = arith.select %eq3A_654, %jit3A_655, %select_n3A_652 : f32
    %eq3A_657 = arith.constant 5 : i32
    %eq3A_658 = arith.cmpi eq, %add3A_643, %eq3A_657 : i32
    %jit3A_659 = arith.constant 2.000000e-01 : f32
    %select_n3A_660 = arith.select %eq3A_658, %jit3A_659, %select_n3A_656 : f32
    %eq3A_661 = arith.constant 6 : i32
    %eq3A_662 = arith.cmpi eq, %add3A_643, %eq3A_661 : i32
    %jit3A_663 = arith.constant 0.166666672 : f32
    %select_n3A_664 = arith.select %eq3A_662, %jit3A_663, %select_n3A_660 : f32
    %eq3A_665 = arith.constant 7 : i32
    %eq3A_666 = arith.cmpi eq, %add3A_643, %eq3A_665 : i32
    %jit3A_667 = arith.constant 0.142857149 : f32
    %select_n3A_668 = arith.select %eq3A_666, %jit3A_667, %select_n3A_664 : f32
    %eq3A_669 = arith.constant 8 : i32
    %eq3A_670 = arith.cmpi eq, %add3A_643, %eq3A_669 : i32
    %jit3A_671 = arith.constant 1.250000e-01 : f32
    %select_n3A_672 = arith.select %eq3A_670, %jit3A_671, %select_n3A_668 : f32
    %eq3A_673 = arith.constant 9 : i32
    %eq3A_674 = arith.cmpi eq, %add3A_643, %eq3A_673 : i32
    %jit3A_675 = arith.constant 0.111111112 : f32
    %select_n3A_676 = arith.select %eq3A_674, %jit3A_675, %select_n3A_672 : f32
    %eq3A_677 = arith.constant 10 : i32
    %eq3A_678 = arith.cmpi eq, %add3A_643, %eq3A_677 : i32
    %jit3A_679 = arith.constant 1.000000e-01 : f32
    %select_n3A_680 = arith.select %eq3A_678, %jit3A_679, %select_n3A_676 : f32
    %eq3A_681 = arith.constant 11 : i32
    %eq3A_682 = arith.cmpi eq, %add3A_643, %eq3A_681 : i32
    %jit3A_683 = arith.constant 0.0909090936 : f32
    %select_n3A_684 = arith.select %eq3A_682, %jit3A_683, %select_n3A_680 : f32
    %eq3A_685 = arith.constant 12 : i32
    %eq3A_686 = arith.cmpi eq, %add3A_643, %eq3A_685 : i32
    %jit3A_687 = arith.constant 0.0833333358 : f32
    %select_n3A_688 = arith.select %eq3A_686, %jit3A_687, %select_n3A_684 : f32
    %eq3A_689 = arith.constant 13 : i32
    %eq3A_690 = arith.cmpi eq, %add3A_643, %eq3A_689 : i32
    %jit3A_691 = arith.constant 0.0769230798 : f32
    %select_n3A_692 = arith.select %eq3A_690, %jit3A_691, %select_n3A_688 : f32
    %eq3A_693 = arith.constant 14 : i32
    %eq3A_694 = arith.cmpi eq, %add3A_643, %eq3A_693 : i32
    %jit3A_695 = arith.constant 0.0714285746 : f32
    %select_n3A_696 = arith.select %eq3A_694, %jit3A_695, %select_n3A_692 : f32
    %eq3A_697 = arith.constant 15 : i32
    %eq3A_698 = arith.cmpi eq, %add3A_643, %eq3A_697 : i32
    %jit3A_699 = arith.constant 0.0666666701 : f32
    %select_n3A_700 = arith.select %eq3A_698, %jit3A_699, %select_n3A_696 : f32
    %eq3A_701 = arith.constant 16 : i32
    %eq3A_702 = arith.cmpi eq, %add3A_643, %eq3A_701 : i32
    %jit3A_703 = arith.constant 6.250000e-02 : f32
    %select_n3A_704 = arith.select %eq3A_702, %jit3A_703, %select_n3A_700 : f32
    %eq3A_705 = arith.constant 1 : i32
    %eq3A_706 = arith.cmpi eq, %squeeze3A, %eq3A_705 : i32
    %select_n3A_707 = arith.select %eq3A_706, %select_n3A_388, %select_n3A_230 : f32
    %eq3A_708 = arith.constant 2 : i32
    %eq3A_709 = arith.cmpi eq, %squeeze3A, %eq3A_708 : i32
    %select_n3A_710 = arith.select %eq3A_709, %select_n3A_546, %select_n3A_707 : f32
    %eq3A_711 = arith.constant 3 : i32
    %eq3A_712 = arith.cmpi eq, %squeeze3A, %eq3A_711 : i32
    %select_n3A_713 = arith.select %eq3A_712, %select_n3A_704, %select_n3A_710 : f32
    %eq3A_714 = arith.constant 1 : i32
    %eq3A_715 = arith.cmpi eq, %squeeze3A_47, %eq3A_714 : i32
    %select_n3A_716 = arith.select %eq3A_715, %select_n3A_388, %select_n3A_230 : f32
    %eq3A_717 = arith.constant 2 : i32
    %eq3A_718 = arith.cmpi eq, %squeeze3A_47, %eq3A_717 : i32
    %select_n3A_719 = arith.select %eq3A_718, %select_n3A_546, %select_n3A_716 : f32
    %eq3A_720 = arith.constant 3 : i32
    %eq3A_721 = arith.cmpi eq, %squeeze3A_47, %eq3A_720 : i32
    %select_n3A_722 = arith.select %eq3A_721, %select_n3A_704, %select_n3A_719 : f32
    %eq3A_723 = arith.constant 1 : i32
    %eq3A_724 = arith.cmpi eq, %squeeze3A_49, %eq3A_723 : i32
    %select_n3A_725 = arith.select %eq3A_724, %select_n3A_388, %select_n3A_230 : f32
    %eq3A_726 = arith.constant 2 : i32
    %eq3A_727 = arith.cmpi eq, %squeeze3A_49, %eq3A_726 : i32
    %select_n3A_728 = arith.select %eq3A_727, %select_n3A_546, %select_n3A_725 : f32
    %eq3A_729 = arith.constant 3 : i32
    %eq3A_730 = arith.cmpi eq, %squeeze3A_49, %eq3A_729 : i32
    %select_n3A_731 = arith.select %eq3A_730, %select_n3A_704, %select_n3A_728 : f32
    %eq3A_732 = arith.constant 1 : i32
    %eq3A_733 = arith.cmpi eq, %squeeze3A_51, %eq3A_732 : i32
    %select_n3A_734 = arith.select %eq3A_733, %select_n3A_388, %select_n3A_230 : f32
    %eq3A_735 = arith.constant 2 : i32
    %eq3A_736 = arith.cmpi eq, %squeeze3A_51, %eq3A_735 : i32
    %select_n3A_737 = arith.select %eq3A_736, %select_n3A_546, %select_n3A_734 : f32
    %eq3A_738 = arith.constant 3 : i32
    %eq3A_739 = arith.cmpi eq, %squeeze3A_51, %eq3A_738 : i32
    %select_n3A_740 = arith.select %eq3A_739, %select_n3A_704, %select_n3A_737 : f32
    %eq3A_741 = arith.constant 1 : i32
    %eq3A_742 = arith.cmpi eq, %squeeze3A_53, %eq3A_741 : i32
    %select_n3A_743 = arith.select %eq3A_742, %select_n3A_388, %select_n3A_230 : f32
    %eq3A_744 = arith.constant 2 : i32
    %eq3A_745 = arith.cmpi eq, %squeeze3A_53, %eq3A_744 : i32
    %select_n3A_746 = arith.select %eq3A_745, %select_n3A_546, %select_n3A_743 : f32
    %eq3A_747 = arith.constant 3 : i32
    %eq3A_748 = arith.cmpi eq, %squeeze3A_53, %eq3A_747 : i32
    %select_n3A_749 = arith.select %eq3A_748, %select_n3A_704, %select_n3A_746 : f32
    %eq3A_750 = arith.constant 1 : i32
    %eq3A_751 = arith.cmpi eq, %squeeze3A_55, %eq3A_750 : i32
    %select_n3A_752 = arith.select %eq3A_751, %select_n3A_388, %select_n3A_230 : f32
    %eq3A_753 = arith.constant 2 : i32
    %eq3A_754 = arith.cmpi eq, %squeeze3A_55, %eq3A_753 : i32
    %select_n3A_755 = arith.select %eq3A_754, %select_n3A_546, %select_n3A_752 : f32
    %eq3A_756 = arith.constant 3 : i32
    %eq3A_757 = arith.cmpi eq, %squeeze3A_55, %eq3A_756 : i32
    %select_n3A_758 = arith.select %eq3A_757, %select_n3A_704, %select_n3A_755 : f32
    %eq3A_759 = arith.constant 1 : i32
    %eq3A_760 = arith.cmpi eq, %squeeze3A_57, %eq3A_759 : i32
    %select_n3A_761 = arith.select %eq3A_760, %select_n3A_388, %select_n3A_230 : f32
    %eq3A_762 = arith.constant 2 : i32
    %eq3A_763 = arith.cmpi eq, %squeeze3A_57, %eq3A_762 : i32
    %select_n3A_764 = arith.select %eq3A_763, %select_n3A_546, %select_n3A_761 : f32
    %eq3A_765 = arith.constant 3 : i32
    %eq3A_766 = arith.cmpi eq, %squeeze3A_57, %eq3A_765 : i32
    %select_n3A_767 = arith.select %eq3A_766, %select_n3A_704, %select_n3A_764 : f32
    %eq3A_768 = arith.constant 1 : i32
    %eq3A_769 = arith.cmpi eq, %squeeze3A_59, %eq3A_768 : i32
    %select_n3A_770 = arith.select %eq3A_769, %select_n3A_388, %select_n3A_230 : f32
    %eq3A_771 = arith.constant 2 : i32
    %eq3A_772 = arith.cmpi eq, %squeeze3A_59, %eq3A_771 : i32
    %select_n3A_773 = arith.select %eq3A_772, %select_n3A_546, %select_n3A_770 : f32
    %eq3A_774 = arith.constant 3 : i32
    %eq3A_775 = arith.cmpi eq, %squeeze3A_59, %eq3A_774 : i32
    %select_n3A_776 = arith.select %eq3A_775, %select_n3A_704, %select_n3A_773 : f32
    %eq3A_777 = arith.constant 1 : i32
    %eq3A_778 = arith.cmpi eq, %squeeze3A_61, %eq3A_777 : i32
    %select_n3A_779 = arith.select %eq3A_778, %select_n3A_388, %select_n3A_230 : f32
    %eq3A_780 = arith.constant 2 : i32
    %eq3A_781 = arith.cmpi eq, %squeeze3A_61, %eq3A_780 : i32
    %select_n3A_782 = arith.select %eq3A_781, %select_n3A_546, %select_n3A_779 : f32
    %eq3A_783 = arith.constant 3 : i32
    %eq3A_784 = arith.cmpi eq, %squeeze3A_61, %eq3A_783 : i32
    %select_n3A_785 = arith.select %eq3A_784, %select_n3A_704, %select_n3A_782 : f32
    %eq3A_786 = arith.constant 1 : i32
    %eq3A_787 = arith.cmpi eq, %squeeze3A_63, %eq3A_786 : i32
    %select_n3A_788 = arith.select %eq3A_787, %select_n3A_388, %select_n3A_230 : f32
    %eq3A_789 = arith.constant 2 : i32
    %eq3A_790 = arith.cmpi eq, %squeeze3A_63, %eq3A_789 : i32
    %select_n3A_791 = arith.select %eq3A_790, %select_n3A_546, %select_n3A_788 : f32
    %eq3A_792 = arith.constant 3 : i32
    %eq3A_793 = arith.cmpi eq, %squeeze3A_63, %eq3A_792 : i32
    %select_n3A_794 = arith.select %eq3A_793, %select_n3A_704, %select_n3A_791 : f32
    %eq3A_795 = arith.constant 1 : i32
    %eq3A_796 = arith.cmpi eq, %squeeze3A_65, %eq3A_795 : i32
    %select_n3A_797 = arith.select %eq3A_796, %select_n3A_388, %select_n3A_230 : f32
    %eq3A_798 = arith.constant 2 : i32
    %eq3A_799 = arith.cmpi eq, %squeeze3A_65, %eq3A_798 : i32
    %select_n3A_800 = arith.select %eq3A_799, %select_n3A_546, %select_n3A_797 : f32
    %eq3A_801 = arith.constant 3 : i32
    %eq3A_802 = arith.cmpi eq, %squeeze3A_65, %eq3A_801 : i32
    %select_n3A_803 = arith.select %eq3A_802, %select_n3A_704, %select_n3A_800 : f32
    %eq3A_804 = arith.constant 1 : i32
    %eq3A_805 = arith.cmpi eq, %squeeze3A_67, %eq3A_804 : i32
    %select_n3A_806 = arith.select %eq3A_805, %select_n3A_388, %select_n3A_230 : f32
    %eq3A_807 = arith.constant 2 : i32
    %eq3A_808 = arith.cmpi eq, %squeeze3A_67, %eq3A_807 : i32
    %select_n3A_809 = arith.select %eq3A_808, %select_n3A_546, %select_n3A_806 : f32
    %eq3A_810 = arith.constant 3 : i32
    %eq3A_811 = arith.cmpi eq, %squeeze3A_67, %eq3A_810 : i32
    %select_n3A_812 = arith.select %eq3A_811, %select_n3A_704, %select_n3A_809 : f32
    %eq3A_813 = arith.constant 1 : i32
    %eq3A_814 = arith.cmpi eq, %squeeze3A_69, %eq3A_813 : i32
    %select_n3A_815 = arith.select %eq3A_814, %select_n3A_388, %select_n3A_230 : f32
    %eq3A_816 = arith.constant 2 : i32
    %eq3A_817 = arith.cmpi eq, %squeeze3A_69, %eq3A_816 : i32
    %select_n3A_818 = arith.select %eq3A_817, %select_n3A_546, %select_n3A_815 : f32
    %eq3A_819 = arith.constant 3 : i32
    %eq3A_820 = arith.cmpi eq, %squeeze3A_69, %eq3A_819 : i32
    %select_n3A_821 = arith.select %eq3A_820, %select_n3A_704, %select_n3A_818 : f32
    %eq3A_822 = arith.constant 1 : i32
    %eq3A_823 = arith.cmpi eq, %squeeze3A_71, %eq3A_822 : i32
    %select_n3A_824 = arith.select %eq3A_823, %select_n3A_388, %select_n3A_230 : f32
    %eq3A_825 = arith.constant 2 : i32
    %eq3A_826 = arith.cmpi eq, %squeeze3A_71, %eq3A_825 : i32
    %select_n3A_827 = arith.select %eq3A_826, %select_n3A_546, %select_n3A_824 : f32
    %eq3A_828 = arith.constant 3 : i32
    %eq3A_829 = arith.cmpi eq, %squeeze3A_71, %eq3A_828 : i32
    %select_n3A_830 = arith.select %eq3A_829, %select_n3A_704, %select_n3A_827 : f32
    %eq3A_831 = arith.constant 1 : i32
    %eq3A_832 = arith.cmpi eq, %squeeze3A_73, %eq3A_831 : i32
    %select_n3A_833 = arith.select %eq3A_832, %select_n3A_388, %select_n3A_230 : f32
    %eq3A_834 = arith.constant 2 : i32
    %eq3A_835 = arith.cmpi eq, %squeeze3A_73, %eq3A_834 : i32
    %select_n3A_836 = arith.select %eq3A_835, %select_n3A_546, %select_n3A_833 : f32
    %eq3A_837 = arith.constant 3 : i32
    %eq3A_838 = arith.cmpi eq, %squeeze3A_73, %eq3A_837 : i32
    %select_n3A_839 = arith.select %eq3A_838, %select_n3A_704, %select_n3A_836 : f32
    %eq3A_840 = arith.constant 1 : i32
    %eq3A_841 = arith.cmpi eq, %squeeze3A_75, %eq3A_840 : i32
    %select_n3A_842 = arith.select %eq3A_841, %select_n3A_388, %select_n3A_230 : f32
    %eq3A_843 = arith.constant 2 : i32
    %eq3A_844 = arith.cmpi eq, %squeeze3A_75, %eq3A_843 : i32
    %select_n3A_845 = arith.select %eq3A_844, %select_n3A_546, %select_n3A_842 : f32
    %eq3A_846 = arith.constant 3 : i32
    %eq3A_847 = arith.cmpi eq, %squeeze3A_75, %eq3A_846 : i32
    %select_n3A_848 = arith.select %eq3A_847, %select_n3A_704, %select_n3A_845 : f32
    %broadcast_in_dim3A = arith.constant 0.000000e+00 : f32
    %broadcast_in_dim3A_849 = vector.broadcast %broadcast_in_dim3A : f32 to vector<16xf32>
    %scan3A = arith.constant 0 : i32
    %scan3A_850 = arith.constant 0 : i32
    %scan3A_851 = arith.constant 16 : i32
    %scan3A_852 = arith.addi %scan3A_850, %scan3A_851 : i32
    %scan3A_853 = arith.constant 1 : i32
    %scan3A_854 = scf.for %scan3A_943 = %scan3A_850 to %scan3A_852 step %scan3A_853 iter_args(%scan3A_944 = %scan3A) -> (i32)  : i32 {
      %rem3A = arith.constant 3 : i32
      %rem3A_945 = arith.remsi %scan3A_943, %rem3A : i32
      %rem3A_946 = arith.constant 2 : i32
      %rem3A_947 = arith.remsi %scan3A_943, %rem3A_946 : i32
      %mul3A_948 = arith.constant 8 : i32
      %mul3A_949 = arith.muli %scan3A_943, %mul3A_948 : i32
      %add3A_950 = arith.addi %mul3A_2, %mul3A_949 : i32
      %dma_wait3A_951 = arith.constant 0 : i32
      %dma_wait3A_952 = arith.constant 0 : i32
      %dma_wait3A_953 = arith.constant 0 : i32
      %dma_wait3A_954 = tpu.memref_slice %arg5[%rem3A_945, %dma_wait3A_951, %dma_wait3A_952, %dma_wait3A_953] : memref<3x16x8x256xf32, #tpu.memory_space<vmem>> -> memref<1x16x8x256xf32, #tpu.memory_space<vmem>>
      %dma_wait3A_955 = tpu.memref_squeeze %dma_wait3A_954 : memref<1x16x8x256xf32, #tpu.memory_space<vmem>> -> memref<16x8x256xf32, #tpu.memory_space<vmem>>
      %dma_wait3A_956 = arith.constant 0 : i32
      %dma_wait3A_957 = arith.constant 0 : i32
      %dma_wait3A_958 = arith.constant 0 : i32
      %dma_wait3A_959 = tpu.memref_slice %arg2[%dma_wait3A_956, %dma_wait3A_957, %dma_wait3A_958] : memref<16x4096x256xf32, #tpu.memory_space<hbm>> -> memref<16x8x256xf32, #tpu.memory_space<hbm>>
      %dma_wait3A_960 = tpu.memref_slice %arg8[%rem3A_945] : memref<3x!tpu.dma_semaphore, #tpu.memory_space<semaphore_mem>> -> memref<1x!tpu.dma_semaphore, #tpu.memory_space<semaphore_mem>>
      %dma_wait3A_961 = tpu.memref_squeeze %dma_wait3A_960 : memref<1x!tpu.dma_semaphore, #tpu.memory_space<semaphore_mem>> -> memref<!tpu.dma_semaphore, #tpu.memory_space<semaphore_mem>>
      %dma_wait3A_962 = arith.constant 0 : i32
      %dma_wait3A_963 = arith.constant 0 : i32
      %dma_wait3A_964 = arith.constant 0 : i32
      %dma_wait3A_965 = tpu.memref_slice %arg5[%rem3A_945, %dma_wait3A_962, %dma_wait3A_963, %dma_wait3A_964] : memref<3x16x8x256xf32, #tpu.memory_space<vmem>> -> memref<1x16x8x256xf32, #tpu.memory_space<vmem>>
      %dma_wait3A_966 = tpu.memref_squeeze %dma_wait3A_965 : memref<1x16x8x256xf32, #tpu.memory_space<vmem>> -> memref<16x8x256xf32, #tpu.memory_space<vmem>>
      %dma_wait3A_967 = arith.constant 0 : i32
      %dma_wait3A_968 = arith.constant 0 : i32
      %dma_wait3A_969 = arith.constant 0 : i32
      %dma_wait3A_970 = tpu.memref_slice %arg2[%dma_wait3A_967, %dma_wait3A_968, %dma_wait3A_969] : memref<16x4096x256xf32, #tpu.memory_space<hbm>> -> memref<16x8x256xf32, #tpu.memory_space<hbm>>
      tpu.wait_dma2 semaphore(%dma_wait3A_961 : memref<!tpu.dma_semaphore, #tpu.memory_space<semaphore_mem>>) src(%dma_wait3A_970 : memref<16x8x256xf32, #tpu.memory_space<hbm>>) dst(%dma_wait3A_966 : memref<16x8x256xf32, #tpu.memory_space<vmem>>)
      %add3A_971 = arith.constant 1 : i32
      %add3A_972 = arith.addi %scan3A_943, %add3A_971 : i32
      %rem3A_973 = arith.constant 3 : i32
      %rem3A_974 = arith.remsi %add3A_972, %rem3A_973 : i32
      %ge3A = arith.constant 2 : i32
      %ge3A_975 = arith.cmpi sge, %scan3A_943, %ge3A : i32
      %convert_element_type3A = arith.extui %ge3A_975 : i1 to i32
      %cond3A = arith.constant 0 : i32
      %cond3A_976 = arith.cmpi ne, %convert_element_type3A, %cond3A : i32
      scf.if %cond3A_976 {
        %dma_wait3A_1329 = arith.constant 0 : i32
        %dma_wait3A_1330 = arith.constant 0 : i32
        %dma_wait3A_1331 = arith.constant 0 : i32
        %dma_wait3A_1332 = tpu.memref_slice %arg5[%rem3A_974, %dma_wait3A_1329, %dma_wait3A_1330, %dma_wait3A_1331] : memref<3x16x8x256xf32, #tpu.memory_space<vmem>> -> memref<1x16x8x256xf32, #tpu.memory_space<vmem>>
        %dma_wait3A_1333 = tpu.memref_squeeze %dma_wait3A_1332 : memref<1x16x8x256xf32, #tpu.memory_space<vmem>> -> memref<16x8x256xf32, #tpu.memory_space<vmem>>
        %dma_wait3A_1334 = arith.constant 0 : i32
        %dma_wait3A_1335 = arith.constant 0 : i32
        %dma_wait3A_1336 = arith.constant 0 : i32
        %dma_wait3A_1337 = tpu.memref_slice %arg4[%dma_wait3A_1334, %dma_wait3A_1335, %dma_wait3A_1336] : memref<16x4096x512xf32, #tpu.memory_space<hbm>> -> memref<16x8x256xf32, #tpu.memory_space<hbm>>
        %dma_wait3A_1338 = tpu.memref_slice %arg9[%rem3A_974] : memref<3x!tpu.dma_semaphore, #tpu.memory_space<semaphore_mem>> -> memref<1x!tpu.dma_semaphore, #tpu.memory_space<semaphore_mem>>
        %dma_wait3A_1339 = tpu.memref_squeeze %dma_wait3A_1338 : memref<1x!tpu.dma_semaphore, #tpu.memory_space<semaphore_mem>> -> memref<!tpu.dma_semaphore, #tpu.memory_space<semaphore_mem>>
        %dma_wait3A_1340 = arith.constant 0 : i32
        %dma_wait3A_1341 = arith.constant 0 : i32
        %dma_wait3A_1342 = arith.constant 0 : i32
        %dma_wait3A_1343 = tpu.memref_slice %arg4[%dma_wait3A_1340, %dma_wait3A_1341, %dma_wait3A_1342] : memref<16x4096x512xf32, #tpu.memory_space<hbm>> -> memref<16x8x256xf32, #tpu.memory_space<hbm>>
        %dma_wait3A_1344 = arith.constant 0 : i32
        %dma_wait3A_1345 = arith.constant 0 : i32
        %dma_wait3A_1346 = arith.constant 0 : i32
        %dma_wait3A_1347 = tpu.memref_slice %arg5[%rem3A_974, %dma_wait3A_1344, %dma_wait3A_1345, %dma_wait3A_1346] : memref<3x16x8x256xf32, #tpu.memory_space<vmem>> -> memref<1x16x8x256xf32, #tpu.memory_space<vmem>>
        %dma_wait3A_1348 = tpu.memref_squeeze %dma_wait3A_1347 : memref<1x16x8x256xf32, #tpu.memory_space<vmem>> -> memref<16x8x256xf32, #tpu.memory_space<vmem>>
        tpu.wait_dma2 semaphore(%dma_wait3A_1339 : memref<!tpu.dma_semaphore, #tpu.memory_space<semaphore_mem>>) src(%dma_wait3A_1348 : memref<16x8x256xf32, #tpu.memory_space<vmem>>) dst(%dma_wait3A_1343 : memref<16x8x256xf32, #tpu.memory_space<hbm>>)
      } else {
      }
      %ge3A_977 = arith.constant 1 : i32
      %ge3A_978 = arith.cmpi sge, %scan3A_943, %ge3A_977 : i32
      %lt3A = arith.constant 15 : i32
      %lt3A_979 = arith.cmpi slt, %scan3A_943, %lt3A : i32
      %and3A = arith.andi %ge3A_978, %lt3A_979 : i1
      %convert_element_type3A_980 = arith.extui %and3A : i1 to i32
      %cond3A_981 = arith.constant 0 : i32
      %cond3A_982 = arith.cmpi ne, %convert_element_type3A_980, %cond3A_981 : i32
      scf.if %cond3A_982 {
        %add3A_1329 = arith.constant 8 : i32
        %add3A_1330 = arith.addi %add3A_950, %add3A_1329 : i32
        %dma_start3A_1331 = arith.constant 0 : i32
        %dma_start3A_1332 = arith.constant 0 : i32
        %dma_start3A_1333 = arith.constant 0 : i32
        %dma_start3A_1334 = tpu.memref_slice %arg5[%rem3A_974, %dma_start3A_1331, %dma_start3A_1332, %dma_start3A_1333] : memref<3x16x8x256xf32, #tpu.memory_space<vmem>> -> memref<1x16x8x256xf32, #tpu.memory_space<vmem>>
        %dma_start3A_1335 = tpu.memref_squeeze %dma_start3A_1334 : memref<1x16x8x256xf32, #tpu.memory_space<vmem>> -> memref<16x8x256xf32, #tpu.memory_space<vmem>>
        %dma_start3A_1336 = arith.constant 0 : i32
        %dma_start3A_1337 = arith.constant 0 : i32
        %dma_start3A_1338 = tpu.memref_slice %arg2[%dma_start3A_1336, %add3A_1330, %dma_start3A_1337] : memref<16x4096x256xf32, #tpu.memory_space<hbm>> -> memref<16x8x256xf32, #tpu.memory_space<hbm>>
        %dma_start3A_1339 = tpu.memref_slice %arg8[%rem3A_974] : memref<3x!tpu.dma_semaphore, #tpu.memory_space<semaphore_mem>> -> memref<1x!tpu.dma_semaphore, #tpu.memory_space<semaphore_mem>>
        %dma_start3A_1340 = tpu.memref_squeeze %dma_start3A_1339 : memref<1x!tpu.dma_semaphore, #tpu.memory_space<semaphore_mem>> -> memref<!tpu.dma_semaphore, #tpu.memory_space<semaphore_mem>>
        %dma_start3A_1341 = arith.constant 0 : i32
        %dma_start3A_1342 = arith.constant 0 : i32
        %dma_start3A_1343 = arith.constant 0 : i32
        %dma_start3A_1344 = tpu.memref_slice %arg5[%rem3A_974, %dma_start3A_1341, %dma_start3A_1342, %dma_start3A_1343] : memref<3x16x8x256xf32, #tpu.memory_space<vmem>> -> memref<1x16x8x256xf32, #tpu.memory_space<vmem>>
        %dma_start3A_1345 = tpu.memref_squeeze %dma_start3A_1344 : memref<1x16x8x256xf32, #tpu.memory_space<vmem>> -> memref<16x8x256xf32, #tpu.memory_space<vmem>>
        %dma_start3A_1346 = arith.constant 0 : i32
        %dma_start3A_1347 = arith.constant 0 : i32
        %dma_start3A_1348 = tpu.memref_slice %arg2[%dma_start3A_1346, %add3A_1330, %dma_start3A_1347] : memref<16x4096x256xf32, #tpu.memory_space<hbm>> -> memref<16x8x256xf32, #tpu.memory_space<hbm>>
        tpu.enqueue_dma source(%dma_start3A_1348 : memref<16x8x256xf32, #tpu.memory_space<hbm>>) target(%dma_start3A_1345 : memref<16x8x256xf32, #tpu.memory_space<vmem>>) target_semaphore(%dma_start3A_1340 : memref<!tpu.dma_semaphore, #tpu.memory_space<semaphore_mem>>)
      } else {
      }
      %dma_start3A_983 = arith.constant 0 : i32
      %dma_start3A_984 = arith.constant 0 : i32
      %dma_start3A_985 = arith.constant 0 : i32
      %dma_start3A_986 = tpu.memref_slice %arg5[%rem3A_945, %dma_start3A_983, %dma_start3A_984, %dma_start3A_985] : memref<3x16x8x256xf32, #tpu.memory_space<vmem>> -> memref<1x16x8x256xf32, #tpu.memory_space<vmem>>
      %dma_start3A_987 = tpu.memref_squeeze %dma_start3A_986 : memref<1x16x8x256xf32, #tpu.memory_space<vmem>> -> memref<16x8x256xf32, #tpu.memory_space<vmem>>
      %dma_start3A_988 = arith.constant 0 : i32
      %dma_start3A_989 = arith.constant 0 : i32
      %dma_start3A_990 = tpu.memref_slice %arg4[%dma_start3A_988, %add3A_950, %dma_start3A_989] : memref<16x4096x512xf32, #tpu.memory_space<hbm>> -> memref<16x8x256xf32, #tpu.memory_space<hbm>>
      %dma_start3A_991 = tpu.memref_slice %arg9[%rem3A_945] : memref<3x!tpu.dma_semaphore, #tpu.memory_space<semaphore_mem>> -> memref<1x!tpu.dma_semaphore, #tpu.memory_space<semaphore_mem>>
      %dma_start3A_992 = tpu.memref_squeeze %dma_start3A_991 : memref<1x!tpu.dma_semaphore, #tpu.memory_space<semaphore_mem>> -> memref<!tpu.dma_semaphore, #tpu.memory_space<semaphore_mem>>
      %dma_start3A_993 = arith.constant 0 : i32
      %dma_start3A_994 = arith.constant 0 : i32
      %dma_start3A_995 = tpu.memref_slice %arg4[%dma_start3A_993, %add3A_950, %dma_start3A_994] : memref<16x4096x512xf32, #tpu.memory_space<hbm>> -> memref<16x8x256xf32, #tpu.memory_space<hbm>>
      %dma_start3A_996 = arith.constant 0 : i32
      %dma_start3A_997 = arith.constant 0 : i32
      %dma_start3A_998 = arith.constant 0 : i32
      %dma_start3A_999 = tpu.memref_slice %arg5[%rem3A_945, %dma_start3A_996, %dma_start3A_997, %dma_start3A_998] : memref<3x16x8x256xf32, #tpu.memory_space<vmem>> -> memref<1x16x8x256xf32, #tpu.memory_space<vmem>>
      %dma_start3A_1000 = tpu.memref_squeeze %dma_start3A_999 : memref<1x16x8x256xf32, #tpu.memory_space<vmem>> -> memref<16x8x256xf32, #tpu.memory_space<vmem>>
      tpu.enqueue_dma source(%dma_start3A_1000 : memref<16x8x256xf32, #tpu.memory_space<vmem>>) target(%dma_start3A_995 : memref<16x8x256xf32, #tpu.memory_space<hbm>>) target_semaphore(%dma_start3A_992 : memref<!tpu.dma_semaphore, #tpu.memory_space<semaphore_mem>>)
      %ge3A_1001 = arith.constant 2 : i32
      %ge3A_1002 = arith.cmpi sge, %scan3A_943, %ge3A_1001 : i32
      %convert_element_type3A_1003 = arith.extui %ge3A_1002 : i1 to i32
      %cond3A_1004 = arith.constant 0 : i32
      %cond3A_1005 = arith.cmpi ne, %convert_element_type3A_1003, %cond3A_1004 : i32
      scf.if %cond3A_1005 {
        %dma_wait3A_1329 = arith.constant 0 : i32
        %dma_wait3A_1330 = arith.constant 0 : i32
        %dma_wait3A_1331 = arith.constant 0 : i32
        %dma_wait3A_1332 = arith.constant 0 : i32
        %dma_wait3A_1333 = tpu.memref_slice %arg5[%dma_wait3A_1329, %dma_wait3A_1330, %dma_wait3A_1331, %dma_wait3A_1332] : memref<3x16x8x256xf32, #tpu.memory_space<vmem>> -> memref<1x16x8x256xf32, #tpu.memory_space<vmem>>
        %dma_wait3A_1334 = tpu.memref_squeeze %dma_wait3A_1333 : memref<1x16x8x256xf32, #tpu.memory_space<vmem>> -> memref<16x8x256xf32, #tpu.memory_space<vmem>>
        %dma_wait3A_1335 = arith.constant 0 : i32
        %dma_wait3A_1336 = arith.constant 0 : i32
        %dma_wait3A_1337 = arith.constant 256 : i32
        %dma_wait3A_1338 = tpu.memref_slice %arg4[%dma_wait3A_1335, %dma_wait3A_1336, %dma_wait3A_1337] : memref<16x4096x512xf32, #tpu.memory_space<hbm>> -> memref<16x8x256xf32, #tpu.memory_space<hbm>>
        %dma_wait3A_1339 = tpu.memref_slice %arg10[%rem3A_947] : memref<2x!tpu.dma_semaphore, #tpu.memory_space<semaphore_mem>> -> memref<1x!tpu.dma_semaphore, #tpu.memory_space<semaphore_mem>>
        %dma_wait3A_1340 = tpu.memref_squeeze %dma_wait3A_1339 : memref<1x!tpu.dma_semaphore, #tpu.memory_space<semaphore_mem>> -> memref<!tpu.dma_semaphore, #tpu.memory_space<semaphore_mem>>
        %dma_wait3A_1341 = arith.constant 0 : i32
        %dma_wait3A_1342 = arith.constant 0 : i32
        %dma_wait3A_1343 = arith.constant 0 : i32
        %dma_wait3A_1344 = tpu.memref_slice %arg5[%dma_wait3A_1329, %dma_wait3A_1341, %dma_wait3A_1342, %dma_wait3A_1343] : memref<3x16x8x256xf32, #tpu.memory_space<vmem>> -> memref<1x16x8x256xf32, #tpu.memory_space<vmem>>
        %dma_wait3A_1345 = tpu.memref_squeeze %dma_wait3A_1344 : memref<1x16x8x256xf32, #tpu.memory_space<vmem>> -> memref<16x8x256xf32, #tpu.memory_space<vmem>>
        %dma_wait3A_1346 = arith.constant 0 : i32
        %dma_wait3A_1347 = arith.constant 0 : i32
        %dma_wait3A_1348 = arith.constant 256 : i32
        %dma_wait3A_1349 = tpu.memref_slice %arg4[%dma_wait3A_1346, %dma_wait3A_1347, %dma_wait3A_1348] : memref<16x4096x512xf32, #tpu.memory_space<hbm>> -> memref<16x8x256xf32, #tpu.memory_space<hbm>>
        tpu.wait_dma2 semaphore(%dma_wait3A_1340 : memref<!tpu.dma_semaphore, #tpu.memory_space<semaphore_mem>>) src(%dma_wait3A_1349 : memref<16x8x256xf32, #tpu.memory_space<hbm>>) dst(%dma_wait3A_1345 : memref<16x8x256xf32, #tpu.memory_space<vmem>>)
      } else {
      }
      %parallel_loop3A = arith.constant 0 : i32
      %parallel_loop3A_1006 = arith.constant 8192 : i32
      %parallel_loop3A_1007 = arith.constant 16 : i32
      scf.for %parallel_loop3A_1329 = %parallel_loop3A to %parallel_loop3A_1006 step %parallel_loop3A_1007  : i32 {
        %parallel_loop3A_1330 = arith.constant 11 : i32
        %parallel_loop3A_1331 = arith.shrui %parallel_loop3A_1329, %parallel_loop3A_1330 : i32
        %parallel_loop3A_1332 = arith.constant 2047 : i32
        %parallel_loop3A_1333 = arith.andi %parallel_loop3A_1329, %parallel_loop3A_1332 : i32
        %parallel_loop3A_1334 = arith.constant 8 : i32
        %parallel_loop3A_1335 = arith.shrui %parallel_loop3A_1333, %parallel_loop3A_1334 : i32
        %parallel_loop3A_1336 = arith.constant 255 : i32
        %parallel_loop3A_1337 = arith.andi %parallel_loop3A_1333, %parallel_loop3A_1336 : i32
        %parallel_loop3A_1338 = tpu.assume_multiple %parallel_loop3A_1337, 16 : i32
        %parallel_loop3A_1339 = arith.index_cast %rem3A_947 : i32 to index
        %parallel_loop3A_1340 = arith.index_cast %parallel_loop3A_1331 : i32 to index
        %parallel_loop3A_1341 = arith.index_cast %parallel_loop3A_1335 : i32 to index
        %parallel_loop3A_1342 = arith.index_cast %parallel_loop3A_1338 : i32 to index
        %parallel_loop3A_1343 = tpu.vector_load %arg6[%parallel_loop3A_1339, %parallel_loop3A_1340, %parallel_loop3A_1341, %parallel_loop3A_1342] {strides = array<i32>} : memref<2x4x8x256xf32, #tpu.memory_space<vmem>>, vector<1x1x1x16xf32>,
        %parallel_loop3A_1344 = vector.shape_cast %parallel_loop3A_1343 : vector<1x1x1x16xf32> to vector<16xf32>
        %parallel_loop3A_1345 = vector.shape_cast %broadcast_in_dim3A_849 : vector<16xf32> to vector<1x1x1x16xf32>
        tpu.vector_store %arg6[%parallel_loop3A_1339, %parallel_loop3A_1340, %parallel_loop3A_1341, %parallel_loop3A_1342], %parallel_loop3A_1345 {strides = array<i32>} : memref<2x4x8x256xf32, #tpu.memory_space<vmem>>, vector<1x1x1x16xf32>,
      } {sc.loop_unroll_factor = 8 : i64, sc.parallel_access}
      %parallel_loop3A_1008 = arith.constant 0 : i32
      %parallel_loop3A_1009 = arith.constant 2048 : i32
      %parallel_loop3A_1010 = arith.constant 16 : i32
      scf.for %parallel_loop3A_1329 = %parallel_loop3A_1008 to %parallel_loop3A_1009 step %parallel_loop3A_1010  : i32 {
        %parallel_loop3A_1330 = arith.constant 8 : i32
        %parallel_loop3A_1331 = arith.shrui %parallel_loop3A_1329, %parallel_loop3A_1330 : i32
        %parallel_loop3A_1332 = arith.constant 255 : i32
        %parallel_loop3A_1333 = arith.andi %parallel_loop3A_1329, %parallel_loop3A_1332 : i32
        %parallel_loop3A_1334 = tpu.assume_multiple %parallel_loop3A_1333, 16 : i32
        %parallel_loop3A_1335 = arith.constant 0 : i32
        %parallel_loop3A_1336 = arith.index_cast %rem3A_945 : i32 to index
        %parallel_loop3A_1337 = arith.index_cast %parallel_loop3A_1335 : i32 to index
        %parallel_loop3A_1338 = arith.index_cast %parallel_loop3A_1331 : i32 to index
        %parallel_loop3A_1339 = arith.index_cast %parallel_loop3A_1334 : i32 to index
        %parallel_loop3A_1340 = tpu.vector_load %arg5[%parallel_loop3A_1336, %parallel_loop3A_1337, %parallel_loop3A_1338, %parallel_loop3A_1339] {strides = array<i32>} : memref<3x16x8x256xf32, #tpu.memory_space<vmem>>, vector<1x1x1x16xf32>,
        %parallel_loop3A_1341 = vector.shape_cast %parallel_loop3A_1340 : vector<1x1x1x16xf32> to vector<16xf32>
        %parallel_loop3A_1342 = vector.broadcast %select_n3A_713 : f32 to vector<16xf32>
        %parallel_loop3A_1343 = arith.mulf %parallel_loop3A_1341, %parallel_loop3A_1342 : vector<16xf32>
        %parallel_loop3A_1344 = arith.index_cast %rem3A_947 : i32 to index
        %parallel_loop3A_1345 = arith.index_cast %squeeze3A : i32 to index
        %parallel_loop3A_1346 = arith.index_cast %parallel_loop3A_1331 : i32 to index
        %parallel_loop3A_1347 = arith.index_cast %parallel_loop3A_1334 : i32 to index
        %parallel_loop3A_1348 = tpu.vector_load %arg6[%parallel_loop3A_1344, %parallel_loop3A_1345, %parallel_loop3A_1346, %parallel_loop3A_1347] {strides = array<i32>} : memref<2x4x8x256xf32, #tpu.memory_space<vmem>>, vector<1x1x1x16xf32>,
        %parallel_loop3A_1349 = vector.shape_cast %parallel_loop3A_1348 : vector<1x1x1x16xf32> to vector<16xf32>
        %parallel_loop3A_1350 = vector.shape_cast %parallel_loop3A_1343 : vector<16xf32> to vector<1x1x1x16xf32>
        tpu.vector_store %arg6[%parallel_loop3A_1344, %parallel_loop3A_1345, %parallel_loop3A_1346, %parallel_loop3A_1347], %parallel_loop3A_1350 {add = true, strides = array<i32>} : memref<2x4x8x256xf32, #tpu.memory_space<vmem>>, vector<1x1x1x16xf32>,
      } {sc.loop_unroll_factor = 8 : i64, sc.parallel_access}
      %parallel_loop3A_1011 = arith.constant 0 : i32
      %parallel_loop3A_1012 = arith.constant 2048 : i32
      %parallel_loop3A_1013 = arith.constant 16 : i32
      scf.for %parallel_loop3A_1329 = %parallel_loop3A_1011 to %parallel_loop3A_1012 step %parallel_loop3A_1013  : i32 {
        %parallel_loop3A_1330 = arith.constant 8 : i32
        %parallel_loop3A_1331 = arith.shrui %parallel_loop3A_1329, %parallel_loop3A_1330 : i32
        %parallel_loop3A_1332 = arith.constant 255 : i32
        %parallel_loop3A_1333 = arith.andi %parallel_loop3A_1329, %parallel_loop3A_1332 : i32
        %parallel_loop3A_1334 = tpu.assume_multiple %parallel_loop3A_1333, 16 : i32
        %parallel_loop3A_1335 = arith.constant 1 : i32
        %parallel_loop3A_1336 = arith.index_cast %rem3A_945 : i32 to index
        %parallel_loop3A_1337 = arith.index_cast %parallel_loop3A_1335 : i32 to index
        %parallel_loop3A_1338 = arith.index_cast %parallel_loop3A_1331 : i32 to index
        %parallel_loop3A_1339 = arith.index_cast %parallel_loop3A_1334 : i32 to index
        %parallel_loop3A_1340 = tpu.vector_load %arg5[%parallel_loop3A_1336, %parallel_loop3A_1337, %parallel_loop3A_1338, %parallel_loop3A_1339] {strides = array<i32>} : memref<3x16x8x256xf32, #tpu.memory_space<vmem>>, vector<1x1x1x16xf32>,
        %parallel_loop3A_1341 = vector.shape_cast %parallel_loop3A_1340 : vector<1x1x1x16xf32> to vector<16xf32>
        %parallel_loop3A_1342 = vector.broadcast %select_n3A_722 : f32 to vector<16xf32>
        %parallel_loop3A_1343 = arith.mulf %parallel_loop3A_1341, %parallel_loop3A_1342 : vector<16xf32>
        %parallel_loop3A_1344 = arith.index_cast %rem3A_947 : i32 to index
        %parallel_loop3A_1345 = arith.index_cast %squeeze3A_47 : i32 to index
        %parallel_loop3A_1346 = arith.index_cast %parallel_loop3A_1331 : i32 to index
        %parallel_loop3A_1347 = arith.index_cast %parallel_loop3A_1334 : i32 to index
        %parallel_loop3A_1348 = tpu.vector_load %arg6[%parallel_loop3A_1344, %parallel_loop3A_1345, %parallel_loop3A_1346, %parallel_loop3A_1347] {strides = array<i32>} : memref<2x4x8x256xf32, #tpu.memory_space<vmem>>, vector<1x1x1x16xf32>,
        %parallel_loop3A_1349 = vector.shape_cast %parallel_loop3A_1348 : vector<1x1x1x16xf32> to vector<16xf32>
        %parallel_loop3A_1350 = vector.shape_cast %parallel_loop3A_1343 : vector<16xf32> to vector<1x1x1x16xf32>
        tpu.vector_store %arg6[%parallel_loop3A_1344, %parallel_loop3A_1345, %parallel_loop3A_1346, %parallel_loop3A_1347], %parallel_loop3A_1350 {add = true, strides = array<i32>} : memref<2x4x8x256xf32, #tpu.memory_space<vmem>>, vector<1x1x1x16xf32>,
      } {sc.loop_unroll_factor = 8 : i64, sc.parallel_access}
      %parallel_loop3A_1014 = arith.constant 0 : i32
      %parallel_loop3A_1015 = arith.constant 2048 : i32
      %parallel_loop3A_1016 = arith.constant 16 : i32
      scf.for %parallel_loop3A_1329 = %parallel_loop3A_1014 to %parallel_loop3A_1015 step %parallel_loop3A_1016  : i32 {
        %parallel_loop3A_1330 = arith.constant 8 : i32
        %parallel_loop3A_1331 = arith.shrui %parallel_loop3A_1329, %parallel_loop3A_1330 : i32
        %parallel_loop3A_1332 = arith.constant 255 : i32
        %parallel_loop3A_1333 = arith.andi %parallel_loop3A_1329, %parallel_loop3A_1332 : i32
        %parallel_loop3A_1334 = tpu.assume_multiple %parallel_loop3A_1333, 16 : i32
        %parallel_loop3A_1335 = arith.constant 2 : i32
        %parallel_loop3A_1336 = arith.index_cast %rem3A_945 : i32 to index
        %parallel_loop3A_1337 = arith.index_cast %parallel_loop3A_1335 : i32 to index
        %parallel_loop3A_1338 = arith.index_cast %parallel_loop3A_1331 : i32 to index
        %parallel_loop3A_1339 = arith.index_cast %parallel_loop3A_1334 : i32 to index
        %parallel_loop3A_1340 = tpu.vector_load %arg5[%parallel_loop3A_1336, %parallel_loop3A_1337, %parallel_loop3A_1338, %parallel_loop3A_1339] {strides = array<i32>} : memref<3x16x8x256xf32, #tpu.memory_space<vmem>>, vector<1x1x1x16xf32>,
        %parallel_loop3A_1341 = vector.shape_cast %parallel_loop3A_1340 : vector<1x1x1x16xf32> to vector<16xf32>
        %parallel_loop3A_1342 = vector.broadcast %select_n3A_731 : f32 to vector<16xf32>
        %parallel_loop3A_1343 = arith.mulf %parallel_loop3A_1341, %parallel_loop3A_1342 : vector<16xf32>
        %parallel_loop3A_1344 = arith.index_cast %rem3A_947 : i32 to index
        %parallel_loop3A_1345 = arith.index_cast %squeeze3A_49 : i32 to index
        %parallel_loop3A_1346 = arith.index_cast %parallel_loop3A_1331 : i32 to index
        %parallel_loop3A_1347 = arith.index_cast %parallel_loop3A_1334 : i32 to index
        %parallel_loop3A_1348 = tpu.vector_load %arg6[%parallel_loop3A_1344, %parallel_loop3A_1345, %parallel_loop3A_1346, %parallel_loop3A_1347] {strides = array<i32>} : memref<2x4x8x256xf32, #tpu.memory_space<vmem>>, vector<1x1x1x16xf32>,
        %parallel_loop3A_1349 = vector.shape_cast %parallel_loop3A_1348 : vector<1x1x1x16xf32> to vector<16xf32>
        %parallel_loop3A_1350 = vector.shape_cast %parallel_loop3A_1343 : vector<16xf32> to vector<1x1x1x16xf32>
        tpu.vector_store %arg6[%parallel_loop3A_1344, %parallel_loop3A_1345, %parallel_loop3A_1346, %parallel_loop3A_1347], %parallel_loop3A_1350 {add = true, strides = array<i32>} : memref<2x4x8x256xf32, #tpu.memory_space<vmem>>, vector<1x1x1x16xf32>,
      } {sc.loop_unroll_factor = 8 : i64, sc.parallel_access}
      %parallel_loop3A_1017 = arith.constant 0 : i32
      %parallel_loop3A_1018 = arith.constant 2048 : i32
      %parallel_loop3A_1019 = arith.constant 16 : i32
      scf.for %parallel_loop3A_1329 = %parallel_loop3A_1017 to %parallel_loop3A_1018 step %parallel_loop3A_1019  : i32 {
        %parallel_loop3A_1330 = arith.constant 8 : i32
        %parallel_loop3A_1331 = arith.shrui %parallel_loop3A_1329, %parallel_loop3A_1330 : i32
        %parallel_loop3A_1332 = arith.constant 255 : i32
        %parallel_loop3A_1333 = arith.andi %parallel_loop3A_1329, %parallel_loop3A_1332 : i32
        %parallel_loop3A_1334 = tpu.assume_multiple %parallel_loop3A_1333, 16 : i32
        %parallel_loop3A_1335 = arith.constant 3 : i32
        %parallel_loop3A_1336 = arith.index_cast %rem3A_945 : i32 to index
        %parallel_loop3A_1337 = arith.index_cast %parallel_loop3A_1335 : i32 to index
        %parallel_loop3A_1338 = arith.index_cast %parallel_loop3A_1331 : i32 to index
        %parallel_loop3A_1339 = arith.index_cast %parallel_loop3A_1334 : i32 to index
        %parallel_loop3A_1340 = tpu.vector_load %arg5[%parallel_loop3A_1336, %parallel_loop3A_1337, %parallel_loop3A_1338, %parallel_loop3A_1339] {strides = array<i32>} : memref<3x16x8x256xf32, #tpu.memory_space<vmem>>, vector<1x1x1x16xf32>,
        %parallel_loop3A_1341 = vector.shape_cast %parallel_loop3A_1340 : vector<1x1x1x16xf32> to vector<16xf32>
        %parallel_loop3A_1342 = vector.broadcast %select_n3A_740 : f32 to vector<16xf32>
        %parallel_loop3A_1343 = arith.mulf %parallel_loop3A_1341, %parallel_loop3A_1342 : vector<16xf32>
        %parallel_loop3A_1344 = arith.index_cast %rem3A_947 : i32 to index
        %parallel_loop3A_1345 = arith.index_cast %squeeze3A_51 : i32 to index
        %parallel_loop3A_1346 = arith.index_cast %parallel_loop3A_1331 : i32 to index
        %parallel_loop3A_1347 = arith.index_cast %parallel_loop3A_1334 : i32 to index
        %parallel_loop3A_1348 = tpu.vector_load %arg6[%parallel_loop3A_1344, %parallel_loop3A_1345, %parallel_loop3A_1346, %parallel_loop3A_1347] {strides = array<i32>} : memref<2x4x8x256xf32, #tpu.memory_space<vmem>>, vector<1x1x1x16xf32>,
        %parallel_loop3A_1349 = vector.shape_cast %parallel_loop3A_1348 : vector<1x1x1x16xf32> to vector<16xf32>
        %parallel_loop3A_1350 = vector.shape_cast %parallel_loop3A_1343 : vector<16xf32> to vector<1x1x1x16xf32>
        tpu.vector_store %arg6[%parallel_loop3A_1344, %parallel_loop3A_1345, %parallel_loop3A_1346, %parallel_loop3A_1347], %parallel_loop3A_1350 {add = true, strides = array<i32>} : memref<2x4x8x256xf32, #tpu.memory_space<vmem>>, vector<1x1x1x16xf32>,
      } {sc.loop_unroll_factor = 8 : i64, sc.parallel_access}
      %parallel_loop3A_1020 = arith.constant 0 : i32
      %parallel_loop3A_1021 = arith.constant 2048 : i32
      %parallel_loop3A_1022 = arith.constant 16 : i32
      scf.for %parallel_loop3A_1329 = %parallel_loop3A_1020 to %parallel_loop3A_1021 step %parallel_loop3A_1022  : i32 {
        %parallel_loop3A_1330 = arith.constant 8 : i32
        %parallel_loop3A_1331 = arith.shrui %parallel_loop3A_1329, %parallel_loop3A_1330 : i32
        %parallel_loop3A_1332 = arith.constant 255 : i32
        %parallel_loop3A_1333 = arith.andi %parallel_loop3A_1329, %parallel_loop3A_1332 : i32
        %parallel_loop3A_1334 = tpu.assume_multiple %parallel_loop3A_1333, 16 : i32
        %parallel_loop3A_1335 = arith.constant 4 : i32
        %parallel_loop3A_1336 = arith.index_cast %rem3A_945 : i32 to index
        %parallel_loop3A_1337 = arith.index_cast %parallel_loop3A_1335 : i32 to index
        %parallel_loop3A_1338 = arith.index_cast %parallel_loop3A_1331 : i32 to index
        %parallel_loop3A_1339 = arith.index_cast %parallel_loop3A_1334 : i32 to index
        %parallel_loop3A_1340 = tpu.vector_load %arg5[%parallel_loop3A_1336, %parallel_loop3A_1337, %parallel_loop3A_1338, %parallel_loop3A_1339] {strides = array<i32>} : memref<3x16x8x256xf32, #tpu.memory_space<vmem>>, vector<1x1x1x16xf32>,
        %parallel_loop3A_1341 = vector.shape_cast %parallel_loop3A_1340 : vector<1x1x1x16xf32> to vector<16xf32>
        %parallel_loop3A_1342 = vector.broadcast %select_n3A_749 : f32 to vector<16xf32>
        %parallel_loop3A_1343 = arith.mulf %parallel_loop3A_1341, %parallel_loop3A_1342 : vector<16xf32>
        %parallel_loop3A_1344 = arith.index_cast %rem3A_947 : i32 to index
        %parallel_loop3A_1345 = arith.index_cast %squeeze3A_53 : i32 to index
        %parallel_loop3A_1346 = arith.index_cast %parallel_loop3A_1331 : i32 to index
        %parallel_loop3A_1347 = arith.index_cast %parallel_loop3A_1334 : i32 to index
        %parallel_loop3A_1348 = tpu.vector_load %arg6[%parallel_loop3A_1344, %parallel_loop3A_1345, %parallel_loop3A_1346, %parallel_loop3A_1347] {strides = array<i32>} : memref<2x4x8x256xf32, #tpu.memory_space<vmem>>, vector<1x1x1x16xf32>,
        %parallel_loop3A_1349 = vector.shape_cast %parallel_loop3A_1348 : vector<1x1x1x16xf32> to vector<16xf32>
        %parallel_loop3A_1350 = vector.shape_cast %parallel_loop3A_1343 : vector<16xf32> to vector<1x1x1x16xf32>
        tpu.vector_store %arg6[%parallel_loop3A_1344, %parallel_loop3A_1345, %parallel_loop3A_1346, %parallel_loop3A_1347], %parallel_loop3A_1350 {add = true, strides = array<i32>} : memref<2x4x8x256xf32, #tpu.memory_space<vmem>>, vector<1x1x1x16xf32>,
      } {sc.loop_unroll_factor = 8 : i64, sc.parallel_access}
      %parallel_loop3A_1023 = arith.constant 0 : i32
      %parallel_loop3A_1024 = arith.constant 2048 : i32
      %parallel_loop3A_1025 = arith.constant 16 : i32
      scf.for %parallel_loop3A_1329 = %parallel_loop3A_1023 to %parallel_loop3A_1024 step %parallel_loop3A_1025  : i32 {
        %parallel_loop3A_1330 = arith.constant 8 : i32
        %parallel_loop3A_1331 = arith.shrui %parallel_loop3A_1329, %parallel_loop3A_1330 : i32
        %parallel_loop3A_1332 = arith.constant 255 : i32
        %parallel_loop3A_1333 = arith.andi %parallel_loop3A_1329, %parallel_loop3A_1332 : i32
        %parallel_loop3A_1334 = tpu.assume_multiple %parallel_loop3A_1333, 16 : i32
        %parallel_loop3A_1335 = arith.constant 5 : i32
        %parallel_loop3A_1336 = arith.index_cast %rem3A_945 : i32 to index
        %parallel_loop3A_1337 = arith.index_cast %parallel_loop3A_1335 : i32 to index
        %parallel_loop3A_1338 = arith.index_cast %parallel_loop3A_1331 : i32 to index
        %parallel_loop3A_1339 = arith.index_cast %parallel_loop3A_1334 : i32 to index
        %parallel_loop3A_1340 = tpu.vector_load %arg5[%parallel_loop3A_1336, %parallel_loop3A_1337, %parallel_loop3A_1338, %parallel_loop3A_1339] {strides = array<i32>} : memref<3x16x8x256xf32, #tpu.memory_space<vmem>>, vector<1x1x1x16xf32>,
        %parallel_loop3A_1341 = vector.shape_cast %parallel_loop3A_1340 : vector<1x1x1x16xf32> to vector<16xf32>
        %parallel_loop3A_1342 = vector.broadcast %select_n3A_758 : f32 to vector<16xf32>
        %parallel_loop3A_1343 = arith.mulf %parallel_loop3A_1341, %parallel_loop3A_1342 : vector<16xf32>
        %parallel_loop3A_1344 = arith.index_cast %rem3A_947 : i32 to index
        %parallel_loop3A_1345 = arith.index_cast %squeeze3A_55 : i32 to index
        %parallel_loop3A_1346 = arith.index_cast %parallel_loop3A_1331 : i32 to index
        %parallel_loop3A_1347 = arith.index_cast %parallel_loop3A_1334 : i32 to index
        %parallel_loop3A_1348 = tpu.vector_load %arg6[%parallel_loop3A_1344, %parallel_loop3A_1345, %parallel_loop3A_1346, %parallel_loop3A_1347] {strides = array<i32>} : memref<2x4x8x256xf32, #tpu.memory_space<vmem>>, vector<1x1x1x16xf32>,
        %parallel_loop3A_1349 = vector.shape_cast %parallel_loop3A_1348 : vector<1x1x1x16xf32> to vector<16xf32>
        %parallel_loop3A_1350 = vector.shape_cast %parallel_loop3A_1343 : vector<16xf32> to vector<1x1x1x16xf32>
        tpu.vector_store %arg6[%parallel_loop3A_1344, %parallel_loop3A_1345, %parallel_loop3A_1346, %parallel_loop3A_1347], %parallel_loop3A_1350 {add = true, strides = array<i32>} : memref<2x4x8x256xf32, #tpu.memory_space<vmem>>, vector<1x1x1x16xf32>,
      } {sc.loop_unroll_factor = 8 : i64, sc.parallel_access}
      %parallel_loop3A_1026 = arith.constant 0 : i32
      %parallel_loop3A_1027 = arith.constant 2048 : i32
      %parallel_loop3A_1028 = arith.constant 16 : i32
      scf.for %parallel_loop3A_1329 = %parallel_loop3A_1026 to %parallel_loop3A_1027 step %parallel_loop3A_1028  : i32 {
        %parallel_loop3A_1330 = arith.constant 8 : i32
        %parallel_loop3A_1331 = arith.shrui %parallel_loop3A_1329, %parallel_loop3A_1330 : i32
        %parallel_loop3A_1332 = arith.constant 255 : i32
        %parallel_loop3A_1333 = arith.andi %parallel_loop3A_1329, %parallel_loop3A_1332 : i32
        %parallel_loop3A_1334 = tpu.assume_multiple %parallel_loop3A_1333, 16 : i32
        %parallel_loop3A_1335 = arith.constant 6 : i32
        %parallel_loop3A_1336 = arith.index_cast %rem3A_945 : i32 to index
        %parallel_loop3A_1337 = arith.index_cast %parallel_loop3A_1335 : i32 to index
        %parallel_loop3A_1338 = arith.index_cast %parallel_loop3A_1331 : i32 to index
        %parallel_loop3A_1339 = arith.index_cast %parallel_loop3A_1334 : i32 to index
        %parallel_loop3A_1340 = tpu.vector_load %arg5[%parallel_loop3A_1336, %parallel_loop3A_1337, %parallel_loop3A_1338, %parallel_loop3A_1339] {strides = array<i32>} : memref<3x16x8x256xf32, #tpu.memory_space<vmem>>, vector<1x1x1x16xf32>,
        %parallel_loop3A_1341 = vector.shape_cast %parallel_loop3A_1340 : vector<1x1x1x16xf32> to vector<16xf32>
        %parallel_loop3A_1342 = vector.broadcast %select_n3A_767 : f32 to vector<16xf32>
        %parallel_loop3A_1343 = arith.mulf %parallel_loop3A_1341, %parallel_loop3A_1342 : vector<16xf32>
        %parallel_loop3A_1344 = arith.index_cast %rem3A_947 : i32 to index
        %parallel_loop3A_1345 = arith.index_cast %squeeze3A_57 : i32 to index
        %parallel_loop3A_1346 = arith.index_cast %parallel_loop3A_1331 : i32 to index
        %parallel_loop3A_1347 = arith.index_cast %parallel_loop3A_1334 : i32 to index
        %parallel_loop3A_1348 = tpu.vector_load %arg6[%parallel_loop3A_1344, %parallel_loop3A_1345, %parallel_loop3A_1346, %parallel_loop3A_1347] {strides = array<i32>} : memref<2x4x8x256xf32, #tpu.memory_space<vmem>>, vector<1x1x1x16xf32>,
        %parallel_loop3A_1349 = vector.shape_cast %parallel_loop3A_1348 : vector<1x1x1x16xf32> to vector<16xf32>
        %parallel_loop3A_1350 = vector.shape_cast %parallel_loop3A_1343 : vector<16xf32> to vector<1x1x1x16xf32>
        tpu.vector_store %arg6[%parallel_loop3A_1344, %parallel_loop3A_1345, %parallel_loop3A_1346, %parallel_loop3A_1347], %parallel_loop3A_1350 {add = true, strides = array<i32>} : memref<2x4x8x256xf32, #tpu.memory_space<vmem>>, vector<1x1x1x16xf32>,
      } {sc.loop_unroll_factor = 8 : i64, sc.parallel_access}
      %parallel_loop3A_1029 = arith.constant 0 : i32
      %parallel_loop3A_1030 = arith.constant 2048 : i32
      %parallel_loop3A_1031 = arith.constant 16 : i32
      scf.for %parallel_loop3A_1329 = %parallel_loop3A_1029 to %parallel_loop3A_1030 step %parallel_loop3A_1031  : i32 {
        %parallel_loop3A_1330 = arith.constant 8 : i32
        %parallel_loop3A_1331 = arith.shrui %parallel_loop3A_1329, %parallel_loop3A_1330 : i32
        %parallel_loop3A_1332 = arith.constant 255 : i32
        %parallel_loop3A_1333 = arith.andi %parallel_loop3A_1329, %parallel_loop3A_1332 : i32
        %parallel_loop3A_1334 = tpu.assume_multiple %parallel_loop3A_1333, 16 : i32
        %parallel_loop3A_1335 = arith.constant 7 : i32
        %parallel_loop3A_1336 = arith.index_cast %rem3A_945 : i32 to index
        %parallel_loop3A_1337 = arith.index_cast %parallel_loop3A_1335 : i32 to index
        %parallel_loop3A_1338 = arith.index_cast %parallel_loop3A_1331 : i32 to index
        %parallel_loop3A_1339 = arith.index_cast %parallel_loop3A_1334 : i32 to index
        %parallel_loop3A_1340 = tpu.vector_load %arg5[%parallel_loop3A_1336, %parallel_loop3A_1337, %parallel_loop3A_1338, %parallel_loop3A_1339] {strides = array<i32>} : memref<3x16x8x256xf32, #tpu.memory_space<vmem>>, vector<1x1x1x16xf32>,
        %parallel_loop3A_1341 = vector.shape_cast %parallel_loop3A_1340 : vector<1x1x1x16xf32> to vector<16xf32>
        %parallel_loop3A_1342 = vector.broadcast %select_n3A_776 : f32 to vector<16xf32>
        %parallel_loop3A_1343 = arith.mulf %parallel_loop3A_1341, %parallel_loop3A_1342 : vector<16xf32>
        %parallel_loop3A_1344 = arith.index_cast %rem3A_947 : i32 to index
        %parallel_loop3A_1345 = arith.index_cast %squeeze3A_59 : i32 to index
        %parallel_loop3A_1346 = arith.index_cast %parallel_loop3A_1331 : i32 to index
        %parallel_loop3A_1347 = arith.index_cast %parallel_loop3A_1334 : i32 to index
        %parallel_loop3A_1348 = tpu.vector_load %arg6[%parallel_loop3A_1344, %parallel_loop3A_1345, %parallel_loop3A_1346, %parallel_loop3A_1347] {strides = array<i32>} : memref<2x4x8x256xf32, #tpu.memory_space<vmem>>, vector<1x1x1x16xf32>,
        %parallel_loop3A_1349 = vector.shape_cast %parallel_loop3A_1348 : vector<1x1x1x16xf32> to vector<16xf32>
        %parallel_loop3A_1350 = vector.shape_cast %parallel_loop3A_1343 : vector<16xf32> to vector<1x1x1x16xf32>
        tpu.vector_store %arg6[%parallel_loop3A_1344, %parallel_loop3A_1345, %parallel_loop3A_1346, %parallel_loop3A_1347], %parallel_loop3A_1350 {add = true, strides = array<i32>} : memref<2x4x8x256xf32, #tpu.memory_space<vmem>>, vector<1x1x1x16xf32>,
      } {sc.loop_unroll_factor = 8 : i64, sc.parallel_access}
      %parallel_loop3A_1032 = arith.constant 0 : i32
      %parallel_loop3A_1033 = arith.constant 2048 : i32
      %parallel_loop3A_1034 = arith.constant 16 : i32
      scf.for %parallel_loop3A_1329 = %parallel_loop3A_1032 to %parallel_loop3A_1033 step %parallel_loop3A_1034  : i32 {
        %parallel_loop3A_1330 = arith.constant 8 : i32
        %parallel_loop3A_1331 = arith.shrui %parallel_loop3A_1329, %parallel_loop3A_1330 : i32
        %parallel_loop3A_1332 = arith.constant 255 : i32
        %parallel_loop3A_1333 = arith.andi %parallel_loop3A_1329, %parallel_loop3A_1332 : i32
        %parallel_loop3A_1334 = tpu.assume_multiple %parallel_loop3A_1333, 16 : i32
        %parallel_loop3A_1335 = arith.constant 8 : i32
        %parallel_loop3A_1336 = arith.index_cast %rem3A_945 : i32 to index
        %parallel_loop3A_1337 = arith.index_cast %parallel_loop3A_1335 : i32 to index
        %parallel_loop3A_1338 = arith.index_cast %parallel_loop3A_1331 : i32 to index
        %parallel_loop3A_1339 = arith.index_cast %parallel_loop3A_1334 : i32 to index
        %parallel_loop3A_1340 = tpu.vector_load %arg5[%parallel_loop3A_1336, %parallel_loop3A_1337, %parallel_loop3A_1338, %parallel_loop3A_1339] {strides = array<i32>} : memref<3x16x8x256xf32, #tpu.memory_space<vmem>>, vector<1x1x1x16xf32>,
        %parallel_loop3A_1341 = vector.shape_cast %parallel_loop3A_1340 : vector<1x1x1x16xf32> to vector<16xf32>
        %parallel_loop3A_1342 = vector.broadcast %select_n3A_785 : f32 to vector<16xf32>
        %parallel_loop3A_1343 = arith.mulf %parallel_loop3A_1341, %parallel_loop3A_1342 : vector<16xf32>
        %parallel_loop3A_1344 = arith.index_cast %rem3A_947 : i32 to index
        %parallel_loop3A_1345 = arith.index_cast %squeeze3A_61 : i32 to index
        %parallel_loop3A_1346 = arith.index_cast %parallel_loop3A_1331 : i32 to index
        %parallel_loop3A_1347 = arith.index_cast %parallel_loop3A_1334 : i32 to index
        %parallel_loop3A_1348 = tpu.vector_load %arg6[%parallel_loop3A_1344, %parallel_loop3A_1345, %parallel_loop3A_1346, %parallel_loop3A_1347] {strides = array<i32>} : memref<2x4x8x256xf32, #tpu.memory_space<vmem>>, vector<1x1x1x16xf32>,
        %parallel_loop3A_1349 = vector.shape_cast %parallel_loop3A_1348 : vector<1x1x1x16xf32> to vector<16xf32>
        %parallel_loop3A_1350 = vector.shape_cast %parallel_loop3A_1343 : vector<16xf32> to vector<1x1x1x16xf32>
        tpu.vector_store %arg6[%parallel_loop3A_1344, %parallel_loop3A_1345, %parallel_loop3A_1346, %parallel_loop3A_1347], %parallel_loop3A_1350 {add = true, strides = array<i32>} : memref<2x4x8x256xf32, #tpu.memory_space<vmem>>, vector<1x1x1x16xf32>,
      } {sc.loop_unroll_factor = 8 : i64, sc.parallel_access}
      %parallel_loop3A_1035 = arith.constant 0 : i32
      %parallel_loop3A_1036 = arith.constant 2048 : i32
      %parallel_loop3A_1037 = arith.constant 16 : i32
      scf.for %parallel_loop3A_1329 = %parallel_loop3A_1035 to %parallel_loop3A_1036 step %parallel_loop3A_1037  : i32 {
        %parallel_loop3A_1330 = arith.constant 8 : i32
        %parallel_loop3A_1331 = arith.shrui %parallel_loop3A_1329, %parallel_loop3A_1330 : i32
        %parallel_loop3A_1332 = arith.constant 255 : i32
        %parallel_loop3A_1333 = arith.andi %parallel_loop3A_1329, %parallel_loop3A_1332 : i32
        %parallel_loop3A_1334 = tpu.assume_multiple %parallel_loop3A_1333, 16 : i32
        %parallel_loop3A_1335 = arith.constant 9 : i32
        %parallel_loop3A_1336 = arith.index_cast %rem3A_945 : i32 to index
        %parallel_loop3A_1337 = arith.index_cast %parallel_loop3A_1335 : i32 to index
        %parallel_loop3A_1338 = arith.index_cast %parallel_loop3A_1331 : i32 to index
        %parallel_loop3A_1339 = arith.index_cast %parallel_loop3A_1334 : i32 to index
        %parallel_loop3A_1340 = tpu.vector_load %arg5[%parallel_loop3A_1336, %parallel_loop3A_1337, %parallel_loop3A_1338, %parallel_loop3A_1339] {strides = array<i32>} : memref<3x16x8x256xf32, #tpu.memory_space<vmem>>, vector<1x1x1x16xf32>,
        %parallel_loop3A_1341 = vector.shape_cast %parallel_loop3A_1340 : vector<1x1x1x16xf32> to vector<16xf32>
        %parallel_loop3A_1342 = vector.broadcast %select_n3A_794 : f32 to vector<16xf32>
        %parallel_loop3A_1343 = arith.mulf %parallel_loop3A_1341, %parallel_loop3A_1342 : vector<16xf32>
        %parallel_loop3A_1344 = arith.index_cast %rem3A_947 : i32 to index
        %parallel_loop3A_1345 = arith.index_cast %squeeze3A_63 : i32 to index
        %parallel_loop3A_1346 = arith.index_cast %parallel_loop3A_1331 : i32 to index
        %parallel_loop3A_1347 = arith.index_cast %parallel_loop3A_1334 : i32 to index
        %parallel_loop3A_1348 = tpu.vector_load %arg6[%parallel_loop3A_1344, %parallel_loop3A_1345, %parallel_loop3A_1346, %parallel_loop3A_1347] {strides = array<i32>} : memref<2x4x8x256xf32, #tpu.memory_space<vmem>>, vector<1x1x1x16xf32>,
        %parallel_loop3A_1349 = vector.shape_cast %parallel_loop3A_1348 : vector<1x1x1x16xf32> to vector<16xf32>
        %parallel_loop3A_1350 = vector.shape_cast %parallel_loop3A_1343 : vector<16xf32> to vector<1x1x1x16xf32>
        tpu.vector_store %arg6[%parallel_loop3A_1344, %parallel_loop3A_1345, %parallel_loop3A_1346, %parallel_loop3A_1347], %parallel_loop3A_1350 {add = true, strides = array<i32>} : memref<2x4x8x256xf32, #tpu.memory_space<vmem>>, vector<1x1x1x16xf32>,
      } {sc.loop_unroll_factor = 8 : i64, sc.parallel_access}
      %parallel_loop3A_1038 = arith.constant 0 : i32
      %parallel_loop3A_1039 = arith.constant 2048 : i32
      %parallel_loop3A_1040 = arith.constant 16 : i32
      scf.for %parallel_loop3A_1329 = %parallel_loop3A_1038 to %parallel_loop3A_1039 step %parallel_loop3A_1040  : i32 {
        %parallel_loop3A_1330 = arith.constant 8 : i32
        %parallel_loop3A_1331 = arith.shrui %parallel_loop3A_1329, %parallel_loop3A_1330 : i32
        %parallel_loop3A_1332 = arith.constant 255 : i32
        %parallel_loop3A_1333 = arith.andi %parallel_loop3A_1329, %parallel_loop3A_1332 : i32
        %parallel_loop3A_1334 = tpu.assume_multiple %parallel_loop3A_1333, 16 : i32
        %parallel_loop3A_1335 = arith.constant 10 : i32
        %parallel_loop3A_1336 = arith.index_cast %rem3A_945 : i32 to index
        %parallel_loop3A_1337 = arith.index_cast %parallel_loop3A_1335 : i32 to index
        %parallel_loop3A_1338 = arith.index_cast %parallel_loop3A_1331 : i32 to index
        %parallel_loop3A_1339 = arith.index_cast %parallel_loop3A_1334 : i32 to index
        %parallel_loop3A_1340 = tpu.vector_load %arg5[%parallel_loop3A_1336, %parallel_loop3A_1337, %parallel_loop3A_1338, %parallel_loop3A_1339] {strides = array<i32>} : memref<3x16x8x256xf32, #tpu.memory_space<vmem>>, vector<1x1x1x16xf32>,
        %parallel_loop3A_1341 = vector.shape_cast %parallel_loop3A_1340 : vector<1x1x1x16xf32> to vector<16xf32>
        %parallel_loop3A_1342 = vector.broadcast %select_n3A_803 : f32 to vector<16xf32>
        %parallel_loop3A_1343 = arith.mulf %parallel_loop3A_1341, %parallel_loop3A_1342 : vector<16xf32>
        %parallel_loop3A_1344 = arith.index_cast %rem3A_947 : i32 to index
        %parallel_loop3A_1345 = arith.index_cast %squeeze3A_65 : i32 to index
        %parallel_loop3A_1346 = arith.index_cast %parallel_loop3A_1331 : i32 to index
        %parallel_loop3A_1347 = arith.index_cast %parallel_loop3A_1334 : i32 to index
        %parallel_loop3A_1348 = tpu.vector_load %arg6[%parallel_loop3A_1344, %parallel_loop3A_1345, %parallel_loop3A_1346, %parallel_loop3A_1347] {strides = array<i32>} : memref<2x4x8x256xf32, #tpu.memory_space<vmem>>, vector<1x1x1x16xf32>,
        %parallel_loop3A_1349 = vector.shape_cast %parallel_loop3A_1348 : vector<1x1x1x16xf32> to vector<16xf32>
        %parallel_loop3A_1350 = vector.shape_cast %parallel_loop3A_1343 : vector<16xf32> to vector<1x1x1x16xf32>
        tpu.vector_store %arg6[%parallel_loop3A_1344, %parallel_loop3A_1345, %parallel_loop3A_1346, %parallel_loop3A_1347], %parallel_loop3A_1350 {add = true, strides = array<i32>} : memref<2x4x8x256xf32, #tpu.memory_space<vmem>>, vector<1x1x1x16xf32>,
      } {sc.loop_unroll_factor = 8 : i64, sc.parallel_access}
      %parallel_loop3A_1041 = arith.constant 0 : i32
      %parallel_loop3A_1042 = arith.constant 2048 : i32
      %parallel_loop3A_1043 = arith.constant 16 : i32
      scf.for %parallel_loop3A_1329 = %parallel_loop3A_1041 to %parallel_loop3A_1042 step %parallel_loop3A_1043  : i32 {
        %parallel_loop3A_1330 = arith.constant 8 : i32
        %parallel_loop3A_1331 = arith.shrui %parallel_loop3A_1329, %parallel_loop3A_1330 : i32
        %parallel_loop3A_1332 = arith.constant 255 : i32
        %parallel_loop3A_1333 = arith.andi %parallel_loop3A_1329, %parallel_loop3A_1332 : i32
        %parallel_loop3A_1334 = tpu.assume_multiple %parallel_loop3A_1333, 16 : i32
        %parallel_loop3A_1335 = arith.constant 11 : i32
        %parallel_loop3A_1336 = arith.index_cast %rem3A_945 : i32 to index
        %parallel_loop3A_1337 = arith.index_cast %parallel_loop3A_1335 : i32 to index
        %parallel_loop3A_1338 = arith.index_cast %parallel_loop3A_1331 : i32 to index
        %parallel_loop3A_1339 = arith.index_cast %parallel_loop3A_1334 : i32 to index
        %parallel_loop3A_1340 = tpu.vector_load %arg5[%parallel_loop3A_1336, %parallel_loop3A_1337, %parallel_loop3A_1338, %parallel_loop3A_1339] {strides = array<i32>} : memref<3x16x8x256xf32, #tpu.memory_space<vmem>>, vector<1x1x1x16xf32>,
        %parallel_loop3A_1341 = vector.shape_cast %parallel_loop3A_1340 : vector<1x1x1x16xf32> to vector<16xf32>
        %parallel_loop3A_1342 = vector.broadcast %select_n3A_812 : f32 to vector<16xf32>
        %parallel_loop3A_1343 = arith.mulf %parallel_loop3A_1341, %parallel_loop3A_1342 : vector<16xf32>
        %parallel_loop3A_1344 = arith.index_cast %rem3A_947 : i32 to index
        %parallel_loop3A_1345 = arith.index_cast %squeeze3A_67 : i32 to index
        %parallel_loop3A_1346 = arith.index_cast %parallel_loop3A_1331 : i32 to index
        %parallel_loop3A_1347 = arith.index_cast %parallel_loop3A_1334 : i32 to index
        %parallel_loop3A_1348 = tpu.vector_load %arg6[%parallel_loop3A_1344, %parallel_loop3A_1345, %parallel_loop3A_1346, %parallel_loop3A_1347] {strides = array<i32>} : memref<2x4x8x256xf32, #tpu.memory_space<vmem>>, vector<1x1x1x16xf32>,
        %parallel_loop3A_1349 = vector.shape_cast %parallel_loop3A_1348 : vector<1x1x1x16xf32> to vector<16xf32>
        %parallel_loop3A_1350 = vector.shape_cast %parallel_loop3A_1343 : vector<16xf32> to vector<1x1x1x16xf32>
        tpu.vector_store %arg6[%parallel_loop3A_1344, %parallel_loop3A_1345, %parallel_loop3A_1346, %parallel_loop3A_1347], %parallel_loop3A_1350 {add = true, strides = array<i32>} : memref<2x4x8x256xf32, #tpu.memory_space<vmem>>, vector<1x1x1x16xf32>,
      } {sc.loop_unroll_factor = 8 : i64, sc.parallel_access}
      %parallel_loop3A_1044 = arith.constant 0 : i32
      %parallel_loop3A_1045 = arith.constant 2048 : i32
      %parallel_loop3A_1046 = arith.constant 16 : i32
      scf.for %parallel_loop3A_1329 = %parallel_loop3A_1044 to %parallel_loop3A_1045 step %parallel_loop3A_1046  : i32 {
        %parallel_loop3A_1330 = arith.constant 8 : i32
        %parallel_loop3A_1331 = arith.shrui %parallel_loop3A_1329, %parallel_loop3A_1330 : i32
        %parallel_loop3A_1332 = arith.constant 255 : i32
        %parallel_loop3A_1333 = arith.andi %parallel_loop3A_1329, %parallel_loop3A_1332 : i32
        %parallel_loop3A_1334 = tpu.assume_multiple %parallel_loop3A_1333, 16 : i32
        %parallel_loop3A_1335 = arith.constant 12 : i32
        %parallel_loop3A_1336 = arith.index_cast %rem3A_945 : i32 to index
        %parallel_loop3A_1337 = arith.index_cast %parallel_loop3A_1335 : i32 to index
        %parallel_loop3A_1338 = arith.index_cast %parallel_loop3A_1331 : i32 to index
        %parallel_loop3A_1339 = arith.index_cast %parallel_loop3A_1334 : i32 to index
        %parallel_loop3A_1340 = tpu.vector_load %arg5[%parallel_loop3A_1336, %parallel_loop3A_1337, %parallel_loop3A_1338, %parallel_loop3A_1339] {strides = array<i32>} : memref<3x16x8x256xf32, #tpu.memory_space<vmem>>, vector<1x1x1x16xf32>,
        %parallel_loop3A_1341 = vector.shape_cast %parallel_loop3A_1340 : vector<1x1x1x16xf32> to vector<16xf32>
        %parallel_loop3A_1342 = vector.broadcast %select_n3A_821 : f32 to vector<16xf32>
        %parallel_loop3A_1343 = arith.mulf %parallel_loop3A_1341, %parallel_loop3A_1342 : vector<16xf32>
        %parallel_loop3A_1344 = arith.index_cast %rem3A_947 : i32 to index
        %parallel_loop3A_1345 = arith.index_cast %squeeze3A_69 : i32 to index
        %parallel_loop3A_1346 = arith.index_cast %parallel_loop3A_1331 : i32 to index
        %parallel_loop3A_1347 = arith.index_cast %parallel_loop3A_1334 : i32 to index
        %parallel_loop3A_1348 = tpu.vector_load %arg6[%parallel_loop3A_1344, %parallel_loop3A_1345, %parallel_loop3A_1346, %parallel_loop3A_1347] {strides = array<i32>} : memref<2x4x8x256xf32, #tpu.memory_space<vmem>>, vector<1x1x1x16xf32>,
        %parallel_loop3A_1349 = vector.shape_cast %parallel_loop3A_1348 : vector<1x1x1x16xf32> to vector<16xf32>
        %parallel_loop3A_1350 = vector.shape_cast %parallel_loop3A_1343 : vector<16xf32> to vector<1x1x1x16xf32>
        tpu.vector_store %arg6[%parallel_loop3A_1344, %parallel_loop3A_1345, %parallel_loop3A_1346, %parallel_loop3A_1347], %parallel_loop3A_1350 {add = true, strides = array<i32>} : memref<2x4x8x256xf32, #tpu.memory_space<vmem>>, vector<1x1x1x16xf32>,
      } {sc.loop_unroll_factor = 8 : i64, sc.parallel_access}
      %parallel_loop3A_1047 = arith.constant 0 : i32
      %parallel_loop3A_1048 = arith.constant 2048 : i32
      %parallel_loop3A_1049 = arith.constant 16 : i32
      scf.for %parallel_loop3A_1329 = %parallel_loop3A_1047 to %parallel_loop3A_1048 step %parallel_loop3A_1049  : i32 {
        %parallel_loop3A_1330 = arith.constant 8 : i32
        %parallel_loop3A_1331 = arith.shrui %parallel_loop3A_1329, %parallel_loop3A_1330 : i32
        %parallel_loop3A_1332 = arith.constant 255 : i32
        %parallel_loop3A_1333 = arith.andi %parallel_loop3A_1329, %parallel_loop3A_1332 : i32
        %parallel_loop3A_1334 = tpu.assume_multiple %parallel_loop3A_1333, 16 : i32
        %parallel_loop3A_1335 = arith.constant 13 : i32
        %parallel_loop3A_1336 = arith.index_cast %rem3A_945 : i32 to index
        %parallel_loop3A_1337 = arith.index_cast %parallel_loop3A_1335 : i32 to index
        %parallel_loop3A_1338 = arith.index_cast %parallel_loop3A_1331 : i32 to index
        %parallel_loop3A_1339 = arith.index_cast %parallel_loop3A_1334 : i32 to index
        %parallel_loop3A_1340 = tpu.vector_load %arg5[%parallel_loop3A_1336, %parallel_loop3A_1337, %parallel_loop3A_1338, %parallel_loop3A_1339] {strides = array<i32>} : memref<3x16x8x256xf32, #tpu.memory_space<vmem>>, vector<1x1x1x16xf32>,
        %parallel_loop3A_1341 = vector.shape_cast %parallel_loop3A_1340 : vector<1x1x1x16xf32> to vector<16xf32>
        %parallel_loop3A_1342 = vector.broadcast %select_n3A_830 : f32 to vector<16xf32>
        %parallel_loop3A_1343 = arith.mulf %parallel_loop3A_1341, %parallel_loop3A_1342 : vector<16xf32>
        %parallel_loop3A_1344 = arith.index_cast %rem3A_947 : i32 to index
        %parallel_loop3A_1345 = arith.index_cast %squeeze3A_71 : i32 to index
        %parallel_loop3A_1346 = arith.index_cast %parallel_loop3A_1331 : i32 to index
        %parallel_loop3A_1347 = arith.index_cast %parallel_loop3A_1334 : i32 to index
        %parallel_loop3A_1348 = tpu.vector_load %arg6[%parallel_loop3A_1344, %parallel_loop3A_1345, %parallel_loop3A_1346, %parallel_loop3A_1347] {strides = array<i32>} : memref<2x4x8x256xf32, #tpu.memory_space<vmem>>, vector<1x1x1x16xf32>,
        %parallel_loop3A_1349 = vector.shape_cast %parallel_loop3A_1348 : vector<1x1x1x16xf32> to vector<16xf32>
        %parallel_loop3A_1350 = vector.shape_cast %parallel_loop3A_1343 : vector<16xf32> to vector<1x1x1x16xf32>
        tpu.vector_store %arg6[%parallel_loop3A_1344, %parallel_loop3A_1345, %parallel_loop3A_1346, %parallel_loop3A_1347], %parallel_loop3A_1350 {add = true, strides = array<i32>} : memref<2x4x8x256xf32, #tpu.memory_space<vmem>>, vector<1x1x1x16xf32>,
      } {sc.loop_unroll_factor = 8 : i64, sc.parallel_access}
      %parallel_loop3A_1050 = arith.constant 0 : i32
      %parallel_loop3A_1051 = arith.constant 2048 : i32
      %parallel_loop3A_1052 = arith.constant 16 : i32
      scf.for %parallel_loop3A_1329 = %parallel_loop3A_1050 to %parallel_loop3A_1051 step %parallel_loop3A_1052  : i32 {
        %parallel_loop3A_1330 = arith.constant 8 : i32
        %parallel_loop3A_1331 = arith.shrui %parallel_loop3A_1329, %parallel_loop3A_1330 : i32
        %parallel_loop3A_1332 = arith.constant 255 : i32
        %parallel_loop3A_1333 = arith.andi %parallel_loop3A_1329, %parallel_loop3A_1332 : i32
        %parallel_loop3A_1334 = tpu.assume_multiple %parallel_loop3A_1333, 16 : i32
        %parallel_loop3A_1335 = arith.constant 14 : i32
        %parallel_loop3A_1336 = arith.index_cast %rem3A_945 : i32 to index
        %parallel_loop3A_1337 = arith.index_cast %parallel_loop3A_1335 : i32 to index
        %parallel_loop3A_1338 = arith.index_cast %parallel_loop3A_1331 : i32 to index
        %parallel_loop3A_1339 = arith.index_cast %parallel_loop3A_1334 : i32 to index
        %parallel_loop3A_1340 = tpu.vector_load %arg5[%parallel_loop3A_1336, %parallel_loop3A_1337, %parallel_loop3A_1338, %parallel_loop3A_1339] {strides = array<i32>} : memref<3x16x8x256xf32, #tpu.memory_space<vmem>>, vector<1x1x1x16xf32>,
        %parallel_loop3A_1341 = vector.shape_cast %parallel_loop3A_1340 : vector<1x1x1x16xf32> to vector<16xf32>
        %parallel_loop3A_1342 = vector.broadcast %select_n3A_839 : f32 to vector<16xf32>
        %parallel_loop3A_1343 = arith.mulf %parallel_loop3A_1341, %parallel_loop3A_1342 : vector<16xf32>
        %parallel_loop3A_1344 = arith.index_cast %rem3A_947 : i32 to index
        %parallel_loop3A_1345 = arith.index_cast %squeeze3A_73 : i32 to index
        %parallel_loop3A_1346 = arith.index_cast %parallel_loop3A_1331 : i32 to index
        %parallel_loop3A_1347 = arith.index_cast %parallel_loop3A_1334 : i32 to index
        %parallel_loop3A_1348 = tpu.vector_load %arg6[%parallel_loop3A_1344, %parallel_loop3A_1345, %parallel_loop3A_1346, %parallel_loop3A_1347] {strides = array<i32>} : memref<2x4x8x256xf32, #tpu.memory_space<vmem>>, vector<1x1x1x16xf32>,
        %parallel_loop3A_1349 = vector.shape_cast %parallel_loop3A_1348 : vector<1x1x1x16xf32> to vector<16xf32>
        %parallel_loop3A_1350 = vector.shape_cast %parallel_loop3A_1343 : vector<16xf32> to vector<1x1x1x16xf32>
        tpu.vector_store %arg6[%parallel_loop3A_1344, %parallel_loop3A_1345, %parallel_loop3A_1346, %parallel_loop3A_1347], %parallel_loop3A_1350 {add = true, strides = array<i32>} : memref<2x4x8x256xf32, #tpu.memory_space<vmem>>, vector<1x1x1x16xf32>,
      } {sc.loop_unroll_factor = 8 : i64, sc.parallel_access}
      %parallel_loop3A_1053 = arith.constant 0 : i32
      %parallel_loop3A_1054 = arith.constant 2048 : i32
      %parallel_loop3A_1055 = arith.constant 16 : i32
      scf.for %parallel_loop3A_1329 = %parallel_loop3A_1053 to %parallel_loop3A_1054 step %parallel_loop3A_1055  : i32 {
        %parallel_loop3A_1330 = arith.constant 8 : i32
        %parallel_loop3A_1331 = arith.shrui %parallel_loop3A_1329, %parallel_loop3A_1330 : i32
        %parallel_loop3A_1332 = arith.constant 255 : i32
        %parallel_loop3A_1333 = arith.andi %parallel_loop3A_1329, %parallel_loop3A_1332 : i32
        %parallel_loop3A_1334 = tpu.assume_multiple %parallel_loop3A_1333, 16 : i32
        %parallel_loop3A_1335 = arith.constant 15 : i32
        %parallel_loop3A_1336 = arith.index_cast %rem3A_945 : i32 to index
        %parallel_loop3A_1337 = arith.index_cast %parallel_loop3A_1335 : i32 to index
        %parallel_loop3A_1338 = arith.index_cast %parallel_loop3A_1331 : i32 to index
        %parallel_loop3A_1339 = arith.index_cast %parallel_loop3A_1334 : i32 to index
        %parallel_loop3A_1340 = tpu.vector_load %arg5[%parallel_loop3A_1336, %parallel_loop3A_1337, %parallel_loop3A_1338, %parallel_loop3A_1339] {strides = array<i32>} : memref<3x16x8x256xf32, #tpu.memory_space<vmem>>, vector<1x1x1x16xf32>,
        %parallel_loop3A_1341 = vector.shape_cast %parallel_loop3A_1340 : vector<1x1x1x16xf32> to vector<16xf32>
        %parallel_loop3A_1342 = vector.broadcast %select_n3A_848 : f32 to vector<16xf32>
        %parallel_loop3A_1343 = arith.mulf %parallel_loop3A_1341, %parallel_loop3A_1342 : vector<16xf32>
        %parallel_loop3A_1344 = arith.index_cast %rem3A_947 : i32 to index
        %parallel_loop3A_1345 = arith.index_cast %squeeze3A_75 : i32 to index
        %parallel_loop3A_1346 = arith.index_cast %parallel_loop3A_1331 : i32 to index
        %parallel_loop3A_1347 = arith.index_cast %parallel_loop3A_1334 : i32 to index
        %parallel_loop3A_1348 = tpu.vector_load %arg6[%parallel_loop3A_1344, %parallel_loop3A_1345, %parallel_loop3A_1346, %parallel_loop3A_1347] {strides = array<i32>} : memref<2x4x8x256xf32, #tpu.memory_space<vmem>>, vector<1x1x1x16xf32>,
        %parallel_loop3A_1349 = vector.shape_cast %parallel_loop3A_1348 : vector<1x1x1x16xf32> to vector<16xf32>
        %parallel_loop3A_1350 = vector.shape_cast %parallel_loop3A_1343 : vector<16xf32> to vector<1x1x1x16xf32>
        tpu.vector_store %arg6[%parallel_loop3A_1344, %parallel_loop3A_1345, %parallel_loop3A_1346, %parallel_loop3A_1347], %parallel_loop3A_1350 {add = true, strides = array<i32>} : memref<2x4x8x256xf32, #tpu.memory_space<vmem>>, vector<1x1x1x16xf32>,
      } {sc.loop_unroll_factor = 8 : i64, sc.parallel_access}
      %dma_start3A_1056 = arith.constant 0 : i32
      %dma_start3A_1057 = arith.constant 0 : i32
      %dma_start3A_1058 = arith.constant 0 : i32
      %dma_start3A_1059 = tpu.memref_slice %arg6[%rem3A_947, %squeeze3A, %dma_start3A_1057, %dma_start3A_1058] : memref<2x4x8x256xf32, #tpu.memory_space<vmem>> -> memref<1x1x8x256xf32, #tpu.memory_space<vmem>>
      %dma_start3A_1060 = tpu.memref_squeeze %dma_start3A_1059 : memref<1x1x8x256xf32, #tpu.memory_space<vmem>> -> memref<8x256xf32, #tpu.memory_space<vmem>>
      %dma_start3A_1061 = arith.constant 256 : i32
      %dma_start3A_1062 = tpu.memref_slice %arg4[%dma_start3A_1056, %add3A_950, %dma_start3A_1061] : memref<16x4096x512xf32, #tpu.memory_space<hbm>> -> memref<1x8x256xf32, #tpu.memory_space<hbm>>
      %dma_start3A_1063 = tpu.memref_squeeze %dma_start3A_1062 : memref<1x8x256xf32, #tpu.memory_space<hbm>> -> memref<8x256xf32, #tpu.memory_space<hbm>>
      %dma_start3A_1064 = tpu.memref_slice %arg10[%rem3A_947] : memref<2x!tpu.dma_semaphore, #tpu.memory_space<semaphore_mem>> -> memref<1x!tpu.dma_semaphore, #tpu.memory_space<semaphore_mem>>
      %dma_start3A_1065 = tpu.memref_squeeze %dma_start3A_1064 : memref<1x!tpu.dma_semaphore, #tpu.memory_space<semaphore_mem>> -> memref<!tpu.dma_semaphore, #tpu.memory_space<semaphore_mem>>
      %dma_start3A_1066 = arith.constant 256 : i32
      %dma_start3A_1067 = tpu.memref_slice %arg4[%dma_start3A_1056, %add3A_950, %dma_start3A_1066] : memref<16x4096x512xf32, #tpu.memory_space<hbm>> -> memref<1x8x256xf32, #tpu.memory_space<hbm>>
      %dma_start3A_1068 = tpu.memref_squeeze %dma_start3A_1067 : memref<1x8x256xf32, #tpu.memory_space<hbm>> -> memref<8x256xf32, #tpu.memory_space<hbm>>
      %dma_start3A_1069 = arith.constant 0 : i32
      %dma_start3A_1070 = arith.constant 0 : i32
      %dma_start3A_1071 = tpu.memref_slice %arg6[%rem3A_947, %squeeze3A, %dma_start3A_1069, %dma_start3A_1070] : memref<2x4x8x256xf32, #tpu.memory_space<vmem>> -> memref<1x1x8x256xf32, #tpu.memory_space<vmem>>
      %dma_start3A_1072 = tpu.memref_squeeze %dma_start3A_1071 : memref<1x1x8x256xf32, #tpu.memory_space<vmem>> -> memref<8x256xf32, #tpu.memory_space<vmem>>
      tpu.enqueue_dma source(%dma_start3A_1072 : memref<8x256xf32, #tpu.memory_space<vmem>>) target(%dma_start3A_1068 : memref<8x256xf32, #tpu.memory_space<hbm>>) target_semaphore(%dma_start3A_1065 : memref<!tpu.dma_semaphore, #tpu.memory_space<semaphore_mem>>)
      %dma_start3A_1073 = arith.constant 1 : i32
      %dma_start3A_1074 = arith.constant 0 : i32
      %dma_start3A_1075 = arith.constant 0 : i32
      %dma_start3A_1076 = tpu.memref_slice %arg6[%rem3A_947, %squeeze3A_47, %dma_start3A_1074, %dma_start3A_1075] : memref<2x4x8x256xf32, #tpu.memory_space<vmem>> -> memref<1x1x8x256xf32, #tpu.memory_space<vmem>>
      %dma_start3A_1077 = tpu.memref_squeeze %dma_start3A_1076 : memref<1x1x8x256xf32, #tpu.memory_space<vmem>> -> memref<8x256xf32, #tpu.memory_space<vmem>>
      %dma_start3A_1078 = arith.constant 256 : i32
      %dma_start3A_1079 = tpu.memref_slice %arg4[%dma_start3A_1073, %add3A_950, %dma_start3A_1078] : memref<16x4096x512xf32, #tpu.memory_space<hbm>> -> memref<1x8x256xf32, #tpu.memory_space<hbm>>
      %dma_start3A_1080 = tpu.memref_squeeze %dma_start3A_1079 : memref<1x8x256xf32, #tpu.memory_space<hbm>> -> memref<8x256xf32, #tpu.memory_space<hbm>>
      %dma_start3A_1081 = tpu.memref_slice %arg10[%rem3A_947] : memref<2x!tpu.dma_semaphore, #tpu.memory_space<semaphore_mem>> -> memref<1x!tpu.dma_semaphore, #tpu.memory_space<semaphore_mem>>
      %dma_start3A_1082 = tpu.memref_squeeze %dma_start3A_1081 : memref<1x!tpu.dma_semaphore, #tpu.memory_space<semaphore_mem>> -> memref<!tpu.dma_semaphore, #tpu.memory_space<semaphore_mem>>
      %dma_start3A_1083 = arith.constant 256 : i32
      %dma_start3A_1084 = tpu.memref_slice %arg4[%dma_start3A_1073, %add3A_950, %dma_start3A_1083] : memref<16x4096x512xf32, #tpu.memory_space<hbm>> -> memref<1x8x256xf32, #tpu.memory_space<hbm>>
      %dma_start3A_1085 = tpu.memref_squeeze %dma_start3A_1084 : memref<1x8x256xf32, #tpu.memory_space<hbm>> -> memref<8x256xf32, #tpu.memory_space<hbm>>
      %dma_start3A_1086 = arith.constant 0 : i32
      %dma_start3A_1087 = arith.constant 0 : i32
      %dma_start3A_1088 = tpu.memref_slice %arg6[%rem3A_947, %squeeze3A_47, %dma_start3A_1086, %dma_start3A_1087] : memref<2x4x8x256xf32, #tpu.memory_space<vmem>> -> memref<1x1x8x256xf32, #tpu.memory_space<vmem>>
      %dma_start3A_1089 = tpu.memref_squeeze %dma_start3A_1088 : memref<1x1x8x256xf32, #tpu.memory_space<vmem>> -> memref<8x256xf32, #tpu.memory_space<vmem>>
      tpu.enqueue_dma source(%dma_start3A_1089 : memref<8x256xf32, #tpu.memory_space<vmem>>) target(%dma_start3A_1085 : memref<8x256xf32, #tpu.memory_space<hbm>>) target_semaphore(%dma_start3A_1082 : memref<!tpu.dma_semaphore, #tpu.memory_space<semaphore_mem>>)
      %dma_start3A_1090 = arith.constant 2 : i32
      %dma_start3A_1091 = arith.constant 0 : i32
      %dma_start3A_1092 = arith.constant 0 : i32
      %dma_start3A_1093 = tpu.memref_slice %arg6[%rem3A_947, %squeeze3A_49, %dma_start3A_1091, %dma_start3A_1092] : memref<2x4x8x256xf32, #tpu.memory_space<vmem>> -> memref<1x1x8x256xf32, #tpu.memory_space<vmem>>
      %dma_start3A_1094 = tpu.memref_squeeze %dma_start3A_1093 : memref<1x1x8x256xf32, #tpu.memory_space<vmem>> -> memref<8x256xf32, #tpu.memory_space<vmem>>
      %dma_start3A_1095 = arith.constant 256 : i32
      %dma_start3A_1096 = tpu.memref_slice %arg4[%dma_start3A_1090, %add3A_950, %dma_start3A_1095] : memref<16x4096x512xf32, #tpu.memory_space<hbm>> -> memref<1x8x256xf32, #tpu.memory_space<hbm>>
      %dma_start3A_1097 = tpu.memref_squeeze %dma_start3A_1096 : memref<1x8x256xf32, #tpu.memory_space<hbm>> -> memref<8x256xf32, #tpu.memory_space<hbm>>
      %dma_start3A_1098 = tpu.memref_slice %arg10[%rem3A_947] : memref<2x!tpu.dma_semaphore, #tpu.memory_space<semaphore_mem>> -> memref<1x!tpu.dma_semaphore, #tpu.memory_space<semaphore_mem>>
      %dma_start3A_1099 = tpu.memref_squeeze %dma_start3A_1098 : memref<1x!tpu.dma_semaphore, #tpu.memory_space<semaphore_mem>> -> memref<!tpu.dma_semaphore, #tpu.memory_space<semaphore_mem>>
      %dma_start3A_1100 = arith.constant 256 : i32
      %dma_start3A_1101 = tpu.memref_slice %arg4[%dma_start3A_1090, %add3A_950, %dma_start3A_1100] : memref<16x4096x512xf32, #tpu.memory_space<hbm>> -> memref<1x8x256xf32, #tpu.memory_space<hbm>>
      %dma_start3A_1102 = tpu.memref_squeeze %dma_start3A_1101 : memref<1x8x256xf32, #tpu.memory_space<hbm>> -> memref<8x256xf32, #tpu.memory_space<hbm>>
      %dma_start3A_1103 = arith.constant 0 : i32
      %dma_start3A_1104 = arith.constant 0 : i32
      %dma_start3A_1105 = tpu.memref_slice %arg6[%rem3A_947, %squeeze3A_49, %dma_start3A_1103, %dma_start3A_1104] : memref<2x4x8x256xf32, #tpu.memory_space<vmem>> -> memref<1x1x8x256xf32, #tpu.memory_space<vmem>>
      %dma_start3A_1106 = tpu.memref_squeeze %dma_start3A_1105 : memref<1x1x8x256xf32, #tpu.memory_space<vmem>> -> memref<8x256xf32, #tpu.memory_space<vmem>>
      tpu.enqueue_dma source(%dma_start3A_1106 : memref<8x256xf32, #tpu.memory_space<vmem>>) target(%dma_start3A_1102 : memref<8x256xf32, #tpu.memory_space<hbm>>) target_semaphore(%dma_start3A_1099 : memref<!tpu.dma_semaphore, #tpu.memory_space<semaphore_mem>>)
      %dma_start3A_1107 = arith.constant 3 : i32
      %dma_start3A_1108 = arith.constant 0 : i32
      %dma_start3A_1109 = arith.constant 0 : i32
      %dma_start3A_1110 = tpu.memref_slice %arg6[%rem3A_947, %squeeze3A_51, %dma_start3A_1108, %dma_start3A_1109] : memref<2x4x8x256xf32, #tpu.memory_space<vmem>> -> memref<1x1x8x256xf32, #tpu.memory_space<vmem>>
      %dma_start3A_1111 = tpu.memref_squeeze %dma_start3A_1110 : memref<1x1x8x256xf32, #tpu.memory_space<vmem>> -> memref<8x256xf32, #tpu.memory_space<vmem>>
      %dma_start3A_1112 = arith.constant 256 : i32
      %dma_start3A_1113 = tpu.memref_slice %arg4[%dma_start3A_1107, %add3A_950, %dma_start3A_1112] : memref<16x4096x512xf32, #tpu.memory_space<hbm>> -> memref<1x8x256xf32, #tpu.memory_space<hbm>>
      %dma_start3A_1114 = tpu.memref_squeeze %dma_start3A_1113 : memref<1x8x256xf32, #tpu.memory_space<hbm>> -> memref<8x256xf32, #tpu.memory_space<hbm>>
      %dma_start3A_1115 = tpu.memref_slice %arg10[%rem3A_947] : memref<2x!tpu.dma_semaphore, #tpu.memory_space<semaphore_mem>> -> memref<1x!tpu.dma_semaphore, #tpu.memory_space<semaphore_mem>>
      %dma_start3A_1116 = tpu.memref_squeeze %dma_start3A_1115 : memref<1x!tpu.dma_semaphore, #tpu.memory_space<semaphore_mem>> -> memref<!tpu.dma_semaphore, #tpu.memory_space<semaphore_mem>>
      %dma_start3A_1117 = arith.constant 256 : i32
      %dma_start3A_1118 = tpu.memref_slice %arg4[%dma_start3A_1107, %add3A_950, %dma_start3A_1117] : memref<16x4096x512xf32, #tpu.memory_space<hbm>> -> memref<1x8x256xf32, #tpu.memory_space<hbm>>
      %dma_start3A_1119 = tpu.memref_squeeze %dma_start3A_1118 : memref<1x8x256xf32, #tpu.memory_space<hbm>> -> memref<8x256xf32, #tpu.memory_space<hbm>>
      %dma_start3A_1120 = arith.constant 0 : i32
      %dma_start3A_1121 = arith.constant 0 : i32
      %dma_start3A_1122 = tpu.memref_slice %arg6[%rem3A_947, %squeeze3A_51, %dma_start3A_1120, %dma_start3A_1121] : memref<2x4x8x256xf32, #tpu.memory_space<vmem>> -> memref<1x1x8x256xf32, #tpu.memory_space<vmem>>
      %dma_start3A_1123 = tpu.memref_squeeze %dma_start3A_1122 : memref<1x1x8x256xf32, #tpu.memory_space<vmem>> -> memref<8x256xf32, #tpu.memory_space<vmem>>
      tpu.enqueue_dma source(%dma_start3A_1123 : memref<8x256xf32, #tpu.memory_space<vmem>>) target(%dma_start3A_1119 : memref<8x256xf32, #tpu.memory_space<hbm>>) target_semaphore(%dma_start3A_1116 : memref<!tpu.dma_semaphore, #tpu.memory_space<semaphore_mem>>)
      %dma_start3A_1124 = arith.constant 4 : i32
      %dma_start3A_1125 = arith.constant 0 : i32
      %dma_start3A_1126 = arith.constant 0 : i32
      %dma_start3A_1127 = tpu.memref_slice %arg6[%rem3A_947, %squeeze3A_53, %dma_start3A_1125, %dma_start3A_1126] : memref<2x4x8x256xf32, #tpu.memory_space<vmem>> -> memref<1x1x8x256xf32, #tpu.memory_space<vmem>>
      %dma_start3A_1128 = tpu.memref_squeeze %dma_start3A_1127 : memref<1x1x8x256xf32, #tpu.memory_space<vmem>> -> memref<8x256xf32, #tpu.memory_space<vmem>>
      %dma_start3A_1129 = arith.constant 256 : i32
      %dma_start3A_1130 = tpu.memref_slice %arg4[%dma_start3A_1124, %add3A_950, %dma_start3A_1129] : memref<16x4096x512xf32, #tpu.memory_space<hbm>> -> memref<1x8x256xf32, #tpu.memory_space<hbm>>
      %dma_start3A_1131 = tpu.memref_squeeze %dma_start3A_1130 : memref<1x8x256xf32, #tpu.memory_space<hbm>> -> memref<8x256xf32, #tpu.memory_space<hbm>>
      %dma_start3A_1132 = tpu.memref_slice %arg10[%rem3A_947] : memref<2x!tpu.dma_semaphore, #tpu.memory_space<semaphore_mem>> -> memref<1x!tpu.dma_semaphore, #tpu.memory_space<semaphore_mem>>
      %dma_start3A_1133 = tpu.memref_squeeze %dma_start3A_1132 : memref<1x!tpu.dma_semaphore, #tpu.memory_space<semaphore_mem>> -> memref<!tpu.dma_semaphore, #tpu.memory_space<semaphore_mem>>
      %dma_start3A_1134 = arith.constant 256 : i32
      %dma_start3A_1135 = tpu.memref_slice %arg4[%dma_start3A_1124, %add3A_950, %dma_start3A_1134] : memref<16x4096x512xf32, #tpu.memory_space<hbm>> -> memref<1x8x256xf32, #tpu.memory_space<hbm>>
      %dma_start3A_1136 = tpu.memref_squeeze %dma_start3A_1135 : memref<1x8x256xf32, #tpu.memory_space<hbm>> -> memref<8x256xf32, #tpu.memory_space<hbm>>
      %dma_start3A_1137 = arith.constant 0 : i32
      %dma_start3A_1138 = arith.constant 0 : i32
      %dma_start3A_1139 = tpu.memref_slice %arg6[%rem3A_947, %squeeze3A_53, %dma_start3A_1137, %dma_start3A_1138] : memref<2x4x8x256xf32, #tpu.memory_space<vmem>> -> memref<1x1x8x256xf32, #tpu.memory_space<vmem>>
      %dma_start3A_1140 = tpu.memref_squeeze %dma_start3A_1139 : memref<1x1x8x256xf32, #tpu.memory_space<vmem>> -> memref<8x256xf32, #tpu.memory_space<vmem>>
      tpu.enqueue_dma source(%dma_start3A_1140 : memref<8x256xf32, #tpu.memory_space<vmem>>) target(%dma_start3A_1136 : memref<8x256xf32, #tpu.memory_space<hbm>>) target_semaphore(%dma_start3A_1133 : memref<!tpu.dma_semaphore, #tpu.memory_space<semaphore_mem>>)
      %dma_start3A_1141 = arith.constant 5 : i32
      %dma_start3A_1142 = arith.constant 0 : i32
      %dma_start3A_1143 = arith.constant 0 : i32
      %dma_start3A_1144 = tpu.memref_slice %arg6[%rem3A_947, %squeeze3A_55, %dma_start3A_1142, %dma_start3A_1143] : memref<2x4x8x256xf32, #tpu.memory_space<vmem>> -> memref<1x1x8x256xf32, #tpu.memory_space<vmem>>
      %dma_start3A_1145 = tpu.memref_squeeze %dma_start3A_1144 : memref<1x1x8x256xf32, #tpu.memory_space<vmem>> -> memref<8x256xf32, #tpu.memory_space<vmem>>
      %dma_start3A_1146 = arith.constant 256 : i32
      %dma_start3A_1147 = tpu.memref_slice %arg4[%dma_start3A_1141, %add3A_950, %dma_start3A_1146] : memref<16x4096x512xf32, #tpu.memory_space<hbm>> -> memref<1x8x256xf32, #tpu.memory_space<hbm>>
      %dma_start3A_1148 = tpu.memref_squeeze %dma_start3A_1147 : memref<1x8x256xf32, #tpu.memory_space<hbm>> -> memref<8x256xf32, #tpu.memory_space<hbm>>
      %dma_start3A_1149 = tpu.memref_slice %arg10[%rem3A_947] : memref<2x!tpu.dma_semaphore, #tpu.memory_space<semaphore_mem>> -> memref<1x!tpu.dma_semaphore, #tpu.memory_space<semaphore_mem>>
      %dma_start3A_1150 = tpu.memref_squeeze %dma_start3A_1149 : memref<1x!tpu.dma_semaphore, #tpu.memory_space<semaphore_mem>> -> memref<!tpu.dma_semaphore, #tpu.memory_space<semaphore_mem>>
      %dma_start3A_1151 = arith.constant 256 : i32
      %dma_start3A_1152 = tpu.memref_slice %arg4[%dma_start3A_1141, %add3A_950, %dma_start3A_1151] : memref<16x4096x512xf32, #tpu.memory_space<hbm>> -> memref<1x8x256xf32, #tpu.memory_space<hbm>>
      %dma_start3A_1153 = tpu.memref_squeeze %dma_start3A_1152 : memref<1x8x256xf32, #tpu.memory_space<hbm>> -> memref<8x256xf32, #tpu.memory_space<hbm>>
      %dma_start3A_1154 = arith.constant 0 : i32
      %dma_start3A_1155 = arith.constant 0 : i32
      %dma_start3A_1156 = tpu.memref_slice %arg6[%rem3A_947, %squeeze3A_55, %dma_start3A_1154, %dma_start3A_1155] : memref<2x4x8x256xf32, #tpu.memory_space<vmem>> -> memref<1x1x8x256xf32, #tpu.memory_space<vmem>>
      %dma_start3A_1157 = tpu.memref_squeeze %dma_start3A_1156 : memref<1x1x8x256xf32, #tpu.memory_space<vmem>> -> memref<8x256xf32, #tpu.memory_space<vmem>>
      tpu.enqueue_dma source(%dma_start3A_1157 : memref<8x256xf32, #tpu.memory_space<vmem>>) target(%dma_start3A_1153 : memref<8x256xf32, #tpu.memory_space<hbm>>) target_semaphore(%dma_start3A_1150 : memref<!tpu.dma_semaphore, #tpu.memory_space<semaphore_mem>>)
      %dma_start3A_1158 = arith.constant 6 : i32
      %dma_start3A_1159 = arith.constant 0 : i32
      %dma_start3A_1160 = arith.constant 0 : i32
      %dma_start3A_1161 = tpu.memref_slice %arg6[%rem3A_947, %squeeze3A_57, %dma_start3A_1159, %dma_start3A_1160] : memref<2x4x8x256xf32, #tpu.memory_space<vmem>> -> memref<1x1x8x256xf32, #tpu.memory_space<vmem>>
      %dma_start3A_1162 = tpu.memref_squeeze %dma_start3A_1161 : memref<1x1x8x256xf32, #tpu.memory_space<vmem>> -> memref<8x256xf32, #tpu.memory_space<vmem>>
      %dma_start3A_1163 = arith.constant 256 : i32
      %dma_start3A_1164 = tpu.memref_slice %arg4[%dma_start3A_1158, %add3A_950, %dma_start3A_1163] : memref<16x4096x512xf32, #tpu.memory_space<hbm>> -> memref<1x8x256xf32, #tpu.memory_space<hbm>>
      %dma_start3A_1165 = tpu.memref_squeeze %dma_start3A_1164 : memref<1x8x256xf32, #tpu.memory_space<hbm>> -> memref<8x256xf32, #tpu.memory_space<hbm>>
      %dma_start3A_1166 = tpu.memref_slice %arg10[%rem3A_947] : memref<2x!tpu.dma_semaphore, #tpu.memory_space<semaphore_mem>> -> memref<1x!tpu.dma_semaphore, #tpu.memory_space<semaphore_mem>>
      %dma_start3A_1167 = tpu.memref_squeeze %dma_start3A_1166 : memref<1x!tpu.dma_semaphore, #tpu.memory_space<semaphore_mem>> -> memref<!tpu.dma_semaphore, #tpu.memory_space<semaphore_mem>>
      %dma_start3A_1168 = arith.constant 256 : i32
      %dma_start3A_1169 = tpu.memref_slice %arg4[%dma_start3A_1158, %add3A_950, %dma_start3A_1168] : memref<16x4096x512xf32, #tpu.memory_space<hbm>> -> memref<1x8x256xf32, #tpu.memory_space<hbm>>
      %dma_start3A_1170 = tpu.memref_squeeze %dma_start3A_1169 : memref<1x8x256xf32, #tpu.memory_space<hbm>> -> memref<8x256xf32, #tpu.memory_space<hbm>>
      %dma_start3A_1171 = arith.constant 0 : i32
      %dma_start3A_1172 = arith.constant 0 : i32
      %dma_start3A_1173 = tpu.memref_slice %arg6[%rem3A_947, %squeeze3A_57, %dma_start3A_1171, %dma_start3A_1172] : memref<2x4x8x256xf32, #tpu.memory_space<vmem>> -> memref<1x1x8x256xf32, #tpu.memory_space<vmem>>
      %dma_start3A_1174 = tpu.memref_squeeze %dma_start3A_1173 : memref<1x1x8x256xf32, #tpu.memory_space<vmem>> -> memref<8x256xf32, #tpu.memory_space<vmem>>
      tpu.enqueue_dma source(%dma_start3A_1174 : memref<8x256xf32, #tpu.memory_space<vmem>>) target(%dma_start3A_1170 : memref<8x256xf32, #tpu.memory_space<hbm>>) target_semaphore(%dma_start3A_1167 : memref<!tpu.dma_semaphore, #tpu.memory_space<semaphore_mem>>)
      %dma_start3A_1175 = arith.constant 7 : i32
      %dma_start3A_1176 = arith.constant 0 : i32
      %dma_start3A_1177 = arith.constant 0 : i32
      %dma_start3A_1178 = tpu.memref_slice %arg6[%rem3A_947, %squeeze3A_59, %dma_start3A_1176, %dma_start3A_1177] : memref<2x4x8x256xf32, #tpu.memory_space<vmem>> -> memref<1x1x8x256xf32, #tpu.memory_space<vmem>>
      %dma_start3A_1179 = tpu.memref_squeeze %dma_start3A_1178 : memref<1x1x8x256xf32, #tpu.memory_space<vmem>> -> memref<8x256xf32, #tpu.memory_space<vmem>>
      %dma_start3A_1180 = arith.constant 256 : i32
      %dma_start3A_1181 = tpu.memref_slice %arg4[%dma_start3A_1175, %add3A_950, %dma_start3A_1180] : memref<16x4096x512xf32, #tpu.memory_space<hbm>> -> memref<1x8x256xf32, #tpu.memory_space<hbm>>
      %dma_start3A_1182 = tpu.memref_squeeze %dma_start3A_1181 : memref<1x8x256xf32, #tpu.memory_space<hbm>> -> memref<8x256xf32, #tpu.memory_space<hbm>>
      %dma_start3A_1183 = tpu.memref_slice %arg10[%rem3A_947] : memref<2x!tpu.dma_semaphore, #tpu.memory_space<semaphore_mem>> -> memref<1x!tpu.dma_semaphore, #tpu.memory_space<semaphore_mem>>
      %dma_start3A_1184 = tpu.memref_squeeze %dma_start3A_1183 : memref<1x!tpu.dma_semaphore, #tpu.memory_space<semaphore_mem>> -> memref<!tpu.dma_semaphore, #tpu.memory_space<semaphore_mem>>
      %dma_start3A_1185 = arith.constant 256 : i32
      %dma_start3A_1186 = tpu.memref_slice %arg4[%dma_start3A_1175, %add3A_950, %dma_start3A_1185] : memref<16x4096x512xf32, #tpu.memory_space<hbm>> -> memref<1x8x256xf32, #tpu.memory_space<hbm>>
      %dma_start3A_1187 = tpu.memref_squeeze %dma_start3A_1186 : memref<1x8x256xf32, #tpu.memory_space<hbm>> -> memref<8x256xf32, #tpu.memory_space<hbm>>
      %dma_start3A_1188 = arith.constant 0 : i32
      %dma_start3A_1189 = arith.constant 0 : i32
      %dma_start3A_1190 = tpu.memref_slice %arg6[%rem3A_947, %squeeze3A_59, %dma_start3A_1188, %dma_start3A_1189] : memref<2x4x8x256xf32, #tpu.memory_space<vmem>> -> memref<1x1x8x256xf32, #tpu.memory_space<vmem>>
      %dma_start3A_1191 = tpu.memref_squeeze %dma_start3A_1190 : memref<1x1x8x256xf32, #tpu.memory_space<vmem>> -> memref<8x256xf32, #tpu.memory_space<vmem>>
      tpu.enqueue_dma source(%dma_start3A_1191 : memref<8x256xf32, #tpu.memory_space<vmem>>) target(%dma_start3A_1187 : memref<8x256xf32, #tpu.memory_space<hbm>>) target_semaphore(%dma_start3A_1184 : memref<!tpu.dma_semaphore, #tpu.memory_space<semaphore_mem>>)
      %dma_start3A_1192 = arith.constant 8 : i32
      %dma_start3A_1193 = arith.constant 0 : i32
      %dma_start3A_1194 = arith.constant 0 : i32
      %dma_start3A_1195 = tpu.memref_slice %arg6[%rem3A_947, %squeeze3A_61, %dma_start3A_1193, %dma_start3A_1194] : memref<2x4x8x256xf32, #tpu.memory_space<vmem>> -> memref<1x1x8x256xf32, #tpu.memory_space<vmem>>
      %dma_start3A_1196 = tpu.memref_squeeze %dma_start3A_1195 : memref<1x1x8x256xf32, #tpu.memory_space<vmem>> -> memref<8x256xf32, #tpu.memory_space<vmem>>
      %dma_start3A_1197 = arith.constant 256 : i32
      %dma_start3A_1198 = tpu.memref_slice %arg4[%dma_start3A_1192, %add3A_950, %dma_start3A_1197] : memref<16x4096x512xf32, #tpu.memory_space<hbm>> -> memref<1x8x256xf32, #tpu.memory_space<hbm>>
      %dma_start3A_1199 = tpu.memref_squeeze %dma_start3A_1198 : memref<1x8x256xf32, #tpu.memory_space<hbm>> -> memref<8x256xf32, #tpu.memory_space<hbm>>
      %dma_start3A_1200 = tpu.memref_slice %arg10[%rem3A_947] : memref<2x!tpu.dma_semaphore, #tpu.memory_space<semaphore_mem>> -> memref<1x!tpu.dma_semaphore, #tpu.memory_space<semaphore_mem>>
      %dma_start3A_1201 = tpu.memref_squeeze %dma_start3A_1200 : memref<1x!tpu.dma_semaphore, #tpu.memory_space<semaphore_mem>> -> memref<!tpu.dma_semaphore, #tpu.memory_space<semaphore_mem>>
      %dma_start3A_1202 = arith.constant 256 : i32
      %dma_start3A_1203 = tpu.memref_slice %arg4[%dma_start3A_1192, %add3A_950, %dma_start3A_1202] : memref<16x4096x512xf32, #tpu.memory_space<hbm>> -> memref<1x8x256xf32, #tpu.memory_space<hbm>>
      %dma_start3A_1204 = tpu.memref_squeeze %dma_start3A_1203 : memref<1x8x256xf32, #tpu.memory_space<hbm>> -> memref<8x256xf32, #tpu.memory_space<hbm>>
      %dma_start3A_1205 = arith.constant 0 : i32
      %dma_start3A_1206 = arith.constant 0 : i32
      %dma_start3A_1207 = tpu.memref_slice %arg6[%rem3A_947, %squeeze3A_61, %dma_start3A_1205, %dma_start3A_1206] : memref<2x4x8x256xf32, #tpu.memory_space<vmem>> -> memref<1x1x8x256xf32, #tpu.memory_space<vmem>>
      %dma_start3A_1208 = tpu.memref_squeeze %dma_start3A_1207 : memref<1x1x8x256xf32, #tpu.memory_space<vmem>> -> memref<8x256xf32, #tpu.memory_space<vmem>>
      tpu.enqueue_dma source(%dma_start3A_1208 : memref<8x256xf32, #tpu.memory_space<vmem>>) target(%dma_start3A_1204 : memref<8x256xf32, #tpu.memory_space<hbm>>) target_semaphore(%dma_start3A_1201 : memref<!tpu.dma_semaphore, #tpu.memory_space<semaphore_mem>>)
      %dma_start3A_1209 = arith.constant 9 : i32
      %dma_start3A_1210 = arith.constant 0 : i32
      %dma_start3A_1211 = arith.constant 0 : i32
      %dma_start3A_1212 = tpu.memref_slice %arg6[%rem3A_947, %squeeze3A_63, %dma_start3A_1210, %dma_start3A_1211] : memref<2x4x8x256xf32, #tpu.memory_space<vmem>> -> memref<1x1x8x256xf32, #tpu.memory_space<vmem>>
      %dma_start3A_1213 = tpu.memref_squeeze %dma_start3A_1212 : memref<1x1x8x256xf32, #tpu.memory_space<vmem>> -> memref<8x256xf32, #tpu.memory_space<vmem>>
      %dma_start3A_1214 = arith.constant 256 : i32
      %dma_start3A_1215 = tpu.memref_slice %arg4[%dma_start3A_1209, %add3A_950, %dma_start3A_1214] : memref<16x4096x512xf32, #tpu.memory_space<hbm>> -> memref<1x8x256xf32, #tpu.memory_space<hbm>>
      %dma_start3A_1216 = tpu.memref_squeeze %dma_start3A_1215 : memref<1x8x256xf32, #tpu.memory_space<hbm>> -> memref<8x256xf32, #tpu.memory_space<hbm>>
      %dma_start3A_1217 = tpu.memref_slice %arg10[%rem3A_947] : memref<2x!tpu.dma_semaphore, #tpu.memory_space<semaphore_mem>> -> memref<1x!tpu.dma_semaphore, #tpu.memory_space<semaphore_mem>>
      %dma_start3A_1218 = tpu.memref_squeeze %dma_start3A_1217 : memref<1x!tpu.dma_semaphore, #tpu.memory_space<semaphore_mem>> -> memref<!tpu.dma_semaphore, #tpu.memory_space<semaphore_mem>>
      %dma_start3A_1219 = arith.constant 256 : i32
      %dma_start3A_1220 = tpu.memref_slice %arg4[%dma_start3A_1209, %add3A_950, %dma_start3A_1219] : memref<16x4096x512xf32, #tpu.memory_space<hbm>> -> memref<1x8x256xf32, #tpu.memory_space<hbm>>
      %dma_start3A_1221 = tpu.memref_squeeze %dma_start3A_1220 : memref<1x8x256xf32, #tpu.memory_space<hbm>> -> memref<8x256xf32, #tpu.memory_space<hbm>>
      %dma_start3A_1222 = arith.constant 0 : i32
      %dma_start3A_1223 = arith.constant 0 : i32
      %dma_start3A_1224 = tpu.memref_slice %arg6[%rem3A_947, %squeeze3A_63, %dma_start3A_1222, %dma_start3A_1223] : memref<2x4x8x256xf32, #tpu.memory_space<vmem>> -> memref<1x1x8x256xf32, #tpu.memory_space<vmem>>
      %dma_start3A_1225 = tpu.memref_squeeze %dma_start3A_1224 : memref<1x1x8x256xf32, #tpu.memory_space<vmem>> -> memref<8x256xf32, #tpu.memory_space<vmem>>
      tpu.enqueue_dma source(%dma_start3A_1225 : memref<8x256xf32, #tpu.memory_space<vmem>>) target(%dma_start3A_1221 : memref<8x256xf32, #tpu.memory_space<hbm>>) target_semaphore(%dma_start3A_1218 : memref<!tpu.dma_semaphore, #tpu.memory_space<semaphore_mem>>)
      %dma_start3A_1226 = arith.constant 10 : i32
      %dma_start3A_1227 = arith.constant 0 : i32
      %dma_start3A_1228 = arith.constant 0 : i32
      %dma_start3A_1229 = tpu.memref_slice %arg6[%rem3A_947, %squeeze3A_65, %dma_start3A_1227, %dma_start3A_1228] : memref<2x4x8x256xf32, #tpu.memory_space<vmem>> -> memref<1x1x8x256xf32, #tpu.memory_space<vmem>>
      %dma_start3A_1230 = tpu.memref_squeeze %dma_start3A_1229 : memref<1x1x8x256xf32, #tpu.memory_space<vmem>> -> memref<8x256xf32, #tpu.memory_space<vmem>>
      %dma_start3A_1231 = arith.constant 256 : i32
      %dma_start3A_1232 = tpu.memref_slice %arg4[%dma_start3A_1226, %add3A_950, %dma_start3A_1231] : memref<16x4096x512xf32, #tpu.memory_space<hbm>> -> memref<1x8x256xf32, #tpu.memory_space<hbm>>
      %dma_start3A_1233 = tpu.memref_squeeze %dma_start3A_1232 : memref<1x8x256xf32, #tpu.memory_space<hbm>> -> memref<8x256xf32, #tpu.memory_space<hbm>>
      %dma_start3A_1234 = tpu.memref_slice %arg10[%rem3A_947] : memref<2x!tpu.dma_semaphore, #tpu.memory_space<semaphore_mem>> -> memref<1x!tpu.dma_semaphore, #tpu.memory_space<semaphore_mem>>
      %dma_start3A_1235 = tpu.memref_squeeze %dma_start3A_1234 : memref<1x!tpu.dma_semaphore, #tpu.memory_space<semaphore_mem>> -> memref<!tpu.dma_semaphore, #tpu.memory_space<semaphore_mem>>
      %dma_start3A_1236 = arith.constant 256 : i32
      %dma_start3A_1237 = tpu.memref_slice %arg4[%dma_start3A_1226, %add3A_950, %dma_start3A_1236] : memref<16x4096x512xf32, #tpu.memory_space<hbm>> -> memref<1x8x256xf32, #tpu.memory_space<hbm>>
      %dma_start3A_1238 = tpu.memref_squeeze %dma_start3A_1237 : memref<1x8x256xf32, #tpu.memory_space<hbm>> -> memref<8x256xf32, #tpu.memory_space<hbm>>
      %dma_start3A_1239 = arith.constant 0 : i32
      %dma_start3A_1240 = arith.constant 0 : i32
      %dma_start3A_1241 = tpu.memref_slice %arg6[%rem3A_947, %squeeze3A_65, %dma_start3A_1239, %dma_start3A_1240] : memref<2x4x8x256xf32, #tpu.memory_space<vmem>> -> memref<1x1x8x256xf32, #tpu.memory_space<vmem>>
      %dma_start3A_1242 = tpu.memref_squeeze %dma_start3A_1241 : memref<1x1x8x256xf32, #tpu.memory_space<vmem>> -> memref<8x256xf32, #tpu.memory_space<vmem>>
      tpu.enqueue_dma source(%dma_start3A_1242 : memref<8x256xf32, #tpu.memory_space<vmem>>) target(%dma_start3A_1238 : memref<8x256xf32, #tpu.memory_space<hbm>>) target_semaphore(%dma_start3A_1235 : memref<!tpu.dma_semaphore, #tpu.memory_space<semaphore_mem>>)
      %dma_start3A_1243 = arith.constant 11 : i32
      %dma_start3A_1244 = arith.constant 0 : i32
      %dma_start3A_1245 = arith.constant 0 : i32
      %dma_start3A_1246 = tpu.memref_slice %arg6[%rem3A_947, %squeeze3A_67, %dma_start3A_1244, %dma_start3A_1245] : memref<2x4x8x256xf32, #tpu.memory_space<vmem>> -> memref<1x1x8x256xf32, #tpu.memory_space<vmem>>
      %dma_start3A_1247 = tpu.memref_squeeze %dma_start3A_1246 : memref<1x1x8x256xf32, #tpu.memory_space<vmem>> -> memref<8x256xf32, #tpu.memory_space<vmem>>
      %dma_start3A_1248 = arith.constant 256 : i32
      %dma_start3A_1249 = tpu.memref_slice %arg4[%dma_start3A_1243, %add3A_950, %dma_start3A_1248] : memref<16x4096x512xf32, #tpu.memory_space<hbm>> -> memref<1x8x256xf32, #tpu.memory_space<hbm>>
      %dma_start3A_1250 = tpu.memref_squeeze %dma_start3A_1249 : memref<1x8x256xf32, #tpu.memory_space<hbm>> -> memref<8x256xf32, #tpu.memory_space<hbm>>
      %dma_start3A_1251 = tpu.memref_slice %arg10[%rem3A_947] : memref<2x!tpu.dma_semaphore, #tpu.memory_space<semaphore_mem>> -> memref<1x!tpu.dma_semaphore, #tpu.memory_space<semaphore_mem>>
      %dma_start3A_1252 = tpu.memref_squeeze %dma_start3A_1251 : memref<1x!tpu.dma_semaphore, #tpu.memory_space<semaphore_mem>> -> memref<!tpu.dma_semaphore, #tpu.memory_space<semaphore_mem>>
      %dma_start3A_1253 = arith.constant 256 : i32
      %dma_start3A_1254 = tpu.memref_slice %arg4[%dma_start3A_1243, %add3A_950, %dma_start3A_1253] : memref<16x4096x512xf32, #tpu.memory_space<hbm>> -> memref<1x8x256xf32, #tpu.memory_space<hbm>>
      %dma_start3A_1255 = tpu.memref_squeeze %dma_start3A_1254 : memref<1x8x256xf32, #tpu.memory_space<hbm>> -> memref<8x256xf32, #tpu.memory_space<hbm>>
      %dma_start3A_1256 = arith.constant 0 : i32
      %dma_start3A_1257 = arith.constant 0 : i32
      %dma_start3A_1258 = tpu.memref_slice %arg6[%rem3A_947, %squeeze3A_67, %dma_start3A_1256, %dma_start3A_1257] : memref<2x4x8x256xf32, #tpu.memory_space<vmem>> -> memref<1x1x8x256xf32, #tpu.memory_space<vmem>>
      %dma_start3A_1259 = tpu.memref_squeeze %dma_start3A_1258 : memref<1x1x8x256xf32, #tpu.memory_space<vmem>> -> memref<8x256xf32, #tpu.memory_space<vmem>>
      tpu.enqueue_dma source(%dma_start3A_1259 : memref<8x256xf32, #tpu.memory_space<vmem>>) target(%dma_start3A_1255 : memref<8x256xf32, #tpu.memory_space<hbm>>) target_semaphore(%dma_start3A_1252 : memref<!tpu.dma_semaphore, #tpu.memory_space<semaphore_mem>>)
      %dma_start3A_1260 = arith.constant 12 : i32
      %dma_start3A_1261 = arith.constant 0 : i32
      %dma_start3A_1262 = arith.constant 0 : i32
      %dma_start3A_1263 = tpu.memref_slice %arg6[%rem3A_947, %squeeze3A_69, %dma_start3A_1261, %dma_start3A_1262] : memref<2x4x8x256xf32, #tpu.memory_space<vmem>> -> memref<1x1x8x256xf32, #tpu.memory_space<vmem>>
      %dma_start3A_1264 = tpu.memref_squeeze %dma_start3A_1263 : memref<1x1x8x256xf32, #tpu.memory_space<vmem>> -> memref<8x256xf32, #tpu.memory_space<vmem>>
      %dma_start3A_1265 = arith.constant 256 : i32
      %dma_start3A_1266 = tpu.memref_slice %arg4[%dma_start3A_1260, %add3A_950, %dma_start3A_1265] : memref<16x4096x512xf32, #tpu.memory_space<hbm>> -> memref<1x8x256xf32, #tpu.memory_space<hbm>>
      %dma_start3A_1267 = tpu.memref_squeeze %dma_start3A_1266 : memref<1x8x256xf32, #tpu.memory_space<hbm>> -> memref<8x256xf32, #tpu.memory_space<hbm>>
      %dma_start3A_1268 = tpu.memref_slice %arg10[%rem3A_947] : memref<2x!tpu.dma_semaphore, #tpu.memory_space<semaphore_mem>> -> memref<1x!tpu.dma_semaphore, #tpu.memory_space<semaphore_mem>>
      %dma_start3A_1269 = tpu.memref_squeeze %dma_start3A_1268 : memref<1x!tpu.dma_semaphore, #tpu.memory_space<semaphore_mem>> -> memref<!tpu.dma_semaphore, #tpu.memory_space<semaphore_mem>>
      %dma_start3A_1270 = arith.constant 256 : i32
      %dma_start3A_1271 = tpu.memref_slice %arg4[%dma_start3A_1260, %add3A_950, %dma_start3A_1270] : memref<16x4096x512xf32, #tpu.memory_space<hbm>> -> memref<1x8x256xf32, #tpu.memory_space<hbm>>
      %dma_start3A_1272 = tpu.memref_squeeze %dma_start3A_1271 : memref<1x8x256xf32, #tpu.memory_space<hbm>> -> memref<8x256xf32, #tpu.memory_space<hbm>>
      %dma_start3A_1273 = arith.constant 0 : i32
      %dma_start3A_1274 = arith.constant 0 : i32
      %dma_start3A_1275 = tpu.memref_slice %arg6[%rem3A_947, %squeeze3A_69, %dma_start3A_1273, %dma_start3A_1274] : memref<2x4x8x256xf32, #tpu.memory_space<vmem>> -> memref<1x1x8x256xf32, #tpu.memory_space<vmem>>
      %dma_start3A_1276 = tpu.memref_squeeze %dma_start3A_1275 : memref<1x1x8x256xf32, #tpu.memory_space<vmem>> -> memref<8x256xf32, #tpu.memory_space<vmem>>
      tpu.enqueue_dma source(%dma_start3A_1276 : memref<8x256xf32, #tpu.memory_space<vmem>>) target(%dma_start3A_1272 : memref<8x256xf32, #tpu.memory_space<hbm>>) target_semaphore(%dma_start3A_1269 : memref<!tpu.dma_semaphore, #tpu.memory_space<semaphore_mem>>)
      %dma_start3A_1277 = arith.constant 13 : i32
      %dma_start3A_1278 = arith.constant 0 : i32
      %dma_start3A_1279 = arith.constant 0 : i32
      %dma_start3A_1280 = tpu.memref_slice %arg6[%rem3A_947, %squeeze3A_71, %dma_start3A_1278, %dma_start3A_1279] : memref<2x4x8x256xf32, #tpu.memory_space<vmem>> -> memref<1x1x8x256xf32, #tpu.memory_space<vmem>>
      %dma_start3A_1281 = tpu.memref_squeeze %dma_start3A_1280 : memref<1x1x8x256xf32, #tpu.memory_space<vmem>> -> memref<8x256xf32, #tpu.memory_space<vmem>>
      %dma_start3A_1282 = arith.constant 256 : i32
      %dma_start3A_1283 = tpu.memref_slice %arg4[%dma_start3A_1277, %add3A_950, %dma_start3A_1282] : memref<16x4096x512xf32, #tpu.memory_space<hbm>> -> memref<1x8x256xf32, #tpu.memory_space<hbm>>
      %dma_start3A_1284 = tpu.memref_squeeze %dma_start3A_1283 : memref<1x8x256xf32, #tpu.memory_space<hbm>> -> memref<8x256xf32, #tpu.memory_space<hbm>>
      %dma_start3A_1285 = tpu.memref_slice %arg10[%rem3A_947] : memref<2x!tpu.dma_semaphore, #tpu.memory_space<semaphore_mem>> -> memref<1x!tpu.dma_semaphore, #tpu.memory_space<semaphore_mem>>
      %dma_start3A_1286 = tpu.memref_squeeze %dma_start3A_1285 : memref<1x!tpu.dma_semaphore, #tpu.memory_space<semaphore_mem>> -> memref<!tpu.dma_semaphore, #tpu.memory_space<semaphore_mem>>
      %dma_start3A_1287 = arith.constant 256 : i32
      %dma_start3A_1288 = tpu.memref_slice %arg4[%dma_start3A_1277, %add3A_950, %dma_start3A_1287] : memref<16x4096x512xf32, #tpu.memory_space<hbm>> -> memref<1x8x256xf32, #tpu.memory_space<hbm>>
      %dma_start3A_1289 = tpu.memref_squeeze %dma_start3A_1288 : memref<1x8x256xf32, #tpu.memory_space<hbm>> -> memref<8x256xf32, #tpu.memory_space<hbm>>
      %dma_start3A_1290 = arith.constant 0 : i32
      %dma_start3A_1291 = arith.constant 0 : i32
      %dma_start3A_1292 = tpu.memref_slice %arg6[%rem3A_947, %squeeze3A_71, %dma_start3A_1290, %dma_start3A_1291] : memref<2x4x8x256xf32, #tpu.memory_space<vmem>> -> memref<1x1x8x256xf32, #tpu.memory_space<vmem>>
      %dma_start3A_1293 = tpu.memref_squeeze %dma_start3A_1292 : memref<1x1x8x256xf32, #tpu.memory_space<vmem>> -> memref<8x256xf32, #tpu.memory_space<vmem>>
      tpu.enqueue_dma source(%dma_start3A_1293 : memref<8x256xf32, #tpu.memory_space<vmem>>) target(%dma_start3A_1289 : memref<8x256xf32, #tpu.memory_space<hbm>>) target_semaphore(%dma_start3A_1286 : memref<!tpu.dma_semaphore, #tpu.memory_space<semaphore_mem>>)
      %dma_start3A_1294 = arith.constant 14 : i32
      %dma_start3A_1295 = arith.constant 0 : i32
      %dma_start3A_1296 = arith.constant 0 : i32
      %dma_start3A_1297 = tpu.memref_slice %arg6[%rem3A_947, %squeeze3A_73, %dma_start3A_1295, %dma_start3A_1296] : memref<2x4x8x256xf32, #tpu.memory_space<vmem>> -> memref<1x1x8x256xf32, #tpu.memory_space<vmem>>
      %dma_start3A_1298 = tpu.memref_squeeze %dma_start3A_1297 : memref<1x1x8x256xf32, #tpu.memory_space<vmem>> -> memref<8x256xf32, #tpu.memory_space<vmem>>
      %dma_start3A_1299 = arith.constant 256 : i32
      %dma_start3A_1300 = tpu.memref_slice %arg4[%dma_start3A_1294, %add3A_950, %dma_start3A_1299] : memref<16x4096x512xf32, #tpu.memory_space<hbm>> -> memref<1x8x256xf32, #tpu.memory_space<hbm>>
      %dma_start3A_1301 = tpu.memref_squeeze %dma_start3A_1300 : memref<1x8x256xf32, #tpu.memory_space<hbm>> -> memref<8x256xf32, #tpu.memory_space<hbm>>
      %dma_start3A_1302 = tpu.memref_slice %arg10[%rem3A_947] : memref<2x!tpu.dma_semaphore, #tpu.memory_space<semaphore_mem>> -> memref<1x!tpu.dma_semaphore, #tpu.memory_space<semaphore_mem>>
      %dma_start3A_1303 = tpu.memref_squeeze %dma_start3A_1302 : memref<1x!tpu.dma_semaphore, #tpu.memory_space<semaphore_mem>> -> memref<!tpu.dma_semaphore, #tpu.memory_space<semaphore_mem>>
      %dma_start3A_1304 = arith.constant 256 : i32
      %dma_start3A_1305 = tpu.memref_slice %arg4[%dma_start3A_1294, %add3A_950, %dma_start3A_1304] : memref<16x4096x512xf32, #tpu.memory_space<hbm>> -> memref<1x8x256xf32, #tpu.memory_space<hbm>>
      %dma_start3A_1306 = tpu.memref_squeeze %dma_start3A_1305 : memref<1x8x256xf32, #tpu.memory_space<hbm>> -> memref<8x256xf32, #tpu.memory_space<hbm>>
      %dma_start3A_1307 = arith.constant 0 : i32
      %dma_start3A_1308 = arith.constant 0 : i32
      %dma_start3A_1309 = tpu.memref_slice %arg6[%rem3A_947, %squeeze3A_73, %dma_start3A_1307, %dma_start3A_1308] : memref<2x4x8x256xf32, #tpu.memory_space<vmem>> -> memref<1x1x8x256xf32, #tpu.memory_space<vmem>>
      %dma_start3A_1310 = tpu.memref_squeeze %dma_start3A_1309 : memref<1x1x8x256xf32, #tpu.memory_space<vmem>> -> memref<8x256xf32, #tpu.memory_space<vmem>>
      tpu.enqueue_dma source(%dma_start3A_1310 : memref<8x256xf32, #tpu.memory_space<vmem>>) target(%dma_start3A_1306 : memref<8x256xf32, #tpu.memory_space<hbm>>) target_semaphore(%dma_start3A_1303 : memref<!tpu.dma_semaphore, #tpu.memory_space<semaphore_mem>>)
      %dma_start3A_1311 = arith.constant 15 : i32
      %dma_start3A_1312 = arith.constant 0 : i32
      %dma_start3A_1313 = arith.constant 0 : i32
      %dma_start3A_1314 = tpu.memref_slice %arg6[%rem3A_947, %squeeze3A_75, %dma_start3A_1312, %dma_start3A_1313] : memref<2x4x8x256xf32, #tpu.memory_space<vmem>> -> memref<1x1x8x256xf32, #tpu.memory_space<vmem>>
      %dma_start3A_1315 = tpu.memref_squeeze %dma_start3A_1314 : memref<1x1x8x256xf32, #tpu.memory_space<vmem>> -> memref<8x256xf32, #tpu.memory_space<vmem>>
      %dma_start3A_1316 = arith.constant 256 : i32
      %dma_start3A_1317 = tpu.memref_slice %arg4[%dma_start3A_1311, %add3A_950, %dma_start3A_1316] : memref<16x4096x512xf32, #tpu.memory_space<hbm>> -> memref<1x8x256xf32, #tpu.memory_space<hbm>>
      %dma_start3A_1318 = tpu.memref_squeeze %dma_start3A_1317 : memref<1x8x256xf32, #tpu.memory_space<hbm>> -> memref<8x256xf32, #tpu.memory_space<hbm>>
      %dma_start3A_1319 = tpu.memref_slice %arg10[%rem3A_947] : memref<2x!tpu.dma_semaphore, #tpu.memory_space<semaphore_mem>> -> memref<1x!tpu.dma_semaphore, #tpu.memory_space<semaphore_mem>>
      %dma_start3A_1320 = tpu.memref_squeeze %dma_start3A_1319 : memref<1x!tpu.dma_semaphore, #tpu.memory_space<semaphore_mem>> -> memref<!tpu.dma_semaphore, #tpu.memory_space<semaphore_mem>>
      %dma_start3A_1321 = arith.constant 256 : i32
      %dma_start3A_1322 = tpu.memref_slice %arg4[%dma_start3A_1311, %add3A_950, %dma_start3A_1321] : memref<16x4096x512xf32, #tpu.memory_space<hbm>> -> memref<1x8x256xf32, #tpu.memory_space<hbm>>
      %dma_start3A_1323 = tpu.memref_squeeze %dma_start3A_1322 : memref<1x8x256xf32, #tpu.memory_space<hbm>> -> memref<8x256xf32, #tpu.memory_space<hbm>>
      %dma_start3A_1324 = arith.constant 0 : i32
      %dma_start3A_1325 = arith.constant 0 : i32
      %dma_start3A_1326 = tpu.memref_slice %arg6[%rem3A_947, %squeeze3A_75, %dma_start3A_1324, %dma_start3A_1325] : memref<2x4x8x256xf32, #tpu.memory_space<vmem>> -> memref<1x1x8x256xf32, #tpu.memory_space<vmem>>
      %dma_start3A_1327 = tpu.memref_squeeze %dma_start3A_1326 : memref<1x1x8x256xf32, #tpu.memory_space<vmem>> -> memref<8x256xf32, #tpu.memory_space<vmem>>
      tpu.enqueue_dma source(%dma_start3A_1327 : memref<8x256xf32, #tpu.memory_space<vmem>>) target(%dma_start3A_1323 : memref<8x256xf32, #tpu.memory_space<hbm>>) target_semaphore(%dma_start3A_1320 : memref<!tpu.dma_semaphore, #tpu.memory_space<semaphore_mem>>)
      %scan3A_1328 = arith.constant 0 : i32
      scf.yield %scan3A_1328 : i32
    }
    %scan3A_855 = arith.constant 16 : i32
    %dma_wait3A = arith.constant 2 : i32
    %dma_wait3A_856 = arith.constant 2 : i32
    %dma_wait3A_857 = arith.constant 0 : i32
    %dma_wait3A_858 = arith.constant 0 : i32
    %dma_wait3A_859 = arith.constant 0 : i32
    %dma_wait3A_860 = tpu.memref_slice %arg5[%dma_wait3A, %dma_wait3A_857, %dma_wait3A_858, %dma_wait3A_859] : memref<3x16x8x256xf32, #tpu.memory_space<vmem>> -> memref<1x16x8x256xf32, #tpu.memory_space<vmem>>
    %dma_wait3A_861 = tpu.memref_squeeze %dma_wait3A_860 : memref<1x16x8x256xf32, #tpu.memory_space<vmem>> -> memref<16x8x256xf32, #tpu.memory_space<vmem>>
    %dma_wait3A_862 = arith.constant 0 : i32
    %dma_wait3A_863 = arith.constant 0 : i32
    %dma_wait3A_864 = arith.constant 0 : i32
    %dma_wait3A_865 = tpu.memref_slice %arg4[%dma_wait3A_862, %dma_wait3A_863, %dma_wait3A_864] : memref<16x4096x512xf32, #tpu.memory_space<hbm>> -> memref<16x8x256xf32, #tpu.memory_space<hbm>>
    %dma_wait3A_866 = tpu.memref_slice %arg9[%dma_wait3A_856] : memref<3x!tpu.dma_semaphore, #tpu.memory_space<semaphore_mem>> -> memref<1x!tpu.dma_semaphore, #tpu.memory_space<semaphore_mem>>
    %dma_wait3A_867 = tpu.memref_squeeze %dma_wait3A_866 : memref<1x!tpu.dma_semaphore, #tpu.memory_space<semaphore_mem>> -> memref<!tpu.dma_semaphore, #tpu.memory_space<semaphore_mem>>
    %dma_wait3A_868 = arith.constant 0 : i32
    %dma_wait3A_869 = arith.constant 0 : i32
    %dma_wait3A_870 = arith.constant 0 : i32
    %dma_wait3A_871 = tpu.memref_slice %arg4[%dma_wait3A_868, %dma_wait3A_869, %dma_wait3A_870] : memref<16x4096x512xf32, #tpu.memory_space<hbm>> -> memref<16x8x256xf32, #tpu.memory_space<hbm>>
    %dma_wait3A_872 = arith.constant 0 : i32
    %dma_wait3A_873 = arith.constant 0 : i32
    %dma_wait3A_874 = arith.constant 0 : i32
    %dma_wait3A_875 = tpu.memref_slice %arg5[%dma_wait3A, %dma_wait3A_872, %dma_wait3A_873, %dma_wait3A_874] : memref<3x16x8x256xf32, #tpu.memory_space<vmem>> -> memref<1x16x8x256xf32, #tpu.memory_space<vmem>>
    %dma_wait3A_876 = tpu.memref_squeeze %dma_wait3A_875 : memref<1x16x8x256xf32, #tpu.memory_space<vmem>> -> memref<16x8x256xf32, #tpu.memory_space<vmem>>
    tpu.wait_dma2 semaphore(%dma_wait3A_867 : memref<!tpu.dma_semaphore, #tpu.memory_space<semaphore_mem>>) src(%dma_wait3A_876 : memref<16x8x256xf32, #tpu.memory_space<vmem>>) dst(%dma_wait3A_871 : memref<16x8x256xf32, #tpu.memory_space<hbm>>)
    %dma_wait3A_877 = arith.constant 0 : i32
    %dma_wait3A_878 = arith.constant 0 : i32
    %dma_wait3A_879 = arith.constant 0 : i32
    %dma_wait3A_880 = arith.constant 0 : i32
    %dma_wait3A_881 = arith.constant 0 : i32
    %dma_wait3A_882 = tpu.memref_slice %arg5[%dma_wait3A_877, %dma_wait3A_879, %dma_wait3A_880, %dma_wait3A_881] : memref<3x16x8x256xf32, #tpu.memory_space<vmem>> -> memref<1x16x8x256xf32, #tpu.memory_space<vmem>>
    %dma_wait3A_883 = tpu.memref_squeeze %dma_wait3A_882 : memref<1x16x8x256xf32, #tpu.memory_space<vmem>> -> memref<16x8x256xf32, #tpu.memory_space<vmem>>
    %dma_wait3A_884 = arith.constant 0 : i32
    %dma_wait3A_885 = arith.constant 0 : i32
    %dma_wait3A_886 = arith.constant 0 : i32
    %dma_wait3A_887 = tpu.memref_slice %arg4[%dma_wait3A_884, %dma_wait3A_885, %dma_wait3A_886] : memref<16x4096x512xf32, #tpu.memory_space<hbm>> -> memref<16x8x256xf32, #tpu.memory_space<hbm>>
    %dma_wait3A_888 = tpu.memref_slice %arg9[%dma_wait3A_878] : memref<3x!tpu.dma_semaphore, #tpu.memory_space<semaphore_mem>> -> memref<1x!tpu.dma_semaphore, #tpu.memory_space<semaphore_mem>>
    %dma_wait3A_889 = tpu.memref_squeeze %dma_wait3A_888 : memref<1x!tpu.dma_semaphore, #tpu.memory_space<semaphore_mem>> -> memref<!tpu.dma_semaphore, #tpu.memory_space<semaphore_mem>>
    %dma_wait3A_890 = arith.constant 0 : i32
    %dma_wait3A_891 = arith.constant 0 : i32
    %dma_wait3A_892 = arith.constant 0 : i32
    %dma_wait3A_893 = tpu.memref_slice %arg4[%dma_wait3A_890, %dma_wait3A_891, %dma_wait3A_892] : memref<16x4096x512xf32, #tpu.memory_space<hbm>> -> memref<16x8x256xf32, #tpu.memory_space<hbm>>
    %dma_wait3A_894 = arith.constant 0 : i32
    %dma_wait3A_895 = arith.constant 0 : i32
    %dma_wait3A_896 = arith.constant 0 : i32
    %dma_wait3A_897 = tpu.memref_slice %arg5[%dma_wait3A_877, %dma_wait3A_894, %dma_wait3A_895, %dma_wait3A_896] : memref<3x16x8x256xf32, #tpu.memory_space<vmem>> -> memref<1x16x8x256xf32, #tpu.memory_space<vmem>>
    %dma_wait3A_898 = tpu.memref_squeeze %dma_wait3A_897 : memref<1x16x8x256xf32, #tpu.memory_space<vmem>> -> memref<16x8x256xf32, #tpu.memory_space<vmem>>
    tpu.wait_dma2 semaphore(%dma_wait3A_889 : memref<!tpu.dma_semaphore, #tpu.memory_space<semaphore_mem>>) src(%dma_wait3A_898 : memref<16x8x256xf32, #tpu.memory_space<vmem>>) dst(%dma_wait3A_893 : memref<16x8x256xf32, #tpu.memory_space<hbm>>)
    %dma_wait3A_899 = arith.constant 0 : i32
    %dma_wait3A_900 = arith.constant 0 : i32
    %dma_wait3A_901 = arith.constant 0 : i32
    %dma_wait3A_902 = arith.constant 0 : i32
    %dma_wait3A_903 = arith.constant 0 : i32
    %dma_wait3A_904 = tpu.memref_slice %arg5[%dma_wait3A_899, %dma_wait3A_901, %dma_wait3A_902, %dma_wait3A_903] : memref<3x16x8x256xf32, #tpu.memory_space<vmem>> -> memref<1x16x8x256xf32, #tpu.memory_space<vmem>>
    %dma_wait3A_905 = tpu.memref_squeeze %dma_wait3A_904 : memref<1x16x8x256xf32, #tpu.memory_space<vmem>> -> memref<16x8x256xf32, #tpu.memory_space<vmem>>
    %dma_wait3A_906 = arith.constant 0 : i32
    %dma_wait3A_907 = arith.constant 0 : i32
    %dma_wait3A_908 = arith.constant 256 : i32
    %dma_wait3A_909 = tpu.memref_slice %arg4[%dma_wait3A_906, %dma_wait3A_907, %dma_wait3A_908] : memref<16x4096x512xf32, #tpu.memory_space<hbm>> -> memref<16x8x256xf32, #tpu.memory_space<hbm>>
    %dma_wait3A_910 = tpu.memref_slice %arg10[%dma_wait3A_900] : memref<2x!tpu.dma_semaphore, #tpu.memory_space<semaphore_mem>> -> memref<1x!tpu.dma_semaphore, #tpu.memory_space<semaphore_mem>>
    %dma_wait3A_911 = tpu.memref_squeeze %dma_wait3A_910 : memref<1x!tpu.dma_semaphore, #tpu.memory_space<semaphore_mem>> -> memref<!tpu.dma_semaphore, #tpu.memory_space<semaphore_mem>>
    %dma_wait3A_912 = arith.constant 0 : i32
    %dma_wait3A_913 = arith.constant 0 : i32
    %dma_wait3A_914 = arith.constant 0 : i32
    %dma_wait3A_915 = tpu.memref_slice %arg5[%dma_wait3A_899, %dma_wait3A_912, %dma_wait3A_913, %dma_wait3A_914] : memref<3x16x8x256xf32, #tpu.memory_space<vmem>> -> memref<1x16x8x256xf32, #tpu.memory_space<vmem>>
    %dma_wait3A_916 = tpu.memref_squeeze %dma_wait3A_915 : memref<1x16x8x256xf32, #tpu.memory_space<vmem>> -> memref<16x8x256xf32, #tpu.memory_space<vmem>>
    %dma_wait3A_917 = arith.constant 0 : i32
    %dma_wait3A_918 = arith.constant 0 : i32
    %dma_wait3A_919 = arith.constant 256 : i32
    %dma_wait3A_920 = tpu.memref_slice %arg4[%dma_wait3A_917, %dma_wait3A_918, %dma_wait3A_919] : memref<16x4096x512xf32, #tpu.memory_space<hbm>> -> memref<16x8x256xf32, #tpu.memory_space<hbm>>
    tpu.wait_dma2 semaphore(%dma_wait3A_911 : memref<!tpu.dma_semaphore, #tpu.memory_space<semaphore_mem>>) src(%dma_wait3A_920 : memref<16x8x256xf32, #tpu.memory_space<hbm>>) dst(%dma_wait3A_916 : memref<16x8x256xf32, #tpu.memory_space<vmem>>)
    %dma_wait3A_921 = arith.constant 0 : i32
    %dma_wait3A_922 = arith.constant 1 : i32
    %dma_wait3A_923 = arith.constant 0 : i32
    %dma_wait3A_924 = arith.constant 0 : i32
    %dma_wait3A_925 = arith.constant 0 : i32
    %dma_wait3A_926 = tpu.memref_slice %arg5[%dma_wait3A_921, %dma_wait3A_923, %dma_wait3A_924, %dma_wait3A_925] : memref<3x16x8x256xf32, #tpu.memory_space<vmem>> -> memref<1x16x8x256xf32, #tpu.memory_space<vmem>>
    %dma_wait3A_927 = tpu.memref_squeeze %dma_wait3A_926 : memref<1x16x8x256xf32, #tpu.memory_space<vmem>> -> memref<16x8x256xf32, #tpu.memory_space<vmem>>
    %dma_wait3A_928 = arith.constant 0 : i32
    %dma_wait3A_929 = arith.constant 0 : i32
    %dma_wait3A_930 = arith.constant 256 : i32
    %dma_wait3A_931 = tpu.memref_slice %arg4[%dma_wait3A_928, %dma_wait3A_929, %dma_wait3A_930] : memref<16x4096x512xf32, #tpu.memory_space<hbm>> -> memref<16x8x256xf32, #tpu.memory_space<hbm>>
    %dma_wait3A_932 = tpu.memref_slice %arg10[%dma_wait3A_922] : memref<2x!tpu.dma_semaphore, #tpu.memory_space<semaphore_mem>> -> memref<1x!tpu.dma_semaphore, #tpu.memory_space<semaphore_mem>>
    %dma_wait3A_933 = tpu.memref_squeeze %dma_wait3A_932 : memref<1x!tpu.dma_semaphore, #tpu.memory_space<semaphore_mem>> -> memref<!tpu.dma_semaphore, #tpu.memory_space<semaphore_mem>>
    %dma_wait3A_934 = arith.constant 0 : i32
    %dma_wait3A_935 = arith.constant 0 : i32
    %dma_wait3A_936 = arith.constant 0 : i32
    %dma_wait3A_937 = tpu.memref_slice %arg5[%dma_wait3A_921, %dma_wait3A_934, %dma_wait3A_935, %dma_wait3A_936] : memref<3x16x8x256xf32, #tpu.memory_space<vmem>> -> memref<1x16x8x256xf32, #tpu.memory_space<vmem>>
    %dma_wait3A_938 = tpu.memref_squeeze %dma_wait3A_937 : memref<1x16x8x256xf32, #tpu.memory_space<vmem>> -> memref<16x8x256xf32, #tpu.memory_space<vmem>>
    %dma_wait3A_939 = arith.constant 0 : i32
    %dma_wait3A_940 = arith.constant 0 : i32
    %dma_wait3A_941 = arith.constant 256 : i32
    %dma_wait3A_942 = tpu.memref_slice %arg4[%dma_wait3A_939, %dma_wait3A_940, %dma_wait3A_941] : memref<16x4096x512xf32, #tpu.memory_space<hbm>> -> memref<16x8x256xf32, #tpu.memory_space<hbm>>
    tpu.wait_dma2 semaphore(%dma_wait3A_933 : memref<!tpu.dma_semaphore, #tpu.memory_space<semaphore_mem>>) src(%dma_wait3A_942 : memref<16x8x256xf32, #tpu.memory_space<hbm>>) dst(%dma_wait3A_938 : memref<16x8x256xf32, #tpu.memory_space<vmem>>)
    return
  }
}

</mosaic_0001>

<sc_bundles>
// kernel: kernel.3.cloned.1.call-start
scs
__scs_entry_jumppad:
0x0: {  	(pc) =	sbr.rel $0x88, $3  }
0x1: {  	(tag) =	ssettag $0x0;
	lr =	simm.s32 $0x1  }
0x2: {  	[smem:$0x3F9F] =	sst lr;
	_ =	strace $0xD0000000  }
0x3: {  	_ = 	snop  }
0x4: {  	_ = 	snop  }
0x5: {  	_ = 	snop  }
0x6: {  	_ = 	snop  }
0x7: {  	_ = 	snop  }
__scs_overlays_trampoline_lowered:
0x8: {  	[smem:$0x3FAE] =	sst s0  }
0x9: {  	[smem:$0x3FAF] =	sst s1  }
0xa: {  	[smem:$0x3FB0] =	sst s2  }
0xb: {  	[smem:$0x3FB1] =	sst s3  }
0xc: {  	[smem:$0x3FB2] =	sst s4  }
0xd: {  	[smem:$0x3FB3] =	sst s5  }
0xe: {  	[smem:$0x3FB4] =	sst s6  }
0xf: {  	[smem:$0x3FB5] =	sst s7  }
0x10: {  	[smem:$0x3FB6] =	sst s8  }
0x11: {  	[smem:$0x3FB7] =	sst s9;
	s0 =	simm.s32 @!p0 $0x0  }
0x12: {  	s1 =	sld [smem:$0x3F9D];
	s0 =	simm.s32 @p0 $0x1  }
0x13: {  	[smem:$0x3FB8] =	sst s0;
	s0 =	simm.s32 @!p1 $0x0  }
0x14: {  	s2 =	sld [smem:$0x3F9C];
	s0 =	simm.s32 @p1 $0x1  }
0x15: {  	[smem:$0x3FB9] =	sst s0;
	s0 =	simm.s32 @!p2 $0x0  }
0x16: {  	s3 =	sld [smem:$0x3FDB];
	s0 =	simm.s32 @p2 $0x1  }
0x17: {  	s4 =	simm.s32 $0x1BF5;
	[smem:$0x3FBB] =	sst s0  }
0x18: {  	s0 =	sld [smem:$0x3F9E];
	_ =	swait.ge [sflag:s4], $0x0  }
0x19: {  	s7 =	sld [smem:$0x3F9F]  }
0x1a: {  	s8 =	sadd.s32 $0xFFFFE003, lr  }
0x1b: {  	s9 =	sadd.s32 $0xFFFFFEF7, lr;
	s5 =	simm.s32 $0xFFFFFFFF;
	p2 =	slt.u32 s8, $0xFFFFF086  }
0x1c: {  	p1 =	slt.u32 s9, $0xF7A;
	s5 =	simm.s32 @!p2 $0x0  }
0x1d: {  	s5 =	simm.s32 @p1 $0x1;
	p0 =	seq.s32 s7, s2  }
0x1e: {  	s7 =	smul.u32 @!p0 $0xF7A, s2;
	p2 =	seq.s32 @!p0 s5, $0x0  }
0x1f: {  	s9 =	smul.u32 $0xF7A, s1;
	s8 =	simm.s32 @!p0 $0x1BF5;
	p2 =	por !p2, p0  }
0x20: {  	[sflag:s8] =	ssyncset.s32 @!p0 $0xFFFFF086;
	s6 =	sadd.s32 @!p0 s3, s7;
	s7 =	simm.s32 @!p0 $0x108  }
0x21: {  	s3 =	sadd.s32 s3, s9;
	s6 =	sadd.s32 @!p0 $0x88, s6;
	s7 =	simm.s32 @p2 $0x1082  }
0x22: {  	[simem:s7], [sflag:s8] =	dma.local @!p0 [hbm:s6], $0xF7A  }
0x23: {  	s9 =	sor.u32 $0xD0000000, s2;
	s6 =	simm.s32 $0x108;
	_ =	swait.ge @!p0 [sflag:s8], $0x0  }
0x24: {  	s3 =	sadd.s32 $0x88, s3;
	s6 =	simm.s32 @!p1 $0x1082;
	[sflag:s4] =	ssyncset.s32 $0xFFFFF086  }
0x25: {  	[simem:s6], [sflag:s4] =	dma.local [hbm:s3], $0xF7A  }
0x26: {  	[smem:$0x3F9F] =	sst s1;
	(tag) =	ssettag s2;
	_ =	strace s9  }
0x27: {  	s1 =	sld [smem:$0x3FAF]  }
0x28: {  	s2 =	sld [smem:$0x3FB0]  }
0x29: {  	s4 =	sld [smem:$0x3FB2]  }
0x2a: {  	p0 =	seq.s32 s5, $0x0;
	s5 =	sld [smem:$0x3FB3]  }
0x2b: {  	s6 =	sld [smem:$0x3FB4]  }
0x2c: {  	s7 =	sld [smem:$0x3FB5]  }
0x2d: {  	s3 =	simm.s32 $0x108;
	s8 =	sld [smem:$0x3FB6]  }
0x2e: {  	s3 =	simm.s32 @!p0 $0x1082;
	s9 =	sld [smem:$0x3FB7]  }
0x2f: {  	lr =	sadd.s32 s0, s3;
	s0 =	sld [smem:$0x3FAE]  }
0x30: {  	s3 =	sld [smem:$0x3FB1]  }
0x31: {  	[smem:$0x3FBA] =	sst s10  }
0x32: {  	s10 =	sld [smem:$0x3FB8];
	_ =	sdelay $0x3  }
0x33: {  	p0 =	seq.s32 s10, $0x1;
	s10 =	sld [smem:$0x3FBA];
	_ =	sdelay $0x3  }
0x34: {  	[smem:$0x3FBA] =	sst s10  }
0x35: {  	s10 =	sld [smem:$0x3FB9];
	_ =	sdelay $0x3  }
0x36: {  	p1 =	seq.s32 s10, $0x1;
	s10 =	sld [smem:$0x3FBA];
	_ =	sdelay $0x3  }
0x37: {  	[smem:$0x3FBA] =	sst s10  }
0x38: {  	s10 =	sld [smem:$0x3FBB]  }
0x39: {  	_ = 	snop;
	(pc) =	sbr.ind lr, $3  }
0x3a: {  	_ = 	snop  }
0x3b: {  	_ = 	snop  }
0x3c: {  	p2 =	seq.s32 s10, $0x1;
	s10 =	sld [smem:$0x3FBA]  }
0x3d: {  	_ =	shalt  }
0x3e: {  	_ =	shalt  }
0x3f: {  	_ =	shalt  }
0x40: {  	_ =	shalt  }
0x41: {  	_ =	shalt  }
0x42: {  	_ =	shalt  }
0x43: {  	_ =	shalt  }
0x44: {  	_ =	shalt  }
0x45: {  	_ =	shalt  }
0x46: {  	_ =	shalt  }
0x47: {  	_ =	shalt  }
0x48: {  	_ =	shalt  }
0x49: {  	_ =	shalt  }
0x4a: {  	_ =	shalt  }
0x4b: {  	_ =	shalt  }
0x4c: {  	_ =	shalt  }
0x4d: {  	_ =	shalt  }
0x4e: {  	_ =	shalt  }
0x4f: {  	_ =	shalt  }
0x50: {  	_ =	shalt  }
0x51: {  	_ =	shalt  }
0x52: {  	_ =	shalt  }
0x53: {  	_ =	shalt  }
0x54: {  	_ =	shalt  }
0x55: {  	_ =	shalt  }
0x56: {  	_ =	shalt  }
0x57: {  	_ =	shalt  }
0x58: {  	_ =	shalt  }
0x59: {  	_ =	shalt  }
0x5a: {  	_ =	shalt  }
0x5b: {  	_ =	shalt  }
0x5c: {  	_ =	shalt  }
0x5d: {  	_ =	shalt  }
0x5e: {  	_ =	shalt  }
0x5f: {  	_ =	shalt  }
0x60: {  	_ =	shalt  }
0x61: {  	_ =	shalt  }
0x62: {  	_ =	shalt  }
0x63: {  	_ =	shalt  }
0x64: {  	_ =	shalt  }
0x65: {  	_ =	shalt  }
0x66: {  	_ =	shalt  }
0x67: {  	_ =	shalt  }
0x68: {  	_ =	shalt  }
0x69: {  	_ =	shalt  }
0x6a: {  	_ =	shalt  }
0x6b: {  	_ =	shalt  }
0x6c: {  	_ =	shalt  }
0x6d: {  	_ =	shalt  }
0x6e: {  	_ =	shalt  }
0x6f: {  	_ =	shalt  }
0x70: {  	_ =	shalt  }
0x71: {  	_ =	shalt  }
0x72: {  	_ =	shalt  }
0x73: {  	_ =	shalt  }
0x74: {  	_ =	shalt  }
0x75: {  	_ =	shalt  }
0x76: {  	_ =	shalt  }
0x77: {  	_ =	shalt  }
0x78: {  	_ =	shalt  }
0x79: {  	_ =	shalt  }
0x7a: {  	_ =	shalt  }
0x7b: {  	_ =	shalt  }
0x7c: {  	_ =	shalt  }
0x7d: {  	_ =	shalt  }
0x7e: {  	_ =	shalt  }
0x7f: {  	_ =	shalt  }
0x80: {  	_ =	shalt  }
0x81: {  	_ =	shalt  }
0x82: {  	_ =	shalt  }
0x83: {  	_ =	shalt  }
0x84: {  	_ =	shalt  }
0x85: {  	_ =	shalt  }
0x86: {  	_ =	shalt  }
0x87: {  	_ =	shalt  }
.Lfunc_end0:
.L_simem_size_0:
called_computation_lowered:
.L_overlay_start_0:
0x88: {  	s2 =	sld [smem:$0x3FD9]  }
0x89: {  	s3 =	sld [smem:$0x3FFE];
	_ =	sdelay $0x1  }
0x8a: {  	s1 =	srdreg.scid  }
0x8b: {  	s0 =	sand.u32 $0x1, s1  }
0x8c: {  	s18 =	sshll.u32 s0, $0xA;
	s2 =	sadd.s32 s3, s2  }
0x8d: {  	s2 =	sadd.s32 s2, s18  }
0x8e: {  	[smem:$0x3FC6] =	sst s2  }
0x8f: {  	_ = 	snop  }
0x90: {  	s2 =	sld [smem:$0x3FC9]  }
0x91: {  	s19 =	sld [smem:$0x3FC8]  }
0x92: {  	s4 =	sld [smem:$0x3FD0];
	(tm) =	ssettm $0x1  }
0x93: {  	s5 =	sld [smem:$0x3FFB];
	_ =	sdelay $0x3  }
0x94: {  	_ =	strace s5  }
0x95: {  	s5 =	sld [smem:$0x3FFC];
	_ =	sdelay $0x3  }
0x96: {  	_ =	strace s5  }
0x97: {  	s5 =	sld [smem:$0x3FFD];
	_ =	sdelay $0x3  }
0x98: {  	_ =	strace s5  }
0x99: {  	_ =	strace $0x8FFFFFFF  }
0x9a: {  	s20 =	sld [smem:$0x3FDB];
	_ =	sdelay $0x1  }
0x9b: {  	s6 =	simm.s32 $_scs_section_size  }
0x9c: {  	s7 =	simm.s32 $_size__tile_overlayer_lowered;
	s8 =	simm.s32 $_tile_overlayer_lowered  }
0x9d: {  	s23 =	simm.s32 $0x1BFF;
	s22 =	sshll.u32 s8, $0x1;
	s5 =	sadd.s32 s6, s20  }
0x9e: {  	s9 =	simm.s32 $0x0;
	s21 =	sshll.u32 s7, $0x1;
	s7 =	sadd.s32 s22, s5  }
0x9f: {  	[timem:s9], [sflag:s23] =	dma.local [hbm:s7], s21  }
0xa0: {  	_ =	swait.ge [sflag:s23], s21  }
0xa1: {  	s6 =	ssub.s32 $0x0, s21;
	[sflag:s23] =	ssyncset.done $0x0  }
0xa2: {  	[sflag:s23] =	ssyncadd.s32 s6;
	_ =	sdelay $0x1  }
0xa3: {  	s24 =	simm.s32 $0x1B8B  }
0xa4: {  	_ =	swait.ge [sflag:s24], $0x1  }
0xa5: {  	[sflag:s24] =	ssyncset.done $0x0  }
0xa6: {  	s25 =	simm.s32 $0x1B8E;
	[sflag:s24] =	ssyncadd.s32 $0xFFFFFFFF  }
0xa7: {  	s26 =	simm.s32 $execute0_lowered;
	[smem:$0x3FD2] =	sst s25  }
0xa8: {  	s6 =	sshll.u32 s26, $0x1;
	_ =	strace $0x80000046;
	[dreg:$0x1] =	wrdreg $0xFFFFFFFF  }
0xa9: {  	s28 =	simm.s32 $_size_execute0_lowered;
	s5 =	sadd.s32 s5, s6;
	[dreg:$0x0] =	wrdreg $0x0  }
0xaa: {  	s6 =	sshll.u32 s28, $0x1;
	[dreg:$0x2] =	wrdreg s5  }
0xab: {  	[dreg:$0x3] =	wrdreg s6  }
0xac: {  	[dreg:$0x4] =	wrdreg $0xC0  }
0xad: {  	_ =	task [dreg:s9], $0x5FFFF  }
0xae: {  	[dreg:$0x1] =	wrdreg $0xFFFFFFFF  }
0xaf: {  	[dreg:$0x0] =	wrdreg $0x60  }
0xb0: {  	[dreg:$0x2] =	wrdreg s2  }
0xb1: {  	[dreg:$0x3] =	wrdreg s19  }
0xb2: {  	[dreg:$0x4] =	wrdreg s4  }
0xb3: {  	[dreg:$0x5] =	wrdreg $0x9  }
0xb4: {  	_ =	task.clear_ibuf [dreg:s9], $0x6FFFF;
	_ =	strace $0x90000046  }
0xb5: {  	s29 =	simm.s32 $0x9;
	_ =	strace $0x80000048  }
0xb6: {  	_ =	swait.ge [sflag:s29], $0x1  }
0xb7: {  	[sflag:s29] =	ssyncadd.s32 $0xFFFFFFFF  }
0xb8: {  	_ =	strace $0x90000048  }
0xb9: {  	_ =	sfence  }
0xba: {  	s30 =	sld [smem:$0x0];
	_ =	sdelay $0x2  }
0xbb: {  	s31 =	sshll.u32 s1, $0xD;
	s1 =	sshrl.u32 s1, $0x2  }
0xbc: {  	s3 =	sand.u32 $0x4000, s31;
	s1 =	sadd.s32 s1, s30  }
0xbd: {  	s0 =	sor.u32 s3, s0;
	s1 =	sshll.u32 s1, $0x11  }
0xbe: {  	s0 =	sor.u32 s1, s0  }
0xbf: {  	s0 =	sadd.s32 $0x8F2B, s0  }
0xc0: {  	[sflag:s0] =	ssyncadd.remote.s32 $0x1  }
0xc1: {  	_ =	sfence.sel $0xFFFF  }
0xc2: {  	[dreg:$0x0] =	wrdreg $0xFFFFFFFF;
	(pc) =	sbr.abs _section_cstart, $3  }
0xc3: {  	[dreg:$0x1] =	wrdreg $0xFFFFFFFF  }
0xc4: {  	_ =	task.clear_ibuf [dreg:s9], $0x2FFFF;
	_ =	strace $0x9FFFFFFF  }
0xc5: {  	(tm) =	ssettm $0x7FFFFFFF  }
tec
execute0_lowered:
.L_overlay_start_1:
0x0: {  	(tag) =	ssettag $0x1  }
0x1: {  	s0 =	rddreg [dreg:$0x0]  }
0x2: {  	s5 =	rddreg [dreg:$0x2];
	s3 =	simm.s32 $0x0  }
0x3: {  	[smem:$0x7FF] =	sst s3;
	s13 =	sadd.s32 $0x40100, s5  }
0x4: {  	s14 =	sadd.s32 $0x80100, s5;
	_ =	strace $0x80000047;
	[dreg:$0x4] =	wrdreg s13  }
0x5: {  	s15 =	sadd.s32 $0xC0100, s5;
	[dreg:$0x5] =	wrdreg s14  }
0x6: {  	s16 =	sadd.s32 $0x100100, s5;
	[dreg:$0x6] =	wrdreg s15  }
0x7: {  	s17 =	sadd.s32 $0x140100, s5;
	[dreg:$0x8] =	wrdreg s16  }
0x8: {  	s18 =	sadd.s32 $0x180100, s5;
	[dreg:$0x9] =	wrdreg s17  }
0x9: {  	s19 =	sadd.s32 $0x1C0100, s5;
	[dreg:$0xa] =	wrdreg s18  }
0xa: {  	s21 =	sadd.s32 $0x200100, s5;
	[dreg:$0xb] =	wrdreg s19  }
0xb: {  	s22 =	sadd.s32 $0x240100, s5;
	[dreg:$0xd] =	wrdreg s21  }
0xc: {  	s1 =	srdreg.scid;
	s23 =	sadd.s32 $0x280100, s5;
	[dreg:$0xe] =	wrdreg s22  }
0xd: {  	s6 =	stileid.u32;
	s24 =	sadd.s32 $0x2C0100, s5;
	[dreg:$0x10] =	wrdreg s23  }
0xe: {  	s1 =	sand.u32 $0x1, s1;
	s25 =	sadd.s32 $0x300100, s5;
	[dreg:$0x11] =	wrdreg s24  }
0xf: {  	s12 =	sshll.u32 s6, $0x8;
	s26 =	sadd.s32 $0x340100, s5;
	[dreg:$0x13] =	wrdreg s25  }
0x10: {  	s28 =	sadd.s32 $0x100, s5;
	s29 =	sadd.s32 $0x380100, s5;
	[dreg:$0x14] =	wrdreg s26  }
0x11: {  	s2 =	ssub.s32 $0x2, s1;
	s1 =	sshll.u32 s1, $0x7;
	[dreg:$0x15] =	wrdreg s28  }
0x12: {  	[dreg:$0x16] =	wrdreg s29;
	s1 =	sor.u32 s1, s12  }
0x13: {  	s30 =	sadd.s32 $0x3C0100, s5;
	[dreg:$0x7] =	wrdreg s1;
	s1 =	sshll.u32 s1, $0x5  }
0x14: {  	[dreg:$0x17] =	wrdreg s30;
	s4 =	sshrl.u32 s2, $0x1;
	s20 =	sadd.s32 s0, s1  }
0x15: {  	s2 =	ssub.s32 s2, s4;
	s0 =	sadd.s32 $0x100, s0;
	[dreg:$0xc] =	wrdreg s20  }
0x16: {  	s31 =	smax.u32 s2, $0x1;
	[dreg:$0xf] =	wrdreg s0  }
0x17: {  	s0 =	sadd.s32 s1, s0;
	[dreg:$0x18] =	wrdreg s31  }
0x18: {  	v0 =	vimm.f32 $0.0e+00;
	s2 =	simm.s32 $0x0;
	[dreg:$0x12] =	wrdreg s0  }
.LBB2_1:
0x19: {  	[dreg:$0x19] =	wrdreg s2  }
0x1a: {  	s0 =	rddreg [dreg:$0xc];
	s1 =	simm.s32 $0x800;
	s26 =	simm.s32 $0x100000  }
0x1b: {  	[tilespmem:s3], [sflag:$0x1] =	stream.strided.gather [hbm4b:s0+s1], $0x8000, s26, s1, $0x38;
	[tilespmem:$0x1C080] =	vst v63  }
0x1c: {  	s31 =	rddreg [dreg:$0x12];
	s4 =	simm.s32 $0x8000  }
0x1d: {  	[tilespmem:s4], [sflag:$0x2] =	stream.strided.gather [hbm4b:s31+s1], $0x8000, s26, s1, $0x38;
	[tilespmem:$0x1C080] =	vst v63  }
0x1e: {  	s2 =	rddreg [dreg:$0x1];
	s5 =	simm.s32 $0x9;
	s4 =	simm.s32 $0x1C000  }
0x1f: {  	[tilespmem:s4], [sflag:$0x9] =	stream.linear.gather [hbm4b:s2+s3], $0x80, $0x38;
	[tilespmem:$0x1C080] =	vst v63  }
0x20: {  	_ =	swait.ge [sflag:s5], $0x80  }
0x21: {  	[sflag:s5] =	ssyncset.done $0x0  }
0x22: {  	[sflag:s5] =	ssyncadd.s32 $0xFFFFFF80  }
0x23: {  	v1 =	vld [tilespmem:$0x1C000];
	_ =	sdelay $0x4  }
0x24: {  	(v2sf) =	vpush v1, $0x0  }
0x25: {  	(v2sf) =	vpush v1, $0x1  }
0x26: {  	(v2sf) =	vpush v1, $0x2  }
0x27: {  	(v2sf) =	vpush v1, $0x3  }
0x28: {  	(v2sf) =	vpush v1, $0x4  }
0x29: {  	(v2sf) =	vpush v1, $0x5;
	_ =	sdelay $0x1  }
0x2a: {  	(v2sf) =	vpush v1, $0x6  }
0x2b: {  	(v2sf) =	vpush v1, $0x7;
	_ =	sdelay $0x2  }
0x2c: {  	(v2sf) =	vpush v1, $0x8;
	_ =	sdelay $0x1  }
0x2d: {  	s15 =	simm.f32 $5.000000000e-01;
	(v2sf) =	vpush v1, $0x9  }
0x2e: {  	s13 =	simm.f32 $5.000000000e-01;
	s0 =	simm.s32 $0x1;
	s1 =	simm.s32 $0x1  }
0x2f: {  	s2 =	simm.s32 $0x1;
	s4 =	simm.s32 $0x1;
	s30 =	spop (v2sf)  }
0x30: {  	(v2sf) =	vpush v1, $0xA;
	s29 =	spop (v2sf);
	p0 =	seq.s32 s30, $0x0;
	p2 =	seq.s32 s30, $0x1  }
0x31: {  	s18 =	spop (v2sf);
	p1 =	seq.s32 s29, $0x0;
	s0 =	simm.s32 @!p0 $0x0  }
0x32: {  	s28 =	spop (v2sf);
	s1 =	simm.s32 @!p1 $0x0;
	p0 =	seq.s32 s18, $0x0  }
0x33: {  	p1 =	seq.s32 s29, $0x1;
	s21 =	spop (v2sf);
	s0 =	sadd.s32 s1, s0  }
0x34: {  	(v2sf) =	vpush v1, $0xB;
	s1 =	simm.s32 $0x1;
	p6 =	seq.s32 s28, $0x1;
	s12 =	spop (v2sf)  }
0x35: {  	(v2sf) =	vpush v1, $0xC;
	s1 =	simm.s32 @!p0 $0x0;
	p0 =	seq.s32 s28, $0x0;
	p4 =	seq.s32 s21, $0x1  }
0x36: {  	(v2sf) =	vpush v1, $0xD;
	s14 =	spop (v2sf);
	s0 =	sadd.s32 s1, s0;
	s2 =	simm.s32 @!p0 $0x0  }
0x37: {  	(v2sf) =	vpush v1, $0xE;
	p0 =	seq.s32 s21, $0x0;
	s1 =	simm.s32 $0x1;
	s9 =	spop (v2sf)  }
0x38: {  	s0 =	sadd.s32 s2, s0;
	s1 =	simm.s32 @!p0 $0x0;
	p0 =	seq.s32 s12, $0x0  }
0x39: {  	s2 =	simm.s32 $0x1;
	p5 =	seq.s32 s14, $0x1;
	[smem:$0x7EA] =	sst s14  }
0x3a: {  	(v2sf) =	vpush v1, $0xF;
	s19 =	spop (v2sf);
	s0 =	sadd.s32 s1, s0;
	s2 =	simm.s32 @!p0 $0x0  }
0x3b: {  	p0 =	seq.s32 s14, $0x0;
	s1 =	simm.s32 $0x1;
	[smem:$0x7EB] =	sst s9  }
0x3c: {  	s7 =	spop (v2sf);
	s0 =	sadd.s32 s2, s0;
	s1 =	simm.s32 @!p0 $0x0  }
0x3d: {  	p0 =	seq.s32 s9, $0x0;
	s2 =	simm.s32 $0x1;
	s0 =	sadd.s32 s1, s0  }
0x3e: {  	s2 =	simm.s32 @!p0 $0x0;
	p0 =	seq.s32 s19, $0x0;
	s1 =	simm.s32 $0x1  }
0x3f: {  	s10 =	spop (v2sf);
	s0 =	sadd.s32 s2, s0;
	s1 =	simm.s32 @!p0 $0x0  }
0x40: {  	p0 =	seq.s32 s7, $0x0;
	s2 =	simm.s32 $0x1;
	s0 =	sadd.s32 s1, s0  }
0x41: {  	s2 =	simm.s32 @!p0 $0x0;
	p0 =	seq.s32 s10, $0x0;
	s1 =	simm.s32 $0x1  }
0x42: {  	[smem:$0x7EC] =	sst s7;
	s0 =	sadd.s32 s2, s0;
	s1 =	simm.s32 @!p0 $0x0  }
0x43: {  	s2 =	simm.s32 $0x1;
	s0 =	sadd.s32 s1, s0;
	s5 =	spop (v2sf)  }
0x44: {  	s1 =	simm.s32 $0x1;
	s20 =	spop (v2sf);
	p0 =	seq.s32 s5, $0x0  }
0x45: {  	s25 =	spop (v2sf);
	s2 =	simm.s32 @!p0 $0x0;
	p0 =	seq.s32 s20, $0x0  }
0x46: {  	s26 =	spop (v2sf);
	s0 =	sadd.s32 s2, s0;
	s1 =	simm.s32 @!p0 $0x0  }
0x47: {  	p0 =	seq.s32 s25, $0x0;
	s2 =	simm.s32 $0x1;
	s0 =	sadd.s32 s1, s0  }
0x48: {  	s2 =	simm.s32 @!p0 $0x0;
	p0 =	seq.s32 s26, $0x0;
	s1 =	simm.s32 $0x1  }
0x49: {  	s6 =	spop (v2sf);
	s0 =	sadd.s32 s2, s0;
	s1 =	simm.s32 @!p0 $0x0  }
0x4a: {  	p0 =	seq.s32 s6, $0x0;
	s2 =	simm.s32 $0x1;
	[smem:$0x7EF] =	sst s6  }
0x4b: {  	s0 =	sadd.s32 s1, s0;
	s2 =	simm.s32 @!p0 $0x0;
	s1 =	simm.s32 $0x1  }
0x4c: {  	p0 =	seq.s32 s18, $0x1;
	s0 =	sadd.s32 s2, s0;
	s2 =	simm.s32 $0x1  }
0x4d: {  	s1 =	simm.s32 @!p2 $0x0;
	p3 =	seq.s32 s0, $0x2;
	s2 =	simm.s32 @!p1 $0x0  }
0x4e: {  	s4 =	simm.s32 @!p0 $0x0;
	s15 =	simm.s32 @!p3 $0x3F800000;
	s1 =	sadd.s32 s2, s1  }
0x4f: {  	s2 =	simm.s32 $0x1;
	p3 =	seq.s32 s0, $0x3;
	s1 =	sadd.s32 s4, s1  }
0x50: {  	s2 =	simm.s32 @!p6 $0x0;
	s4 =	simm.s32 @!p4 $0x0;
	s15 =	simm.s32 @p3 $0x3EAAAAAB  }
0x51: {  	p3 =	seq.s32 s0, $0x4;
	s4 =	simm.s32 @p4 $0x1;
	s1 =	sadd.s32 s2, s1  }
0x52: {  	s15 =	simm.s32 @p3 $0x3E800000;
	p3 =	seq.s32 s0, $0x5;
	[smem:$0x7B5] =	sst s4  }
0x53: {  	s4 =	simm.s32 $0x1;
	s15 =	simm.s32 @p3 $0x3E4CCCCD;
	p3 =	seq.s32 s0, $0x6  }
0x54: {  	s4 =	simm.s32 @!p4 $0x0;
	p4 =	seq.s32 s12, $0x1;
	s15 =	simm.s32 @p3 $0x3E2AAAAB  }
0x55: {  	p3 =	seq.s32 s0, $0x7;
	s1 =	sadd.s32 s4, s1;
	s2 =	simm.s32 @!p4 $0x0  }
0x56: {  	s4 =	simm.s32 $0x1;
	s15 =	simm.s32 @p3 $0x3E124925;
	p3 =	seq.s32 s0, $0x8  }
0x57: {  	s2 =	simm.s32 @p4 $0x1;
	s4 =	simm.s32 @!p5 $0x0;
	s15 =	simm.s32 @p3 $0x3E000000  }
0x58: {  	p3 =	seq.s32 s0, $0x9;
	[smem:$0x7B6] =	sst s2;
	s2 =	simm.s32 $0x1  }
0x59: {  	s15 =	simm.s32 @p3 $0x3DE38E39;
	p3 =	seq.s32 s0, $0xA;
	s2 =	simm.s32 @!p4 $0x0  }
0x5a: {  	p4 =	seq.s32 s9, $0x1;
	s15 =	simm.s32 @p3 $0x3DCCCCCD;
	p3 =	seq.s32 s26, $0x1  }
0x5b: {  	s1 =	sadd.s32 s2, s1;
	s2 =	simm.s32 $0x1;
	s8 =	simm.s32 @!p4 $0x0  }
0x5c: {  	s8 =	simm.s32 @p4 $0x1;
	s1 =	sadd.s32 s4, s1;
	s2 =	simm.s32 @!p4 $0x0  }
0x5d: {  	s4 =	simm.s32 $0x1;
	p4 =	seq.s32 s19, $0x1;
	[smem:$0x7B7] =	sst s8  }
0x5e: {  	s8 =	simm.s32 @!p4 $0x0;
	s1 =	sadd.s32 s2, s1;
	s4 =	simm.s32 @!p4 $0x0  }
0x5f: {  	s2 =	simm.s32 $0x1;
	s8 =	simm.s32 @p4 $0x1;
	p4 =	seq.s32 s7, $0x1  }
0x60: {  	s1 =	sadd.s32 s4, s1;
	[smem:$0x7B8] =	sst s8;
	s8 =	simm.s32 @!p4 $0x0  }
0x61: {  	s4 =	simm.s32 $0x1;
	s2 =	simm.s32 @!p4 $0x0;
	s8 =	simm.s32 @p4 $0x1  }
0x62: {  	p4 =	seq.s32 s10, $0x1;
	s1 =	sadd.s32 s2, s1;
	s2 =	simm.s32 $0x1  }
0x63: {  	[smem:$0x7B9] =	sst s8;
	s8 =	simm.s32 @!p4 $0x0;
	s4 =	simm.s32 @!p4 $0x0  }
0x64: {  	s8 =	simm.s32 @p4 $0x1;
	p4 =	seq.s32 s5, $0x1;
	s1 =	sadd.s32 s4, s1  }
0x65: {  	s4 =	simm.s32 $0x1;
	[smem:$0x7BA] =	sst s8;
	s8 =	simm.s32 @!p4 $0x0  }
0x66: {  	s2 =	simm.s32 @!p4 $0x0;
	s8 =	simm.s32 @p4 $0x1;
	p4 =	seq.s32 s20, $0x1  }
0x67: {  	s1 =	sadd.s32 s2, s1;
	[smem:$0x7BB] =	sst s8;
	s8 =	simm.s32 @!p4 $0x0  }
0x68: {  	s2 =	simm.s32 $0x1;
	s4 =	simm.s32 @!p4 $0x0;
	s8 =	simm.s32 @p4 $0x1  }
0x69: {  	p4 =	seq.s32 s25, $0x1;
	s1 =	sadd.s32 s4, s1;
	s4 =	simm.s32 @!p3 $0x0  }
0x6a: {  	[smem:$0x7BC] =	sst s8;
	s8 =	simm.s32 @!p4 $0x0;
	s2 =	simm.s32 @!p4 $0x0  }
0x6b: {  	s4 =	simm.s32 @p3 $0x1;
	s8 =	simm.s32 @p4 $0x1;
	s1 =	sadd.s32 s2, s1  }
0x6c: {  	s2 =	simm.s32 $0x1;
	[smem:$0x7BE] =	sst s4;
	s4 =	simm.s32 $0x1  }
0x6d: {  	[smem:$0x7BD] =	sst s8;
	s2 =	simm.s32 @!p3 $0x0;
	p3 =	seq.s32 s6, $0x1  }
0x6e: {  	s8 =	simm.s32 @!p3 $0x0;
	s1 =	sadd.s32 s2, s1;
	s4 =	simm.s32 @!p3 $0x0  }
0x6f: {  	s8 =	simm.s32 @p3 $0x1;
	p3 =	seq.s32 s0, $0xB;
	s1 =	sadd.s32 s4, s1  }
0x70: {  	s15 =	simm.s32 @p3 $0x3DBA2E8C;
	p3 =	seq.s32 s0, $0xC;
	p4 =	seq.s32 s1, $0x2  }
0x71: {  	s15 =	simm.s32 @p3 $0x3DAAAAAB;
	s13 =	simm.s32 @!p4 $0x3F800000;
	p3 =	seq.s32 s1, $0x3  }
0x72: {  	p4 =	seq.s32 s1, $0x4;
	s13 =	simm.s32 @p3 $0x3EAAAAAB;
	p3 =	seq.s32 s0, $0xD  }
0x73: {  	s15 =	simm.s32 @p3 $0x3D9D89D9;
	s13 =	simm.s32 @p4 $0x3E800000;
	p3 =	seq.s32 s1, $0x5  }
0x74: {  	p4 =	seq.s32 s1, $0x6;
	s13 =	simm.s32 @p3 $0x3E4CCCCD;
	p3 =	seq.s32 s0, $0xE  }
0x75: {  	s15 =	simm.s32 @p3 $0x3D924925;
	s13 =	simm.s32 @p4 $0x3E2AAAAB;
	p3 =	seq.s32 s1, $0x7  }
0x76: {  	s2 =	simm.s32 $0x1;
	s13 =	simm.s32 @p3 $0x3E124925;
	p3 =	seq.s32 s0, $0xF  }
0x77: {  	[smem:$0x7BF] =	sst s8;
	p4 =	seq.s32 s1, $0x8;
	s15 =	simm.s32 @p3 $0x3D888889  }
0x78: {  	s13 =	simm.s32 @p4 $0x3E000000;
	p3 =	seq.s32 s1, $0x9;
	p4 =	seq.s32 s1, $0xA  }
0x79: {  	s13 =	simm.s32 @p3 $0x3DE38E39;
	p3 =	seq.s32 s0, $0x10;
	s0 =	simm.s32 $0x1  }
0x7a: {  	s15 =	simm.s32 @p3 $0x3D800000;
	s13 =	simm.s32 @p4 $0x3DCCCCCD;
	p3 =	seq.s32 s30, $0x2  }
0x7b: {  	p4 =	seq.s32 s29, $0x2;
	s4 =	simm.s32 @!p3 $0x0;
	s0 =	simm.s32 @!p3 $0x0  }
0x7c: {  	s2 =	simm.s32 @!p4 $0x0;
	s4 =	simm.s32 @p3 $0x1;
	p3 =	seq.s32 s1, $0xB  }
0x7d: {  	s0 =	sadd.s32 s2, s0;
	s2 =	simm.s32 $0x1;
	[smem:$0x7CC] =	sst s4  }
0x7e: {  	s4 =	simm.s32 @!p4 $0x0;
	s13 =	simm.s32 @p3 $0x3DBA2E8C;
	p3 =	seq.s32 s1, $0xC  }
0x7f: {  	s4 =	simm.s32 @p4 $0x1;
	p4 =	seq.s32 s18, $0x2;
	s13 =	simm.s32 @p3 $0x3DAAAAAB  }
0x80: {  	p3 =	seq.s32 s1, $0xD;
	[smem:$0x7CD] =	sst s4;
	s4 =	simm.s32 $0x1  }
0x81: {  	s8 =	simm.s32 @!p4 $0x0;
	s13 =	simm.s32 @p3 $0x3D9D89D9;
	p3 =	seq.s32 s1, $0xE  }
0x82: {  	s8 =	simm.s32 @p4 $0x1;
	s4 =	simm.s32 @!p4 $0x0;
	p4 =	seq.s32 s28, $0x2  }
0x83: {  	s13 =	simm.s32 @p3 $0x3D924925;
	p3 =	seq.s32 s1, $0xF;
	[smem:$0x7CE] =	sst s8  }
0x84: {  	s8 =	simm.s32 @!p4 $0x0;
	s0 =	sadd.s32 s4, s0;
	s2 =	simm.s32 @!p4 $0x0  }
0x85: {  	s4 =	simm.s32 $0x1;
	s13 =	simm.s32 @p3 $0x3D888889;
	p3 =	seq.s32 s1, $0x10  }
0x86: {  	s8 =	simm.s32 @p4 $0x1;
	p4 =	seq.s32 s21, $0x2;
	s0 =	sadd.s32 s2, s0  }
0x87: {  	s2 =	simm.s32 $0x1;
	s13 =	simm.s32 @p3 $0x3D800000;
	p3 =	seq.s32 s19, $0x2  }
0x88: {  	[smem:$0x7CF] =	sst s8;
	s8 =	simm.s32 @!p4 $0x0;
	s4 =	simm.s32 @!p4 $0x0  }
0x89: {  	s8 =	simm.s32 @p4 $0x1;
	p4 =	seq.s32 s12, $0x2;
	s0 =	sadd.s32 s4, s0  }
0x8a: {  	s4 =	simm.s32 $0x1;
	[smem:$0x7D0] =	sst s8;
	s8 =	simm.s32 @!p4 $0x0  }
0x8b: {  	s2 =	simm.s32 @!p4 $0x0;
	s8 =	simm.s32 @p4 $0x1;
	p4 =	seq.s32 s14, $0x2  }
0x8c: {  	s0 =	sadd.s32 s2, s0;
	[smem:$0x7D1] =	sst s8;
	s8 =	simm.s32 @!p4 $0x0  }
0x8d: {  	s2 =	simm.s32 $0x1;
	s4 =	simm.s32 @!p4 $0x0;
	s8 =	simm.s32 @p4 $0x1  }
0x8e: {  	p4 =	seq.s32 s9, $0x2;
	s0 =	sadd.s32 s4, s0;
	s4 =	smov.u32 s15  }
0x8f: {  	[smem:$0x7D2] =	sst s8;
	s1 =	simm.s32 @!p4 $0x0;
	s2 =	simm.s32 @!p4 $0x0  }
0x90: {  	s4 =	smov.u32 @p2 s13;
	p2 =	seq.s32 s10, $0x2;
	s1 =	simm.s32 @p4 $0x1  }
0x91: {  	s0 =	sadd.s32 s2, s0;
	s2 =	simm.s32 @!p3 $0x0;
	s17 =	smov.u32 s4  }
0x92: {  	s4 =	smov.u32 s15;
	[smem:$0x7D3] =	sst s1;
	s1 =	simm.s32 $0x1  }
0x93: {  	s2 =	simm.s32 @p3 $0x1;
	s4 =	smov.u32 @p1 s13;
	p1 =	seq.s32 s20, $0x2  }
0x94: {  	[smem:$0x7D4] =	sst s2;
	s1 =	simm.s32 @!p3 $0x0;
	s2 =	simm.s32 $0x1  }
0x95: {  	p3 =	seq.s32 s7, $0x2;
	[smem:$0x7F1] =	sst s4;
	s4 =	smov.u32 s15  }
0x96: {  	s8 =	simm.s32 @!p3 $0x0;
	s0 =	sadd.s32 s1, s0;
	s2 =	simm.s32 @!p3 $0x0  }
0x97: {  	s1 =	simm.s32 $0x1;
	s4 =	smov.u32 @p0 s13;
	p0 =	seq.s32 s30, $0x3  }
0x98: {  	s8 =	simm.s32 @p3 $0x1;
	s0 =	sadd.s32 s2, s0;
	s2 =	simm.s32 @!p2 $0x0  }
0x99: {  	s1 =	simm.s32 @!p2 $0x0;
	s22 =	smov.u32 s4;
	[smem:$0x7D5] =	sst s8  }
0x9a: {  	s2 =	simm.s32 @p2 $0x1;
	p2 =	seq.s32 s5, $0x2;
	s0 =	sadd.s32 s1, s0  }
0x9b: {  	s1 =	simm.s32 $0x1;
	[smem:$0x7D6] =	sst s2;
	s2 =	simm.s32 $0x1  }
0x9c: {  	s8 =	simm.s32 @!p2 $0x0;
	s1 =	simm.s32 @!p1 $0x0;
	s2 =	simm.s32 @!p2 $0x0  }
0x9d: {  	s8 =	simm.s32 @p2 $0x1;
	s0 =	sadd.s32 s2, s0;
	s2 =	simm.s32 @!p1 $0x0  }
0x9e: {  	[smem:$0x7D7] =	sst s8;
	s2 =	simm.s32 @p1 $0x1;
	p1 =	seq.s32 s25, $0x2  }
0x9f: {  	s0 =	sadd.s32 s1, s0;
	s1 =	simm.s32 $0x1;
	[smem:$0x7D8] =	sst s2  }
0xa0: {  	s2 =	simm.s32 $0x1;
	s8 =	simm.s32 @!p1 $0x0;
	s1 =	simm.s32 @!p0 $0x0  }
0xa1: {  	s8 =	simm.s32 @p1 $0x1;
	s2 =	simm.s32 @!p1 $0x0;
	p1 =	seq.s32 s26, $0x2  }
0xa2: {  	[smem:$0x7D9] =	sst s8;
	s0 =	sadd.s32 s2, s0;
	s2 =	simm.s32 @!p0 $0x0  }
0xa3: {  	s11 =	simm.s32 @!p1 $0x0;
	s2 =	simm.s32 @p0 $0x1;
	p0 =	seq.s32 s29, $0x3  }
0xa4: {  	s11 =	simm.s32 @p1 $0x1;
	[smem:$0x7DC] =	sst s2;
	s4 =	simm.s32 @!p0 $0x0  }
0xa5: {  	s2 =	simm.s32 $0x1;
	[smem:$0x7DA] =	sst s11;
	s4 =	simm.s32 @p0 $0x1  }
0xa6: {  	s2 =	simm.s32 @!p0 $0x0;
	p0 =	seq.s32 s18, $0x3;
	[smem:$0x7DD] =	sst s4  }
0xa7: {  	s4 =	simm.s32 $0x1;
	s8 =	simm.s32 @!p0 $0x0;
	s1 =	sadd.s32 s2, s1  }
0xa8: {  	s2 =	simm.s32 $0x1;
	s8 =	simm.s32 @p0 $0x1;
	s4 =	simm.s32 @!p0 $0x0  }
0xa9: {  	p0 =	seq.s32 s28, $0x3;
	[smem:$0x7DE] =	sst s8;
	s8 =	simm.s32 $0x1  }
0xaa: {  	s11 =	simm.s32 @!p0 $0x0;
	s1 =	sadd.s32 s4, s1;
	s2 =	simm.s32 @!p0 $0x0  }
0xab: {  	s11 =	simm.s32 @p0 $0x1;
	s8 =	simm.s32 @!p1 $0x0;
	s1 =	sadd.s32 s2, s1  }
0xac: {  	s2 =	simm.s32 $0x1;
	p0 =	seq.s32 s21, $0x3;
	p1 =	seq.s32 s6, $0x2  }
0xad: {  	[smem:$0x7DF] =	sst s11;
	s4 =	simm.s32 @!p0 $0x0;
	s2 =	simm.s32 @!p0 $0x0  }
0xae: {  	s4 =	simm.s32 @p0 $0x1;
	p0 =	seq.s32 s12, $0x3;
	s1 =	sadd.s32 s2, s1  }
0xaf: {  	[smem:$0x7E0] =	sst s4;
	s4 =	simm.s32 $0x1;
	s11 =	simm.s32 @!p0 $0x0  }
0xb0: {  	s11 =	simm.s32 @p0 $0x1;
	s4 =	simm.s32 @!p0 $0x0;
	p0 =	seq.s32 s14, $0x3  }
0xb1: {  	s2 =	simm.s32 $0x1;
	s1 =	sadd.s32 s4, s1;
	s4 =	simm.s32 @!p0 $0x0  }
0xb2: {  	s0 =	sadd.s32 s8, s0;
	s2 =	simm.s32 @!p0 $0x0;
	s4 =	simm.s32 @p0 $0x1  }
0xb3: {  	p0 =	seq.s32 s9, $0x3;
	s1 =	sadd.s32 s2, s1;
	s2 =	simm.s32 $0x1  }
0xb4: {  	s9 =	simm.s32 @!p1 $0x0;
	[smem:$0x7E2] =	sst s4;
	s8 =	simm.s32 @!p0 $0x0  }
0xb5: {  	s4 =	simm.s32 $0x1;
	s9 =	simm.s32 @p1 $0x1;
	s8 =	simm.s32 @p0 $0x1  }
0xb6: {  	s4 =	simm.s32 @!p0 $0x0;
	[smem:$0x7DB] =	sst s9;
	p0 =	seq.s32 s19, $0x3  }
0xb7: {  	s9 =	smov.u32 s6;
	s6 =	simm.s32 @!p0 $0x0;
	s1 =	sadd.s32 s4, s1  }
0xb8: {  	s2 =	simm.s32 @!p0 $0x0;
	s6 =	simm.s32 @p0 $0x1;
	p0 =	seq.s32 s7, $0x3  }
0xb9: {  	s1 =	sadd.s32 s2, s1;
	s2 =	simm.s32 $0x1;
	s4 =	simm.s32 @!p0 $0x0  }
0xba: {  	s2 =	simm.s32 @!p0 $0x0;
	s4 =	simm.s32 @p0 $0x1;
	p0 =	seq.s32 s10, $0x3  }
0xbb: {  	[smem:$0x7E4] =	sst s6;
	s6 =	simm.s32 @!p0 $0x0  }
0xbc: {  	[smem:$0x7E3] =	sst s8;
	s6 =	simm.s32 @p0 $0x1  }
0xbd: {  	[smem:$0x7E6] =	sst s6  }
0xbe: {  	s6 =	sld [smem:$0x7B5]  }
0xbf: {  	s23 =	smov.u32 s15;
	s14 =	smov.u32 s15;
	s7 =	sld [smem:$0x7B6]  }
0xc0: {  	s8 =	simm.s32 $0x1;
	[smem:$0x7E5] =	sst s4;
	s4 =	simm.s32 $0x1  }
0xc1: {  	s8 =	simm.s32 @!p1 $0x0;
	s4 =	simm.s32 @!p0 $0x0;
	p0 =	seq.s32 s6, $0x1  }
0xc2: {  	s0 =	sadd.s32 s8, s0;
	s23 =	smov.u32 @p0 s13;
	p0 =	seq.s32 s7, $0x1  }
0xc3: {  	[smem:$0x7E9] =	sst s12;
	s14 =	smov.u32 @p0 s13;
	p0 =	seq.s32 s0, $0x5  }
0xc4: {  	[smem:$0x7ED] =	sst s10;
	s1 =	sadd.s32 s2, s1;
	s2 =	simm.s32 @!p0 $0x0  }
0xc5: {  	[smem:$0x7EE] =	sst s25;
	s2 =	simm.s32 @p0 $0x1;
	p0 =	seq.s32 s0, $0x6  }
0xc6: {  	[smem:$0x7C0] =	sst s2;
	s2 =	simm.s32 @!p0 $0x0  }
0xc7: {  	s16 =	sld [smem:$0x7B8];
	s2 =	simm.s32 @p0 $0x1;
	p0 =	seq.s32 s0, $0x7  }
0xc8: {  	[smem:$0x7C1] =	sst s2;
	s2 =	simm.s32 @!p0 $0x0  }
0xc9: {  	s31 =	sld [smem:$0x7B9];
	s2 =	simm.s32 @p0 $0x1;
	p0 =	seq.s32 s0, $0x8  }
0xca: {  	s24 =	smov.u32 s15;
	[smem:$0x7C2] =	sst s2;
	s2 =	simm.s32 @!p0 $0x0  }
0xcb: {  	s24 =	smov.u32 @p6 s13;
	s2 =	simm.s32 @p0 $0x1;
	p0 =	seq.s32 s0, $0x9  }
0xcc: {  	p3 =	seq.s32 s26, $0x3;
	[smem:$0x7C3] =	sst s2;
	s2 =	simm.s32 @!p0 $0x0  }
0xcd: {  	[smem:$0x7E1] =	sst s11;
	s2 =	simm.s32 @p0 $0x1;
	p0 =	seq.s32 s0, $0xA  }
0xce: {  	s12 =	smov.u32 s15;
	[smem:$0x7C4] =	sst s2;
	s2 =	simm.s32 @!p0 $0x0  }
0xcf: {  	s8 =	sld [smem:$0x7B7];
	s2 =	simm.s32 @p0 $0x1;
	p0 =	seq.s32 s0, $0xB  }
0xd0: {  	s11 =	smov.u32 s15;
	[smem:$0x7C5] =	sst s2;
	s2 =	simm.s32 @!p0 $0x0  }
0xd1: {  	p1 =	seq.s32 s0, $0x2;
	s2 =	simm.s32 @p0 $0x1;
	p0 =	seq.s32 s0, $0xC  }
0xd2: {  	p2 =	seq.s32 s0, $0x3;
	[smem:$0x7C6] =	sst s2;
	s2 =	simm.s32 @!p0 $0x0  }
0xd3: {  	p4 =	seq.s32 s0, $0x4;
	s2 =	simm.s32 @p0 $0x1;
	p0 =	seq.s32 s0, $0xD  }
0xd4: {  	s10 =	smov.u32 s15;
	[smem:$0x7C7] =	sst s2;
	s2 =	simm.s32 @!p0 $0x0  }
0xd5: {  	s10 =	smov.u32 @p5 s13;
	s2 =	simm.s32 @p0 $0x1;
	p0 =	seq.s32 s0, $0xE  }
0xd6: {  	p5 =	seq.s32 s25, $0x3;
	[smem:$0x7C8] =	sst s2;
	s2 =	simm.s32 @!p0 $0x0  }
0xd7: {  	s25 =	smov.u32 s15;
	s2 =	simm.s32 @p0 $0x1;
	p0 =	seq.s32 s0, $0xF  }
0xd8: {  	s1 =	sadd.s32 s4, s1;
	[smem:$0x7C9] =	sst s2;
	s2 =	simm.s32 @!p0 $0x0  }
0xd9: {  	s4 =	simm.s32 $0x1;
	s2 =	simm.s32 @p0 $0x1;
	p0 =	seq.s32 s0, $0x10  }
0xda: {  	s4 =	simm.s32 @!p3 $0x0;
	s6 =	sld [smem:$0x7BC];
	s0 =	simm.s32 @!p0 $0x0  }
0xdb: {  	[smem:$0x7CA] =	sst s2;
	s0 =	simm.s32 @p0 $0x1;
	p0 =	seq.s32 s5, $0x3  }
0xdc: {  	[smem:$0x7CB] =	sst s0;
	s0 =	simm.s32 $0x1;
	s2 =	simm.s32 @!p0 $0x0  }
0xdd: {  	s2 =	simm.s32 @p0 $0x1;
	s0 =	simm.s32 @!p0 $0x0;
	p0 =	seq.s32 s20, $0x3  }
0xde: {  	s7 =	smov.u32 s5;
	[smem:$0x7E7] =	sst s2;
	s2 =	simm.s32 @!p0 $0x0  }
0xdf: {  	s5 =	sld [smem:$0x7BB];
	s0 =	sadd.s32 s0, s1;
	s2 =	simm.s32 @p0 $0x1  }
0xe0: {  	s1 =	simm.s32 $0x1;
	[smem:$0x7E8] =	sst s2;
	s2 =	simm.s32 $0x1  }
0xe1: {  	s1 =	simm.s32 @!p5 $0x0;
	s2 =	simm.s32 @!p0 $0x0;
	p0 =	seq.s32 s8, $0x1  }
0xe2: {  	s8 =	smov.u32 s15;
	s0 =	sadd.s32 s2, s0;
	s11 =	smov.u32 @p0 s13  }
0xe3: {  	p0 =	seq.s32 s16, $0x1;
	s16 =	smov.u32 s15;
	s2 =	sld [smem:$0x7BA]  }
0xe4: {  	s12 =	smov.u32 @p0 s13;
	p0 =	seq.s32 s31, $0x1;
	s0 =	sadd.s32 s1, s0  }
0xe5: {  	s31 =	smov.u32 s15;
	s1 =	sld [smem:$0x7BD];
	s16 =	smov.u32 @p0 s13  }
0xe6: {  	p0 =	seq.s32 s2, $0x1;
	s2 =	sadd.s32 s4, s0;
	s4 =	sld [smem:$0x7BE]  }
0xe7: {  	s0 =	simm.f32 $5.000000000e-01;
	s25 =	smov.u32 @p0 s13;
	p0 =	seq.s32 s5, $0x1  }
0xe8: {  	s0 =	simm.s32 @!p1 $0x3F800000;
	s31 =	smov.u32 @p0 s13;
	p0 =	seq.s32 s6, $0x1  }
0xe9: {  	s6 =	smov.u32 s15;
	s8 =	smov.u32 @p0 s13;
	p0 =	seq.s32 s1, $0x1  }
0xea: {  	s1 =	simm.s32 $0x1;
	p6 =	seq.s32 s4, $0x1;
	s4 =	sld [smem:$0x7C0]  }
0xeb: {  	s6 =	smov.u32 @p0 s13;
	p0 =	seq.s32 s9, $0x3;
	s9 =	sld [smem:$0x7BF]  }
0xec: {  	s5 =	smov.u32 s15;
	s0 =	simm.s32 @p2 $0x3EAAAAAB;
	s1 =	simm.s32 @!p0 $0x0  }
0xed: {  	s0 =	simm.s32 @p4 $0x3E800000;
	s5 =	smov.u32 @p6 s13;
	s1 =	sadd.s32 s1, s2  }
0xee: {  	p2 =	seq.s32 s4, $0x1;
	p6 =	seq.s32 s9, $0x1;
	s9 =	sld [smem:$0x7C1]  }
0xef: {  	p1 =	seq.s32 s1, $0x2;
	s15 =	smov.u32 @p6 s13;
	s13 =	simm.f32 $5.000000000e-01  }
0xf0: {  	s4 =	sld [smem:$0x7C2];
	s13 =	simm.s32 @!p1 $0x3F800000;
	p1 =	seq.s32 s1, $0x3  }
0xf1: {  	s0 =	simm.s32 @p2 $0x3E4CCCCD;
	s13 =	simm.s32 @p1 $0x3EAAAAAB;
	p2 =	seq.s32 s9, $0x1  }
0xf2: {  	p1 =	seq.s32 s1, $0x4;
	s9 =	sld [smem:$0x7C3];
	s0 =	simm.s32 @p2 $0x3E2AAAAB  }
0xf3: {  	s13 =	simm.s32 @p1 $0x3E800000;
	p1 =	seq.s32 s1, $0x5;
	p2 =	seq.s32 s4, $0x1  }
0xf4: {  	s4 =	sld [smem:$0x7C4];
	s13 =	simm.s32 @p1 $0x3E4CCCCD;
	p1 =	seq.s32 s1, $0x6  }
0xf5: {  	s0 =	simm.s32 @p2 $0x3E124925;
	p2 =	seq.s32 s9, $0x1;
	s13 =	simm.s32 @p1 $0x3E2AAAAB  }
0xf6: {  	p1 =	seq.s32 s1, $0x7;
	s9 =	sld [smem:$0x7C5];
	s0 =	simm.s32 @p2 $0x3E000000  }
0xf7: {  	p2 =	seq.s32 s4, $0x1;
	s13 =	simm.s32 @p1 $0x3E124925;
	p1 =	seq.s32 s1, $0x8  }
0xf8: {  	s4 =	sld [smem:$0x7C6];
	s13 =	simm.s32 @p1 $0x3E000000;
	p1 =	seq.s32 s1, $0x9  }
0xf9: {  	s0 =	simm.s32 @p2 $0x3DE38E39;
	p2 =	seq.s32 s9, $0x1;
	s13 =	simm.s32 @p1 $0x3DE38E39  }
0xfa: {  	p1 =	seq.s32 s1, $0xA;
	s9 =	sld [smem:$0x7C7];
	s0 =	simm.s32 @p2 $0x3DCCCCCD  }
0xfb: {  	p2 =	seq.s32 s4, $0x1;
	s13 =	simm.s32 @p1 $0x3DCCCCCD;
	p1 =	seq.s32 s1, $0xB  }
0xfc: {  	s4 =	sld [smem:$0x7C8];
	s0 =	simm.s32 @p2 $0x3DBA2E8C;
	s13 =	simm.s32 @p1 $0x3DBA2E8C  }
0xfd: {  	p1 =	seq.s32 s1, $0xC;
	p2 =	seq.s32 s9, $0x1;
	s9 =	sld [smem:$0x7C9]  }
0xfe: {  	s13 =	simm.s32 @p1 $0x3DAAAAAB;
	p1 =	seq.s32 s1, $0xD  }
0xff: {  	s0 =	simm.s32 @p2 $0x3DAAAAAB;
	p2 =	seq.s32 s4, $0x1;
	s4 =	sld [smem:$0x7CA]  }
0x100: {  	s0 =	simm.s32 @p2 $0x3D9D89D9;
	p2 =	seq.s32 s9, $0x1;
	s9 =	sld [smem:$0x7CB]  }
0x101: {  	s13 =	simm.s32 @p1 $0x3D9D89D9;
	p1 =	seq.s32 s1, $0xE  }
0x102: {  	s0 =	simm.s32 @p2 $0x3D924925;
	p2 =	seq.s32 s4, $0x1;
	s4 =	sld [smem:$0x7CC]  }
0x103: {  	s0 =	simm.s32 @p2 $0x3D888889;
	p2 =	seq.s32 s9, $0x1;
	s9 =	sld [smem:$0x7CD]  }
0x104: {  	s2 =	sld [smem:$0x7F1];
	s13 =	simm.s32 @p1 $0x3D924925;
	p1 =	seq.s32 s1, $0xF  }
0x105: {  	s13 =	simm.s32 @p1 $0x3D888889;
	s0 =	simm.s32 @p2 $0x3D800000;
	p1 =	seq.s32 s4, $0x1  }
0x106: {  	s17 =	smov.u32 @p1 s0;
	p1 =	seq.s32 s9, $0x1;
	s9 =	sld [smem:$0x7CE]  }
0x107: {  	_ =	sdelay $0x1  }
0x108: {  	s2 =	smov.u32 @p1 s0;
	p1 =	seq.s32 s9, $0x1;
	s9 =	sld [smem:$0x7CF]  }
0x109: {  	_ =	sdelay $0x1  }
0x10a: {  	s22 =	smov.u32 @p1 s0;
	p1 =	seq.s32 s9, $0x1;
	s9 =	sld [smem:$0x7D0]  }
0x10b: {  	_ =	sdelay $0x1  }
0x10c: {  	s24 =	smov.u32 @p1 s0;
	p1 =	seq.s32 s9, $0x1;
	s9 =	sld [smem:$0x7D1]  }
0x10d: {  	_ =	sdelay $0x1  }
0x10e: {  	s23 =	smov.u32 @p1 s0;
	p1 =	seq.s32 s9, $0x1;
	s9 =	sld [smem:$0x7D2]  }
0x10f: {  	_ =	sdelay $0x1  }
0x110: {  	s14 =	smov.u32 @p1 s0;
	p1 =	seq.s32 s9, $0x1;
	s9 =	sld [smem:$0x7D3]  }
0x111: {  	_ =	sdelay $0x1  }
0x112: {  	s10 =	smov.u32 @p1 s0;
	p1 =	seq.s32 s9, $0x1;
	s9 =	sld [smem:$0x7D4]  }
0x113: {  	_ =	sdelay $0x1  }
0x114: {  	s11 =	smov.u32 @p1 s0;
	p1 =	seq.s32 s9, $0x1;
	s9 =	sld [smem:$0x7D5]  }
0x115: {  	_ =	sdelay $0x1  }
0x116: {  	s12 =	smov.u32 @p1 s0;
	p1 =	seq.s32 s9, $0x1;
	s9 =	sld [smem:$0x7D6]  }
0x117: {  	_ =	sdelay $0x1  }
0x118: {  	s16 =	smov.u32 @p1 s0;
	p1 =	seq.s32 s9, $0x1;
	s9 =	sld [smem:$0x7D7]  }
0x119: {  	_ =	sdelay $0x1  }
0x11a: {  	s25 =	smov.u32 @p1 s0;
	p1 =	seq.s32 s9, $0x1;
	s9 =	sld [smem:$0x7D8]  }
0x11b: {  	_ =	sdelay $0x1  }
0x11c: {  	s31 =	smov.u32 @p1 s0;
	p1 =	seq.s32 s9, $0x1;
	s9 =	sld [smem:$0x7D9]  }
0x11d: {  	s4 =	sld [smem:$0x7DA];
	_ =	sdelay $0x1  }
0x11e: {  	p2 =	seq.s32 s9, $0x1  }
0x11f: {  	s6 =	smov.u32 @p2 s0;
	p2 =	seq.s32 s4, $0x1;
	s4 =	sld [smem:$0x7DC]  }
0x120: {  	s9 =	sld [smem:$0x7DB]  }
0x121: {  	s8 =	smov.u32 @p1 s0;
	p1 =	seq.s32 s1, $0x10  }
0x122: {  	s13 =	simm.s32 @p1 $0x3D800000;
	s5 =	smov.u32 @p2 s0;
	p1 =	seq.s32 s4, $0x1  }
0x123: {  	p2 =	seq.s32 s9, $0x1;
	s9 =	sld [smem:$0x7DD];
	s17 =	smov.u32 @p1 s13  }
0x124: {  	[smem:$0x7F0] =	sst s17  }
0x125: {  	s17 =	sld [smem:$0x7DE]  }
0x126: {  	s1 =	sld [smem:$0x7E0]  }
0x127: {  	s4 =	sld [smem:$0x7E2];
	p1 =	seq.s32 s9, $0x1  }
0x128: {  	s9 =	sld [smem:$0x7E3];
	s2 =	smov.u32 @p1 s13;
	p1 =	seq.s32 s17, $0x1  }
0x129: {  	[smem:$0x7F1] =	sst s2;
	s22 =	smov.u32 @p1 s13  }
0x12a: {  	[smem:$0x7F2] =	sst s22  }
0x12b: {  	s22 =	sld [smem:$0x7DF]  }
0x12c: {  	s6 =	smov.u32 @p5 s13;
	s2 =	sld [smem:$0x7E1]  }
0x12d: {  	s5 =	smov.u32 @p3 s13;
	s15 =	smov.u32 @p2 s0;
	s17 =	sld [smem:$0x7E4]  }
0x12e: {  	s15 =	smov.u32 @p0 s13;
	p1 =	seq.s32 s22, $0x1;
	s22 =	sld [smem:$0x7E5]  }
0x12f: {  	s24 =	smov.u32 @p1 s13;
	p1 =	seq.s32 s1, $0x1;
	s1 =	sld [smem:$0x7E6]  }
0x130: {  	s23 =	smov.u32 @p1 s13;
	p1 =	seq.s32 s2, $0x1;
	s2 =	sld [smem:$0x7E7]  }
0x131: {  	s14 =	smov.u32 @p1 s13;
	p1 =	seq.s32 s4, $0x1;
	s4 =	sld [smem:$0x7E8]  }
0x132: {  	s10 =	smov.u32 @p1 s13;
	p1 =	seq.s32 s9, $0x1;
	s9 =	sshll.u32 s30, $0xD  }
0x133: {  	s11 =	smov.u32 @p1 s13;
	p1 =	seq.s32 s17, $0x1;
	s17 =	sshll.u32 s18, $0xD  }
0x134: {  	s18 =	sshll.u32 s28, $0xD;
	s12 =	smov.u32 @p1 s13;
	p1 =	seq.s32 s22, $0x1  }
0x135: {  	s22 =	sshll.u32 s21, $0xD;
	s16 =	smov.u32 @p1 s13;
	p1 =	seq.s32 s1, $0x1  }
0x136: {  	s30 =	sshra.s32 s22, $0x2;
	s22 =	sld [smem:$0x7EC];
	s25 =	smov.u32 @p1 s13  }
0x137: {  	p1 =	seq.s32 s2, $0x1;
	s2 =	sshra.s32 s9, $0x2;
	s9 =	sld [smem:$0x7EA]  }
0x138: {  	s31 =	smov.u32 @p1 s13;
	p1 =	seq.s32 s4, $0x1;
	s4 =	sld [smem:$0x7E9]  }
0x139: {  	v4 =	vmov s24;
	s24 =	sadd.s32 $0x18000, s30;
	s8 =	smov.u32 @p1 s13;
	s13 =	sshll.u32 s29, $0xD  }
0x13a: {  	s29 =	sshra.s32 s13, $0x2;
	s13 =	sshra.s32 s18, $0x2;
	s18 =	sld [smem:$0x7EB]  }
0x13b: {  	[dreg:$0x1a] =	wrdreg s2;
	s2 =	sadd.s32 $0x18000, s2;
	s1 =	sshll.u32 s4, $0xD  }
0x13c: {  	s0 =	sshll.u32 s9, $0xD;
	s28 =	sshra.s32 s1, $0x2;
	s1 =	sld [smem:$0x7ED]  }
0x13d: {  	[smem:$0x7F4] =	sst s24;
	s21 =	sshra.s32 s0, $0x2;
	s0 =	sshll.u32 s18, $0xD  }
0x13e: {  	[dreg:$0x1d] =	wrdreg s2;
	s9 =	sshra.s32 s0, $0x2;
	s0 =	sshll.u32 s22, $0xD  }
0x13f: {  	s18 =	sshra.s32 s0, $0x2;
	s0 =	sshll.u32 s1, $0xD;
	s1 =	sld [smem:$0x7EE]  }
0x140: {  	s4 =	sshll.u32 s7, $0xD;
	[dreg:$0x1b] =	wrdreg s29;
	s22 =	sshll.u32 s20, $0xD  }
0x141: {  	s20 =	sshra.s32 s22, $0x2;
	s22 =	sshll.u32 s26, $0xD;
	s7 =	sshra.s32 s0, $0x2  }
0x142: {  	s0 =	sshll.u32 s1, $0xD;
	s1 =	sshra.s32 s22, $0x2;
	s22 =	sld [smem:$0x7EF]  }
0x143: {  	v6 =	vmov s14;
	[dreg:$0x1c] =	wrdreg s21;
	s14 =	sadd.s32 $0x18000, s21  }
0x144: {  	v7 =	vmov s10;
	s4 =	sshra.s32 s4, $0x2;
	s10 =	sadd.s32 $0x18000, s28;
	[smem:$0x7F6] =	sst s14  }
0x145: {  	s26 =	sshra.s32 s0, $0x2;
	s0 =	sshll.u32 s22, $0xD;
	s22 =	sld [smem:$0x7F0]  }
0x146: {  	s24 =	sadd.s32 $0x18000, s4;
	[smem:$0x7F5] =	sst s10  }
0x147: {  	[smem:$0x7FB] =	sst s24;
	s21 =	sadd.s32 $0x18000, s18  }
0x148: {  	[smem:$0x7F9] =	sst s21;
	v1 =	vmov s22;
	s22 =	sadd.s32 $0x18000, s29  }
0x149: {  	s19 =	sshll.u32 s19, $0xD;
	[dreg:$0x1e] =	wrdreg s22  }
0x14a: {  	s19 =	sshra.s32 s19, $0x2;
	v11 =	vmov s25;
	s25 =	sadd.s32 $0x18000, s20;
	s22 =	sld [smem:$0x7F1]  }
0x14b: {  	v5 =	vmov s23;
	s17 =	sshra.s32 s17, $0x2;
	s23 =	sadd.s32 $0x18000, s7;
	[smem:$0x7FC] =	sst s25  }
0x14c: {  	v8 =	vmov s11;
	s11 =	simm.s32 $0x0;
	s21 =	smov.u32 s7;
	[smem:$0x7FA] =	sst s23  }
0x14d: {  	v12 =	vmov s31;
	s7 =	smov.u32 s4;
	s31 =	sadd.s32 $0x18000, s26;
	v2 =	vmov s22;
	s22 =	sld [smem:$0x7F2]  }
0x14e: {  	[smem:$0x7FD] =	sst s31;
	s29 =	smov.u32 s17;
	s17 =	sadd.s32 $0x18000, s17  }
0x14f: {  	s24 =	smov.u32 s1;
	[dreg:$0x1f] =	wrdreg s17;
	s17 =	sadd.s32 $0x18000, s9  }
0x150: {  	s0 =	sshra.s32 s0, $0x2;
	[smem:$0x7F7] =	sst s17;
	v3 =	vmov s22;
	s22 =	sadd.s32 $0x18000, s13  }
0x151: {  	s10 =	sadd.s32 $0x18000, s1;
	s23 =	smov.u32 s0;
	[smem:$0x7F3] =	sst s22  }
0x152: {  	v14 =	vmov s6;
	v15 =	vmov s5;
	v16 =	vmov s15;
	s22 =	smov.u32 s9;
	s9 =	smov.u32 s19;
	s19 =	sadd.s32 $0x18000, s19  }
0x153: {  	v9 =	vmov s12;
	v10 =	vmov s16;
	v13 =	vmov s8;
	s8 =	sadd.s32 $0x18000, s0;
	[smem:$0x7F8] =	sst s19;
	s19 =	smov.u32 s18  }
.LBB2_2:
0x154: {  	s1 =	smul.u32 $0xAB, s11;
	_ =	sdelay $0x1  }
0x155: {  	s2 =	sshrl.u32 s1, $0x9  }
0x156: {  	s2 =	sand.u32 $0x7F, s2  }
0x157: {  	s1 =	sadd.s32 $0xAB, s1;
	s2 =	smul.u32 $0x3, s2  }
0x158: {  	s0 =	smov.u32 s11;
	s1 =	sshrl.u32 s1, $0x9  }
0x159: {  	p0 =	slt.u32 s0, $0x2;
	s1 =	sand.u32 $0x7F, s1;
	s2 =	ssub.s32 s11, s2  }
0x15a: {  	p1 =	seq.s32 s0, $0x0;
	s1 =	smul.u32 $0x3, s1;
	s2 =	sand.u32 $0xFF, s2  }
0x15b: {  	s5 =	sshll.u32 s0, $0x3;
	s11 =	sadd.s32 $0x1, s11;
	s4 =	sadd.s32 $0x1, s2  }
0x15c: {  	s15 =	sand.u32 $0x1, s0;
	s1 =	ssub.s32 s11, s1;
	_ =	swait.ge [sflag:s4], $0x8000  }
0x15d: {  	p2 =	seq.s32 @!p1 s0, $0xF;
	s1 =	sand.u32 $0xFF, s1;
	[sflag:s4] =	ssyncset.done $0x0  }
0x15e: {  	p1 =	por p2, p1;
	[sflag:s4] =	ssyncadd.s32 $0xFFFF8000;
	s4 =	sadd.s32 @!p0 $0x4, s1  }
0x15f: {  	s0 =	sadd.s32 @!p0 $0x7, s15;
	s14 =	simm.s32 @!p1 $0x100000;
	_ =	swait.ge @!p0 [sflag:s4], $0x8000  }
0x160: {  	s17 =	sshll.u32 s2, $0xF;
	s2 =	sadd.s32 $0x4, s2;
	s6 =	rddreg [dreg:$0x7]  }
0x161: {  	[sflag:s4] =	ssyncset.done @!p0 $0x0;
	s12 =	rddreg [dreg:$0xf];
	s5 =	sadd.s32 s6, s5  }
0x162: {  	[sflag:s4] =	ssyncadd.s32 @!p0 $0xFFFF8000;
	s6 =	sshll.u32 @!p1 s1, $0xF;
	s4 =	sshll.u32 @!p1 s5, $0x5  }
0x163: {  	s1 =	sadd.s32 @!p1 $0x1, s1;
	s4 =	sadd.s32 @!p1 s4, s12;
	s12 =	simm.s32 @!p1 $0x800  }
0x164: {  	[tilespmem:s6], [sflag:s1] =	stream.strided.gather @!p1 [hbm4b:s4+s12], $0x8000, s14, s12, $0x38;
	[tilespmem:$0x1C080] =	vst v63  }
0x165: {  	s12 =	sshll.u32 s5, $0x6;
	s4 =	rddreg [dreg:$0x2];
	s5 =	simm.s32 $0x800  }
0x166: {  	s6 =	simm.s32 $0x200000;
	s14 =	sshll.u32 s15, $0xF;
	s1 =	sadd.s32 s4, s12  }
0x167: {  	[hbm4b:s1+s5] =	stream.strided.scatter [tilespmem:s17], [sflag:s2], $0x8000, s6, s5, $0x38;
	[tilespmem:$0x1C080] =	vst v63  }
0x168: {  	s18 =	sshrl.u32 s14, $0x2;
	_ =	swait.ge @!p0 [sflag:s0], $0x8000  }
0x169: {  	s14 =	sor.u32 $0x18000, s18;
	s1 =	simm.s32 $0x0;
	[sflag:s0] =	ssyncset.done @!p0 $0x0  }
0x16a: {  	s16 =	sand.u32 $0x1800, s1;
	[sflag:s0] =	ssyncadd.s32 @!p0 $0xFFFF8000;
	s0 =	simm.s32 $0x0  }
0x16b: {  	s2 =	sadd.s32 s16, s14;
	s25 =	sand.u32 $0x400, s0  }
0x16c: {  	s31 =	sand.u32 $0x380, s0;
	s2 =	sadd.s32 s25, s2  }
0x16d: {  	s2 =	sadd.s32 s31, s2  }
0x16e: {  	[tilespmem:s2+$0x70] =	vst v0  }
0x16f: {  	[tilespmem:s2+$0x0] =	vst v0  }
0x170: {  	s4 =	simm.s32 $0x0;
	[tilespmem:s2+$0x10] =	vst v0  }
.LBB2_3:
0x171: {  	s1 =	sadd.s32 $0x80, s1;
	[tilespmem:s2+$0x20] =	vst v0  }
0x172: {  	s0 =	sadd.s32 $0x400, s0;
	s5 =	sand.u32 $0x1800, s1;
	p0 =	slt.u32 s1, $0x1F80;
	[tilespmem:s2+$0x30] =	vst v0  }
0x173: {  	s4 =	sadd.s32 $0x40, s4;
	s6 =	sand.u32 $0x400, s0;
	s5 =	sadd.s32 s5, s14;
	[tilespmem:s2+$0x40] =	vst v0  }
.Ltmp0:
0x174: {  	s16 =	sand.u32 $0x380, s4;
	s5 =	sadd.s32 s6, s5;
	[tilespmem:s2+$0x50] =	vst v0;
	(pc) =	sbr.rel @p0 .LBB2_3-.Ltmp0, $4  }
0x175: {  	[tilespmem:s2+$0x60] =	vst v0;
	s2 =	sadd.s32 s16, s5  }
0x176: {  	[tilespmem:s2+$0x70] =	vst v0  }
0x177: {  	[tilespmem:s2+$0x0] =	vst v0  }
0x178: {  	[tilespmem:s2+$0x10] =	vst v0  }
0x179: {  	[tilespmem:s2+$0x20] =	vst v0  }
0x17a: {  	[tilespmem:s2+$0x30] =	vst v0;
	s1 =	simm.s32 $0x0  }
0x17b: {  	[tilespmem:s2+$0x40] =	vst v0;
	s31 =	sand.u32 $0x400, s1  }
0x17c: {  	[tilespmem:s2+$0x50] =	vst v0;
	s4 =	sand.u32 $0x380, s1;
	s5 =	sadd.s32 s31, s17  }
0x17d: {  	[tilespmem:s2+$0x60] =	vst v0;
	s5 =	sadd.s32 s4, s5  }
0x17e: {  	v17 =	vld [tilespmem:s5+$0x70]  }
0x17f: {  	v18 =	vld [tilespmem:s5+$0x0]  }
0x180: {  	v19 =	vld [tilespmem:s5+$0x10]  }
0x181: {  	s0 =	rddreg [dreg:$0x1d];
	v20 =	vld [tilespmem:s5+$0x20]  }
0x182: {  	s0 =	sadd.s32 s18, s0;
	v21 =	vld [tilespmem:s5+$0x30]  }
0x183: {  	s2 =	sadd.s32 s31, s0;
	v22 =	vld [tilespmem:s5+$0x40];
	v17 =	vmul.f32 v17, v1  }
0x184: {  	s4 =	sadd.s32 s4, s2;
	v23 =	vld [tilespmem:s5+$0x50]  }
0x185: {  	v18 =	vmul.f32 v18, v1;
	[tilespmem:s4+$0x70] =	vst.add.f32.msk $0xffff, v17  }
0x186: {  	v19 =	vmul.f32 v19, v1;
	v17 =	vld [tilespmem:s5+$0x60]  }
0x187: {  	v20 =	vmul.f32 v20, v1;
	[tilespmem:s4+$0x0] =	vst.add.f32.msk $0xffff, v18  }
0x188: {  	v21 =	vmul.f32 v21, v1;
	[tilespmem:s4+$0x10] =	vst.add.f32.msk $0xffff, v19  }
0x189: {  	[tilespmem:s4+$0x20] =	vst.add.f32.msk $0xffff, v20;
	v19 =	vmul.f32 v22, v1  }
0x18a: {  	s16 =	simm.s32 $0x400;
	s2 =	simm.s32 $0x0;
	v18 =	vmul.f32 v23, v1;
	[tilespmem:s4+$0x30] =	vst.add.f32.msk $0xffff, v21  }
.LBB2_5:
0x18b: {  	s5 =	sand.u32 $0x400, s16;
	s2 =	sadd.s32 $0x80, s2;
	[tilespmem:s4+$0x40] =	vst.add.f32.msk $0xffff, v19;
	v17 =	vmul.f32 v17, v1;
	s1 =	sadd.s32 $0x40, s1  }
0x18c: {  	s6 =	sand.u32 $0x380, s1;
	s25 =	sadd.s32 s5, s17;
	p0 =	slt.u32 s2, $0x780;
	[tilespmem:s4+$0x50] =	vst.add.f32.msk $0xffff, v18  }
0x18d: {  	s25 =	sadd.s32 s6, s25;
	[tilespmem:s4+$0x60] =	vst.add.f32.msk $0xffff, v17  }
0x18e: {  	v17 =	vld [tilespmem:s25+$0x70]  }
0x18f: {  	v18 =	vld [tilespmem:s25+$0x0]  }
0x190: {  	v19 =	vld [tilespmem:s25+$0x10]  }
0x191: {  	v20 =	vld [tilespmem:s25+$0x20]  }
0x192: {  	v21 =	vld [tilespmem:s25+$0x30]  }
0x193: {  	s4 =	sadd.s32 s5, s0;
	v22 =	vld [tilespmem:s25+$0x40];
	v17 =	vmul.f32 v17, v1  }
0x194: {  	s4 =	sadd.s32 s6, s4;
	v18 =	vmul.f32 v18, v1;
	v23 =	vld [tilespmem:s25+$0x50]  }
0x195: {  	v19 =	vmul.f32 v19, v1;
	[tilespmem:s4+$0x70] =	vst.add.f32.msk $0xffff, v17  }
.Ltmp1:
0x196: {  	v20 =	vmul.f32 v20, v1;
	v17 =	vld [tilespmem:s25+$0x60];
	(pc) =	sbr.rel @p0 .LBB2_5-.Ltmp1, $4  }
0x197: {  	[tilespmem:s4+$0x0] =	vst.add.f32.msk $0xffff, v18;
	v21 =	vmul.f32 v21, v1  }
0x198: {  	[tilespmem:s4+$0x10] =	vst.add.f32.msk $0xffff, v19;
	v19 =	vmul.f32 v22, v1  }
0x199: {  	[tilespmem:s4+$0x20] =	vst.add.f32.msk $0xffff, v20;
	v18 =	vmul.f32 v23, v1  }
0x19a: {  	s16 =	sadd.s32 $0x400, s16;
	[tilespmem:s4+$0x30] =	vst.add.f32.msk $0xffff, v21  }
0x19b: {  	s2 =	simm.s32 $0x0  }
0x19c: {  	[tilespmem:s4+$0x40] =	vst.add.f32.msk $0xffff, v19;
	v17 =	vmul.f32 v17, v1;
	s0 =	sadd.s32 $0x800, s17;
	s31 =	sand.u32 $0x400, s2  }
0x19d: {  	[tilespmem:s4+$0x50] =	vst.add.f32.msk $0xffff, v18;
	s5 =	sand.u32 $0x380, s2;
	s6 =	sadd.s32 s31, s0  }
0x19e: {  	[tilespmem:s4+$0x60] =	vst.add.f32.msk $0xffff, v17;
	s6 =	sadd.s32 s5, s6  }
0x19f: {  	v17 =	vld [tilespmem:s6+$0x70]  }
0x1a0: {  	v18 =	vld [tilespmem:s6+$0x0]  }
0x1a1: {  	v19 =	vld [tilespmem:s6+$0x10]  }
0x1a2: {  	s1 =	rddreg [dreg:$0x1e];
	v20 =	vld [tilespmem:s6+$0x20]  }
0x1a3: {  	s1 =	sadd.s32 s18, s1;
	v21 =	vld [tilespmem:s6+$0x30]  }
0x1a4: {  	v22 =	vld [tilespmem:s6+$0x40];
	s4 =	sadd.s32 s31, s1;
	v17 =	vmul.f32 v17, v2  }
0x1a5: {  	v23 =	vld [tilespmem:s6+$0x50];
	s16 =	sadd.s32 s5, s4  }
0x1a6: {  	v18 =	vmul.f32 v18, v2;
	[tilespmem:s16+$0x70] =	vst.add.f32.msk $0xffff, v17  }
0x1a7: {  	v19 =	vmul.f32 v19, v2;
	v17 =	vld [tilespmem:s6+$0x60]  }
0x1a8: {  	v20 =	vmul.f32 v20, v2;
	[tilespmem:s16+$0x0] =	vst.add.f32.msk $0xffff, v18  }
0x1a9: {  	v21 =	vmul.f32 v21, v2;
	[tilespmem:s16+$0x10] =	vst.add.f32.msk $0xffff, v19  }
0x1aa: {  	[tilespmem:s16+$0x20] =	vst.add.f32.msk $0xffff, v20;
	v19 =	vmul.f32 v22, v2  }
0x1ab: {  	s25 =	simm.s32 $0x400;
	s4 =	simm.s32 $0x0;
	v18 =	vmul.f32 v23, v2;
	[tilespmem:s16+$0x30] =	vst.add.f32.msk $0xffff, v21  }
.LBB2_7:
0x1ac: {  	s5 =	sand.u32 $0x400, s25;
	s4 =	sadd.s32 $0x80, s4;
	[tilespmem:s16+$0x40] =	vst.add.f32.msk $0xffff, v19;
	v17 =	vmul.f32 v17, v2;
	s2 =	sadd.s32 $0x40, s2  }
0x1ad: {  	s6 =	sand.u32 $0x380, s2;
	s31 =	sadd.s32 s5, s0;
	p0 =	slt.u32 s4, $0x780;
	[tilespmem:s16+$0x50] =	vst.add.f32.msk $0xffff, v18  }
0x1ae: {  	s31 =	sadd.s32 s6, s31;
	[tilespmem:s16+$0x60] =	vst.add.f32.msk $0xffff, v17  }
0x1af: {  	v17 =	vld [tilespmem:s31+$0x70]  }
0x1b0: {  	v18 =	vld [tilespmem:s31+$0x0]  }
0x1b1: {  	v19 =	vld [tilespmem:s31+$0x10]  }
0x1b2: {  	v20 =	vld [tilespmem:s31+$0x20]  }
0x1b3: {  	v21 =	vld [tilespmem:s31+$0x30]  }
0x1b4: {  	s5 =	sadd.s32 s5, s1;
	v22 =	vld [tilespmem:s31+$0x40];
	v17 =	vmul.f32 v17, v2  }
0x1b5: {  	s16 =	sadd.s32 s6, s5;
	v18 =	vmul.f32 v18, v2;
	v23 =	vld [tilespmem:s31+$0x50]  }
0x1b6: {  	v19 =	vmul.f32 v19, v2;
	[tilespmem:s16+$0x70] =	vst.add.f32.msk $0xffff, v17  }
.Ltmp2:
0x1b7: {  	v20 =	vmul.f32 v20, v2;
	v17 =	vld [tilespmem:s31+$0x60];
	(pc) =	sbr.rel @p0 .LBB2_7-.Ltmp2, $4  }
0x1b8: {  	[tilespmem:s16+$0x0] =	vst.add.f32.msk $0xffff, v18;
	v21 =	vmul.f32 v21, v2  }
0x1b9: {  	[tilespmem:s16+$0x10] =	vst.add.f32.msk $0xffff, v19;
	v19 =	vmul.f32 v22, v2  }
0x1ba: {  	[tilespmem:s16+$0x20] =	vst.add.f32.msk $0xffff, v20;
	v18 =	vmul.f32 v23, v2  }
0x1bb: {  	s25 =	sadd.s32 $0x400, s25;
	[tilespmem:s16+$0x30] =	vst.add.f32.msk $0xffff, v21  }
0x1bc: {  	s2 =	simm.s32 $0x0  }
0x1bd: {  	[tilespmem:s16+$0x40] =	vst.add.f32.msk $0xffff, v19;
	v17 =	vmul.f32 v17, v2;
	s0 =	sadd.s32 $0x1000, s17;
	s4 =	sand.u32 $0x400, s2  }
0x1be: {  	[tilespmem:s16+$0x50] =	vst.add.f32.msk $0xffff, v18;
	s5 =	sand.u32 $0x380, s2;
	s6 =	sadd.s32 s4, s0  }
0x1bf: {  	[tilespmem:s16+$0x60] =	vst.add.f32.msk $0xffff, v17;
	s6 =	sadd.s32 s5, s6  }
0x1c0: {  	v17 =	vld [tilespmem:s6+$0x70]  }
0x1c1: {  	v18 =	vld [tilespmem:s6+$0x0]  }
0x1c2: {  	v19 =	vld [tilespmem:s6+$0x10]  }
0x1c3: {  	s1 =	rddreg [dreg:$0x1f];
	v20 =	vld [tilespmem:s6+$0x20]  }
0x1c4: {  	s1 =	sadd.s32 s18, s1;
	v21 =	vld [tilespmem:s6+$0x30]  }
0x1c5: {  	v22 =	vld [tilespmem:s6+$0x40];
	s4 =	sadd.s32 s4, s1;
	v17 =	vmul.f32 v17, v3  }
0x1c6: {  	v23 =	vld [tilespmem:s6+$0x50];
	s16 =	sadd.s32 s5, s4  }
0x1c7: {  	v18 =	vmul.f32 v18, v3;
	[tilespmem:s16+$0x70] =	vst.add.f32.msk $0xffff, v17  }
0x1c8: {  	v19 =	vmul.f32 v19, v3;
	v17 =	vld [tilespmem:s6+$0x60]  }
0x1c9: {  	v20 =	vmul.f32 v20, v3;
	[tilespmem:s16+$0x0] =	vst.add.f32.msk $0xffff, v18  }
0x1ca: {  	v21 =	vmul.f32 v21, v3;
	[tilespmem:s16+$0x10] =	vst.add.f32.msk $0xffff, v19  }
0x1cb: {  	[tilespmem:s16+$0x20] =	vst.add.f32.msk $0xffff, v20;
	v19 =	vmul.f32 v22, v3  }
0x1cc: {  	s25 =	simm.s32 $0x400;
	s4 =	simm.s32 $0x0;
	v18 =	vmul.f32 v23, v3;
	[tilespmem:s16+$0x30] =	vst.add.f32.msk $0xffff, v21  }
.LBB2_9:
0x1cd: {  	s5 =	sand.u32 $0x400, s25;
	s4 =	sadd.s32 $0x80, s4;
	[tilespmem:s16+$0x40] =	vst.add.f32.msk $0xffff, v19;
	v17 =	vmul.f32 v17, v3;
	s2 =	sadd.s32 $0x40, s2  }
0x1ce: {  	s6 =	sand.u32 $0x380, s2;
	s31 =	sadd.s32 s5, s0;
	p0 =	slt.u32 s4, $0x780;
	[tilespmem:s16+$0x50] =	vst.add.f32.msk $0xffff, v18  }
0x1cf: {  	s31 =	sadd.s32 s6, s31;
	[tilespmem:s16+$0x60] =	vst.add.f32.msk $0xffff, v17  }
0x1d0: {  	v17 =	vld [tilespmem:s31+$0x70]  }
0x1d1: {  	v18 =	vld [tilespmem:s31+$0x0]  }
0x1d2: {  	v19 =	vld [tilespmem:s31+$0x10]  }
0x1d3: {  	v20 =	vld [tilespmem:s31+$0x20]  }
0x1d4: {  	v21 =	vld [tilespmem:s31+$0x30]  }
0x1d5: {  	s5 =	sadd.s32 s5, s1;
	v22 =	vld [tilespmem:s31+$0x40];
	v17 =	vmul.f32 v17, v3  }
0x1d6: {  	s16 =	sadd.s32 s6, s5;
	v18 =	vmul.f32 v18, v3;
	v23 =	vld [tilespmem:s31+$0x50]  }
0x1d7: {  	v19 =	vmul.f32 v19, v3;
	[tilespmem:s16+$0x70] =	vst.add.f32.msk $0xffff, v17  }
.Ltmp3:
0x1d8: {  	v20 =	vmul.f32 v20, v3;
	v17 =	vld [tilespmem:s31+$0x60];
	(pc) =	sbr.rel @p0 .LBB2_9-.Ltmp3, $4  }
0x1d9: {  	[tilespmem:s16+$0x0] =	vst.add.f32.msk $0xffff, v18;
	v21 =	vmul.f32 v21, v3  }
0x1da: {  	[tilespmem:s16+$0x10] =	vst.add.f32.msk $0xffff, v19;
	v19 =	vmul.f32 v22, v3  }
0x1db: {  	[tilespmem:s16+$0x20] =	vst.add.f32.msk $0xffff, v20;
	v18 =	vmul.f32 v23, v3  }
0x1dc: {  	s25 =	sadd.s32 $0x400, s25;
	[tilespmem:s16+$0x30] =	vst.add.f32.msk $0xffff, v21  }
0x1dd: {  	s2 =	simm.s32 $0x0  }
0x1de: {  	[tilespmem:s16+$0x40] =	vst.add.f32.msk $0xffff, v19;
	v17 =	vmul.f32 v17, v3;
	s0 =	sadd.s32 $0x1800, s17;
	s4 =	sand.u32 $0x400, s2  }
0x1df: {  	[tilespmem:s16+$0x50] =	vst.add.f32.msk $0xffff, v18;
	s5 =	sand.u32 $0x380, s2;
	s6 =	sadd.s32 s4, s0  }
0x1e0: {  	[tilespmem:s16+$0x60] =	vst.add.f32.msk $0xffff, v17;
	s6 =	sadd.s32 s5, s6  }
0x1e1: {  	v17 =	vld [tilespmem:s6+$0x70]  }
0x1e2: {  	s1 =	sld [smem:$0x7F3];
	v18 =	vld [tilespmem:s6+$0x0]  }
0x1e3: {  	v19 =	vld [tilespmem:s6+$0x10]  }
0x1e4: {  	v20 =	vld [tilespmem:s6+$0x20]  }
0x1e5: {  	v21 =	vld [tilespmem:s6+$0x30];
	s1 =	sadd.s32 s18, s1  }
0x1e6: {  	v22 =	vld [tilespmem:s6+$0x40];
	s4 =	sadd.s32 s4, s1;
	v17 =	vmul.f32 v17, v4  }
0x1e7: {  	v23 =	vld [tilespmem:s6+$0x50];
	s16 =	sadd.s32 s5, s4  }
0x1e8: {  	v18 =	vmul.f32 v18, v4;
	[tilespmem:s16+$0x70] =	vst.add.f32.msk $0xffff, v17  }
0x1e9: {  	v19 =	vmul.f32 v19, v4;
	v17 =	vld [tilespmem:s6+$0x60]  }
0x1ea: {  	v20 =	vmul.f32 v20, v4;
	[tilespmem:s16+$0x0] =	vst.add.f32.msk $0xffff, v18  }
0x1eb: {  	v21 =	vmul.f32 v21, v4;
	[tilespmem:s16+$0x10] =	vst.add.f32.msk $0xffff, v19  }
0x1ec: {  	[tilespmem:s16+$0x20] =	vst.add.f32.msk $0xffff, v20;
	v19 =	vmul.f32 v22, v4  }
0x1ed: {  	s25 =	simm.s32 $0x400;
	s4 =	simm.s32 $0x0;
	v18 =	vmul.f32 v23, v4;
	[tilespmem:s16+$0x30] =	vst.add.f32.msk $0xffff, v21  }
.LBB2_11:
0x1ee: {  	s5 =	sand.u32 $0x400, s25;
	s4 =	sadd.s32 $0x80, s4;
	[tilespmem:s16+$0x40] =	vst.add.f32.msk $0xffff, v19;
	v17 =	vmul.f32 v17, v4;
	s2 =	sadd.s32 $0x40, s2  }
0x1ef: {  	s6 =	sand.u32 $0x380, s2;
	s31 =	sadd.s32 s5, s0;
	p0 =	slt.u32 s4, $0x780;
	[tilespmem:s16+$0x50] =	vst.add.f32.msk $0xffff, v18  }
0x1f0: {  	s31 =	sadd.s32 s6, s31;
	[tilespmem:s16+$0x60] =	vst.add.f32.msk $0xffff, v17  }
0x1f1: {  	v17 =	vld [tilespmem:s31+$0x70]  }
0x1f2: {  	v18 =	vld [tilespmem:s31+$0x0]  }
0x1f3: {  	v19 =	vld [tilespmem:s31+$0x10]  }
0x1f4: {  	v20 =	vld [tilespmem:s31+$0x20]  }
0x1f5: {  	v21 =	vld [tilespmem:s31+$0x30]  }
0x1f6: {  	s5 =	sadd.s32 s5, s1;
	v22 =	vld [tilespmem:s31+$0x40];
	v17 =	vmul.f32 v17, v4  }
0x1f7: {  	s16 =	sadd.s32 s6, s5;
	v18 =	vmul.f32 v18, v4;
	v23 =	vld [tilespmem:s31+$0x50]  }
0x1f8: {  	v19 =	vmul.f32 v19, v4;
	[tilespmem:s16+$0x70] =	vst.add.f32.msk $0xffff, v17  }
.Ltmp4:
0x1f9: {  	v20 =	vmul.f32 v20, v4;
	v17 =	vld [tilespmem:s31+$0x60];
	(pc) =	sbr.rel @p0 .LBB2_11-.Ltmp4, $4  }
0x1fa: {  	[tilespmem:s16+$0x0] =	vst.add.f32.msk $0xffff, v18;
	v21 =	vmul.f32 v21, v4  }
0x1fb: {  	[tilespmem:s16+$0x10] =	vst.add.f32.msk $0xffff, v19;
	v19 =	vmul.f32 v22, v4  }
0x1fc: {  	[tilespmem:s16+$0x20] =	vst.add.f32.msk $0xffff, v20;
	v18 =	vmul.f32 v23, v4  }
0x1fd: {  	s25 =	sadd.s32 $0x400, s25;
	[tilespmem:s16+$0x30] =	vst.add.f32.msk $0xffff, v21  }
0x1fe: {  	s2 =	simm.s32 $0x0  }
0x1ff: {  	[tilespmem:s16+$0x40] =	vst.add.f32.msk $0xffff, v19;
	v17 =	vmul.f32 v17, v4;
	s0 =	sadd.s32 $0x2000, s17;
	s4 =	sand.u32 $0x400, s2  }
0x200: {  	[tilespmem:s16+$0x50] =	vst.add.f32.msk $0xffff, v18;
	s5 =	sand.u32 $0x380, s2;
	s6 =	sadd.s32 s4, s0  }
0x201: {  	[tilespmem:s16+$0x60] =	vst.add.f32.msk $0xffff, v17;
	s6 =	sadd.s32 s5, s6  }
0x202: {  	v17 =	vld [tilespmem:s6+$0x70]  }
0x203: {  	s1 =	sld [smem:$0x7F4];
	v18 =	vld [tilespmem:s6+$0x0]  }
0x204: {  	v19 =	vld [tilespmem:s6+$0x10]  }
0x205: {  	v20 =	vld [tilespmem:s6+$0x20]  }
0x206: {  	v21 =	vld [tilespmem:s6+$0x30];
	s1 =	sadd.s32 s18, s1  }
0x207: {  	v22 =	vld [tilespmem:s6+$0x40];
	s4 =	sadd.s32 s4, s1;
	v17 =	vmul.f32 v17, v5  }
0x208: {  	v23 =	vld [tilespmem:s6+$0x50];
	s16 =	sadd.s32 s5, s4  }
0x209: {  	v18 =	vmul.f32 v18, v5;
	[tilespmem:s16+$0x70] =	vst.add.f32.msk $0xffff, v17  }
0x20a: {  	v19 =	vmul.f32 v19, v5;
	v17 =	vld [tilespmem:s6+$0x60]  }
0x20b: {  	v20 =	vmul.f32 v20, v5;
	[tilespmem:s16+$0x0] =	vst.add.f32.msk $0xffff, v18  }
0x20c: {  	v21 =	vmul.f32 v21, v5;
	[tilespmem:s16+$0x10] =	vst.add.f32.msk $0xffff, v19  }
0x20d: {  	[tilespmem:s16+$0x20] =	vst.add.f32.msk $0xffff, v20;
	v19 =	vmul.f32 v22, v5  }
0x20e: {  	s25 =	simm.s32 $0x400;
	s4 =	simm.s32 $0x0;
	v18 =	vmul.f32 v23, v5;
	[tilespmem:s16+$0x30] =	vst.add.f32.msk $0xffff, v21  }
.LBB2_13:
0x20f: {  	s5 =	sand.u32 $0x400, s25;
	s4 =	sadd.s32 $0x80, s4;
	[tilespmem:s16+$0x40] =	vst.add.f32.msk $0xffff, v19;
	v17 =	vmul.f32 v17, v5;
	s2 =	sadd.s32 $0x40, s2  }
0x210: {  	s6 =	sand.u32 $0x380, s2;
	s31 =	sadd.s32 s5, s0;
	p0 =	slt.u32 s4, $0x780;
	[tilespmem:s16+$0x50] =	vst.add.f32.msk $0xffff, v18  }
0x211: {  	s31 =	sadd.s32 s6, s31;
	[tilespmem:s16+$0x60] =	vst.add.f32.msk $0xffff, v17  }
0x212: {  	v17 =	vld [tilespmem:s31+$0x70]  }
0x213: {  	v18 =	vld [tilespmem:s31+$0x0]  }
0x214: {  	v19 =	vld [tilespmem:s31+$0x10]  }
0x215: {  	v20 =	vld [tilespmem:s31+$0x20]  }
0x216: {  	v21 =	vld [tilespmem:s31+$0x30]  }
0x217: {  	s5 =	sadd.s32 s5, s1;
	v22 =	vld [tilespmem:s31+$0x40];
	v17 =	vmul.f32 v17, v5  }
0x218: {  	s16 =	sadd.s32 s6, s5;
	v18 =	vmul.f32 v18, v5;
	v23 =	vld [tilespmem:s31+$0x50]  }
0x219: {  	v19 =	vmul.f32 v19, v5;
	[tilespmem:s16+$0x70] =	vst.add.f32.msk $0xffff, v17  }
.Ltmp5:
0x21a: {  	v20 =	vmul.f32 v20, v5;
	v17 =	vld [tilespmem:s31+$0x60];
	(pc) =	sbr.rel @p0 .LBB2_13-.Ltmp5, $4  }
0x21b: {  	[tilespmem:s16+$0x0] =	vst.add.f32.msk $0xffff, v18;
	v21 =	vmul.f32 v21, v5  }
0x21c: {  	[tilespmem:s16+$0x10] =	vst.add.f32.msk $0xffff, v19;
	v19 =	vmul.f32 v22, v5  }
0x21d: {  	[tilespmem:s16+$0x20] =	vst.add.f32.msk $0xffff, v20;
	v18 =	vmul.f32 v23, v5  }
0x21e: {  	s25 =	sadd.s32 $0x400, s25;
	[tilespmem:s16+$0x30] =	vst.add.f32.msk $0xffff, v21  }
0x21f: {  	s2 =	simm.s32 $0x0  }
0x220: {  	[tilespmem:s16+$0x40] =	vst.add.f32.msk $0xffff, v19;
	v17 =	vmul.f32 v17, v5;
	s0 =	sadd.s32 $0x2800, s17;
	s4 =	sand.u32 $0x400, s2  }
0x221: {  	[tilespmem:s16+$0x50] =	vst.add.f32.msk $0xffff, v18;
	s5 =	sand.u32 $0x380, s2;
	s6 =	sadd.s32 s4, s0  }
0x222: {  	[tilespmem:s16+$0x60] =	vst.add.f32.msk $0xffff, v17;
	s6 =	sadd.s32 s5, s6  }
0x223: {  	v17 =	vld [tilespmem:s6+$0x70]  }
0x224: {  	s1 =	sld [smem:$0x7F5];
	v18 =	vld [tilespmem:s6+$0x0]  }
0x225: {  	v19 =	vld [tilespmem:s6+$0x10]  }
0x226: {  	v20 =	vld [tilespmem:s6+$0x20]  }
0x227: {  	v21 =	vld [tilespmem:s6+$0x30];
	s1 =	sadd.s32 s18, s1  }
0x228: {  	v22 =	vld [tilespmem:s6+$0x40];
	s4 =	sadd.s32 s4, s1;
	v17 =	vmul.f32 v17, v6  }
0x229: {  	v23 =	vld [tilespmem:s6+$0x50];
	s16 =	sadd.s32 s5, s4  }
0x22a: {  	v18 =	vmul.f32 v18, v6;
	[tilespmem:s16+$0x70] =	vst.add.f32.msk $0xffff, v17  }
0x22b: {  	v19 =	vmul.f32 v19, v6;
	v17 =	vld [tilespmem:s6+$0x60]  }
0x22c: {  	v20 =	vmul.f32 v20, v6;
	[tilespmem:s16+$0x0] =	vst.add.f32.msk $0xffff, v18  }
0x22d: {  	v21 =	vmul.f32 v21, v6;
	[tilespmem:s16+$0x10] =	vst.add.f32.msk $0xffff, v19  }
0x22e: {  	[tilespmem:s16+$0x20] =	vst.add.f32.msk $0xffff, v20;
	v19 =	vmul.f32 v22, v6  }
0x22f: {  	s25 =	simm.s32 $0x400;
	s4 =	simm.s32 $0x0;
	v18 =	vmul.f32 v23, v6;
	[tilespmem:s16+$0x30] =	vst.add.f32.msk $0xffff, v21  }
.LBB2_15:
0x230: {  	s5 =	sand.u32 $0x400, s25;
	s4 =	sadd.s32 $0x80, s4;
	[tilespmem:s16+$0x40] =	vst.add.f32.msk $0xffff, v19;
	v17 =	vmul.f32 v17, v6;
	s2 =	sadd.s32 $0x40, s2  }
0x231: {  	s6 =	sand.u32 $0x380, s2;
	s31 =	sadd.s32 s5, s0;
	p0 =	slt.u32 s4, $0x780;
	[tilespmem:s16+$0x50] =	vst.add.f32.msk $0xffff, v18  }
0x232: {  	s31 =	sadd.s32 s6, s31;
	[tilespmem:s16+$0x60] =	vst.add.f32.msk $0xffff, v17  }
0x233: {  	v17 =	vld [tilespmem:s31+$0x70]  }
0x234: {  	v18 =	vld [tilespmem:s31+$0x0]  }
0x235: {  	v19 =	vld [tilespmem:s31+$0x10]  }
0x236: {  	v20 =	vld [tilespmem:s31+$0x20]  }
0x237: {  	v21 =	vld [tilespmem:s31+$0x30]  }
0x238: {  	s5 =	sadd.s32 s5, s1;
	v22 =	vld [tilespmem:s31+$0x40];
	v17 =	vmul.f32 v17, v6  }
0x239: {  	s16 =	sadd.s32 s6, s5;
	v18 =	vmul.f32 v18, v6;
	v23 =	vld [tilespmem:s31+$0x50]  }
0x23a: {  	v19 =	vmul.f32 v19, v6;
	[tilespmem:s16+$0x70] =	vst.add.f32.msk $0xffff, v17  }
.Ltmp6:
0x23b: {  	v20 =	vmul.f32 v20, v6;
	v17 =	vld [tilespmem:s31+$0x60];
	(pc) =	sbr.rel @p0 .LBB2_15-.Ltmp6, $4  }
0x23c: {  	[tilespmem:s16+$0x0] =	vst.add.f32.msk $0xffff, v18;
	v21 =	vmul.f32 v21, v6  }
0x23d: {  	[tilespmem:s16+$0x10] =	vst.add.f32.msk $0xffff, v19;
	v19 =	vmul.f32 v22, v6  }
0x23e: {  	[tilespmem:s16+$0x20] =	vst.add.f32.msk $0xffff, v20;
	v18 =	vmul.f32 v23, v6  }
0x23f: {  	s25 =	sadd.s32 $0x400, s25;
	[tilespmem:s16+$0x30] =	vst.add.f32.msk $0xffff, v21  }
0x240: {  	s2 =	simm.s32 $0x0  }
0x241: {  	[tilespmem:s16+$0x40] =	vst.add.f32.msk $0xffff, v19;
	v17 =	vmul.f32 v17, v6;
	s0 =	sadd.s32 $0x3000, s17;
	s4 =	sand.u32 $0x400, s2  }
0x242: {  	[tilespmem:s16+$0x50] =	vst.add.f32.msk $0xffff, v18;
	s5 =	sand.u32 $0x380, s2;
	s6 =	sadd.s32 s4, s0  }
0x243: {  	[tilespmem:s16+$0x60] =	vst.add.f32.msk $0xffff, v17;
	s6 =	sadd.s32 s5, s6  }
0x244: {  	v17 =	vld [tilespmem:s6+$0x70]  }
0x245: {  	s1 =	sld [smem:$0x7F6];
	v18 =	vld [tilespmem:s6+$0x0]  }
0x246: {  	v19 =	vld [tilespmem:s6+$0x10]  }
0x247: {  	v20 =	vld [tilespmem:s6+$0x20]  }
0x248: {  	v21 =	vld [tilespmem:s6+$0x30];
	s1 =	sadd.s32 s18, s1  }
0x249: {  	v22 =	vld [tilespmem:s6+$0x40];
	s4 =	sadd.s32 s4, s1;
	v17 =	vmul.f32 v17, v7  }
0x24a: {  	v23 =	vld [tilespmem:s6+$0x50];
	s16 =	sadd.s32 s5, s4  }
0x24b: {  	v18 =	vmul.f32 v18, v7;
	[tilespmem:s16+$0x70] =	vst.add.f32.msk $0xffff, v17  }
0x24c: {  	v19 =	vmul.f32 v19, v7;
	v17 =	vld [tilespmem:s6+$0x60]  }
0x24d: {  	v20 =	vmul.f32 v20, v7;
	[tilespmem:s16+$0x0] =	vst.add.f32.msk $0xffff, v18  }
0x24e: {  	v21 =	vmul.f32 v21, v7;
	[tilespmem:s16+$0x10] =	vst.add.f32.msk $0xffff, v19  }
0x24f: {  	[tilespmem:s16+$0x20] =	vst.add.f32.msk $0xffff, v20;
	v19 =	vmul.f32 v22, v7  }
0x250: {  	s25 =	simm.s32 $0x400;
	s4 =	simm.s32 $0x0;
	v18 =	vmul.f32 v23, v7;
	[tilespmem:s16+$0x30] =	vst.add.f32.msk $0xffff, v21  }
.LBB2_17:
0x251: {  	s5 =	sand.u32 $0x400, s25;
	s4 =	sadd.s32 $0x80, s4;
	[tilespmem:s16+$0x40] =	vst.add.f32.msk $0xffff, v19;
	v17 =	vmul.f32 v17, v7;
	s2 =	sadd.s32 $0x40, s2  }
0x252: {  	s6 =	sand.u32 $0x380, s2;
	s31 =	sadd.s32 s5, s0;
	p0 =	slt.u32 s4, $0x780;
	[tilespmem:s16+$0x50] =	vst.add.f32.msk $0xffff, v18  }
0x253: {  	s31 =	sadd.s32 s6, s31;
	[tilespmem:s16+$0x60] =	vst.add.f32.msk $0xffff, v17  }
0x254: {  	v17 =	vld [tilespmem:s31+$0x70]  }
0x255: {  	v18 =	vld [tilespmem:s31+$0x0]  }
0x256: {  	v19 =	vld [tilespmem:s31+$0x10]  }
0x257: {  	v20 =	vld [tilespmem:s31+$0x20]  }
0x258: {  	v21 =	vld [tilespmem:s31+$0x30]  }
0x259: {  	s5 =	sadd.s32 s5, s1;
	v22 =	vld [tilespmem:s31+$0x40];
	v17 =	vmul.f32 v17, v7  }
0x25a: {  	s16 =	sadd.s32 s6, s5;
	v18 =	vmul.f32 v18, v7;
	v23 =	vld [tilespmem:s31+$0x50]  }
0x25b: {  	v19 =	vmul.f32 v19, v7;
	[tilespmem:s16+$0x70] =	vst.add.f32.msk $0xffff, v17  }
.Ltmp7:
0x25c: {  	v20 =	vmul.f32 v20, v7;
	v17 =	vld [tilespmem:s31+$0x60];
	(pc) =	sbr.rel @p0 .LBB2_17-.Ltmp7, $4  }
0x25d: {  	[tilespmem:s16+$0x0] =	vst.add.f32.msk $0xffff, v18;
	v21 =	vmul.f32 v21, v7  }
0x25e: {  	[tilespmem:s16+$0x10] =	vst.add.f32.msk $0xffff, v19;
	v19 =	vmul.f32 v22, v7  }
0x25f: {  	[tilespmem:s16+$0x20] =	vst.add.f32.msk $0xffff, v20;
	v18 =	vmul.f32 v23, v7  }
0x260: {  	s25 =	sadd.s32 $0x400, s25;
	[tilespmem:s16+$0x30] =	vst.add.f32.msk $0xffff, v21  }
0x261: {  	s2 =	simm.s32 $0x0  }
0x262: {  	[tilespmem:s16+$0x40] =	vst.add.f32.msk $0xffff, v19;
	v17 =	vmul.f32 v17, v7;
	s0 =	sadd.s32 $0x3800, s17;
	s4 =	sand.u32 $0x400, s2  }
0x263: {  	[tilespmem:s16+$0x50] =	vst.add.f32.msk $0xffff, v18;
	s5 =	sand.u32 $0x380, s2;
	s6 =	sadd.s32 s4, s0  }
0x264: {  	[tilespmem:s16+$0x60] =	vst.add.f32.msk $0xffff, v17;
	s6 =	sadd.s32 s5, s6  }
0x265: {  	v17 =	vld [tilespmem:s6+$0x70]  }
0x266: {  	s1 =	sld [smem:$0x7F7];
	v18 =	vld [tilespmem:s6+$0x0]  }
0x267: {  	v19 =	vld [tilespmem:s6+$0x10]  }
0x268: {  	v20 =	vld [tilespmem:s6+$0x20]  }
0x269: {  	v21 =	vld [tilespmem:s6+$0x30];
	s1 =	sadd.s32 s18, s1  }
0x26a: {  	v22 =	vld [tilespmem:s6+$0x40];
	s4 =	sadd.s32 s4, s1;
	v17 =	vmul.f32 v17, v8  }
0x26b: {  	v23 =	vld [tilespmem:s6+$0x50];
	s16 =	sadd.s32 s5, s4  }
0x26c: {  	v18 =	vmul.f32 v18, v8;
	[tilespmem:s16+$0x70] =	vst.add.f32.msk $0xffff, v17  }
0x26d: {  	v19 =	vmul.f32 v19, v8;
	v17 =	vld [tilespmem:s6+$0x60]  }
0x26e: {  	v20 =	vmul.f32 v20, v8;
	[tilespmem:s16+$0x0] =	vst.add.f32.msk $0xffff, v18  }
0x26f: {  	v21 =	vmul.f32 v21, v8;
	[tilespmem:s16+$0x10] =	vst.add.f32.msk $0xffff, v19  }
0x270: {  	[tilespmem:s16+$0x20] =	vst.add.f32.msk $0xffff, v20;
	v19 =	vmul.f32 v22, v8  }
0x271: {  	s25 =	simm.s32 $0x400;
	s4 =	simm.s32 $0x0;
	v18 =	vmul.f32 v23, v8;
	[tilespmem:s16+$0x30] =	vst.add.f32.msk $0xffff, v21  }
.LBB2_19:
0x272: {  	s5 =	sand.u32 $0x400, s25;
	s4 =	sadd.s32 $0x80, s4;
	[tilespmem:s16+$0x40] =	vst.add.f32.msk $0xffff, v19;
	v17 =	vmul.f32 v17, v8;
	s2 =	sadd.s32 $0x40, s2  }
0x273: {  	s6 =	sand.u32 $0x380, s2;
	s31 =	sadd.s32 s5, s0;
	p0 =	slt.u32 s4, $0x780;
	[tilespmem:s16+$0x50] =	vst.add.f32.msk $0xffff, v18  }
0x274: {  	s31 =	sadd.s32 s6, s31;
	[tilespmem:s16+$0x60] =	vst.add.f32.msk $0xffff, v17  }
0x275: {  	v17 =	vld [tilespmem:s31+$0x70]  }
0x276: {  	v18 =	vld [tilespmem:s31+$0x0]  }
0x277: {  	v19 =	vld [tilespmem:s31+$0x10]  }
0x278: {  	v20 =	vld [tilespmem:s31+$0x20]  }
0x279: {  	v21 =	vld [tilespmem:s31+$0x30]  }
0x27a: {  	s5 =	sadd.s32 s5, s1;
	v22 =	vld [tilespmem:s31+$0x40];
	v17 =	vmul.f32 v17, v8  }
0x27b: {  	s16 =	sadd.s32 s6, s5;
	v18 =	vmul.f32 v18, v8;
	v23 =	vld [tilespmem:s31+$0x50]  }
0x27c: {  	v19 =	vmul.f32 v19, v8;
	[tilespmem:s16+$0x70] =	vst.add.f32.msk $0xffff, v17  }
.Ltmp8:
0x27d: {  	v20 =	vmul.f32 v20, v8;
	v17 =	vld [tilespmem:s31+$0x60];
	(pc) =	sbr.rel @p0 .LBB2_19-.Ltmp8, $4  }
0x27e: {  	[tilespmem:s16+$0x0] =	vst.add.f32.msk $0xffff, v18;
	v21 =	vmul.f32 v21, v8  }
0x27f: {  	[tilespmem:s16+$0x10] =	vst.add.f32.msk $0xffff, v19;
	v19 =	vmul.f32 v22, v8  }
0x280: {  	[tilespmem:s16+$0x20] =	vst.add.f32.msk $0xffff, v20;
	v18 =	vmul.f32 v23, v8  }
0x281: {  	s25 =	sadd.s32 $0x400, s25;
	[tilespmem:s16+$0x30] =	vst.add.f32.msk $0xffff, v21  }
0x282: {  	s2 =	simm.s32 $0x0  }
0x283: {  	[tilespmem:s16+$0x40] =	vst.add.f32.msk $0xffff, v19;
	v17 =	vmul.f32 v17, v8;
	s0 =	sadd.s32 $0x4000, s17;
	s4 =	sand.u32 $0x400, s2  }
0x284: {  	[tilespmem:s16+$0x50] =	vst.add.f32.msk $0xffff, v18;
	s5 =	sand.u32 $0x380, s2;
	s6 =	sadd.s32 s4, s0  }
0x285: {  	[tilespmem:s16+$0x60] =	vst.add.f32.msk $0xffff, v17;
	s6 =	sadd.s32 s5, s6  }
0x286: {  	v17 =	vld [tilespmem:s6+$0x70]  }
0x287: {  	s1 =	sld [smem:$0x7F8];
	v18 =	vld [tilespmem:s6+$0x0]  }
0x288: {  	v19 =	vld [tilespmem:s6+$0x10]  }
0x289: {  	v20 =	vld [tilespmem:s6+$0x20]  }
0x28a: {  	v21 =	vld [tilespmem:s6+$0x30];
	s1 =	sadd.s32 s18, s1  }
0x28b: {  	v22 =	vld [tilespmem:s6+$0x40];
	s4 =	sadd.s32 s4, s1;
	v17 =	vmul.f32 v17, v9  }
0x28c: {  	v23 =	vld [tilespmem:s6+$0x50];
	s16 =	sadd.s32 s5, s4  }
0x28d: {  	v18 =	vmul.f32 v18, v9;
	[tilespmem:s16+$0x70] =	vst.add.f32.msk $0xffff, v17  }
0x28e: {  	v19 =	vmul.f32 v19, v9;
	v17 =	vld [tilespmem:s6+$0x60]  }
0x28f: {  	v20 =	vmul.f32 v20, v9;
	[tilespmem:s16+$0x0] =	vst.add.f32.msk $0xffff, v18  }
0x290: {  	v21 =	vmul.f32 v21, v9;
	[tilespmem:s16+$0x10] =	vst.add.f32.msk $0xffff, v19  }
0x291: {  	[tilespmem:s16+$0x20] =	vst.add.f32.msk $0xffff, v20;
	v19 =	vmul.f32 v22, v9  }
0x292: {  	s25 =	simm.s32 $0x400;
	s4 =	simm.s32 $0x0;
	v18 =	vmul.f32 v23, v9;
	[tilespmem:s16+$0x30] =	vst.add.f32.msk $0xffff, v21  }
.LBB2_21:
0x293: {  	s5 =	sand.u32 $0x400, s25;
	s4 =	sadd.s32 $0x80, s4;
	[tilespmem:s16+$0x40] =	vst.add.f32.msk $0xffff, v19;
	v17 =	vmul.f32 v17, v9;
	s2 =	sadd.s32 $0x40, s2  }
0x294: {  	s6 =	sand.u32 $0x380, s2;
	s31 =	sadd.s32 s5, s0;
	p0 =	slt.u32 s4, $0x780;
	[tilespmem:s16+$0x50] =	vst.add.f32.msk $0xffff, v18  }
0x295: {  	s31 =	sadd.s32 s6, s31;
	[tilespmem:s16+$0x60] =	vst.add.f32.msk $0xffff, v17  }
0x296: {  	v17 =	vld [tilespmem:s31+$0x70]  }
0x297: {  	v18 =	vld [tilespmem:s31+$0x0]  }
0x298: {  	v19 =	vld [tilespmem:s31+$0x10]  }
0x299: {  	v20 =	vld [tilespmem:s31+$0x20]  }
0x29a: {  	v21 =	vld [tilespmem:s31+$0x30]  }
0x29b: {  	s5 =	sadd.s32 s5, s1;
	v22 =	vld [tilespmem:s31+$0x40];
	v17 =	vmul.f32 v17, v9  }
0x29c: {  	s16 =	sadd.s32 s6, s5;
	v18 =	vmul.f32 v18, v9;
	v23 =	vld [tilespmem:s31+$0x50]  }
0x29d: {  	v19 =	vmul.f32 v19, v9;
	[tilespmem:s16+$0x70] =	vst.add.f32.msk $0xffff, v17  }
.Ltmp9:
0x29e: {  	v20 =	vmul.f32 v20, v9;
	v17 =	vld [tilespmem:s31+$0x60];
	(pc) =	sbr.rel @p0 .LBB2_21-.Ltmp9, $4  }
0x29f: {  	[tilespmem:s16+$0x0] =	vst.add.f32.msk $0xffff, v18;
	v21 =	vmul.f32 v21, v9  }
0x2a0: {  	[tilespmem:s16+$0x10] =	vst.add.f32.msk $0xffff, v19;
	v19 =	vmul.f32 v22, v9  }
0x2a1: {  	[tilespmem:s16+$0x20] =	vst.add.f32.msk $0xffff, v20;
	v18 =	vmul.f32 v23, v9  }
0x2a2: {  	s25 =	sadd.s32 $0x400, s25;
	[tilespmem:s16+$0x30] =	vst.add.f32.msk $0xffff, v21  }
0x2a3: {  	s2 =	simm.s32 $0x0  }
0x2a4: {  	[tilespmem:s16+$0x40] =	vst.add.f32.msk $0xffff, v19;
	v17 =	vmul.f32 v17, v9;
	s0 =	sadd.s32 $0x4800, s17;
	s4 =	sand.u32 $0x400, s2  }
0x2a5: {  	[tilespmem:s16+$0x50] =	vst.add.f32.msk $0xffff, v18;
	s5 =	sand.u32 $0x380, s2;
	s6 =	sadd.s32 s4, s0  }
0x2a6: {  	[tilespmem:s16+$0x60] =	vst.add.f32.msk $0xffff, v17;
	s6 =	sadd.s32 s5, s6  }
0x2a7: {  	v17 =	vld [tilespmem:s6+$0x70]  }
0x2a8: {  	s1 =	sld [smem:$0x7F9];
	v18 =	vld [tilespmem:s6+$0x0]  }
0x2a9: {  	v19 =	vld [tilespmem:s6+$0x10]  }
0x2aa: {  	v20 =	vld [tilespmem:s6+$0x20]  }
0x2ab: {  	v21 =	vld [tilespmem:s6+$0x30];
	s1 =	sadd.s32 s18, s1  }
0x2ac: {  	v22 =	vld [tilespmem:s6+$0x40];
	s4 =	sadd.s32 s4, s1;
	v17 =	vmul.f32 v17, v10  }
0x2ad: {  	v23 =	vld [tilespmem:s6+$0x50];
	s16 =	sadd.s32 s5, s4  }
0x2ae: {  	v18 =	vmul.f32 v18, v10;
	[tilespmem:s16+$0x70] =	vst.add.f32.msk $0xffff, v17  }
0x2af: {  	v19 =	vmul.f32 v19, v10;
	v17 =	vld [tilespmem:s6+$0x60]  }
0x2b0: {  	v20 =	vmul.f32 v20, v10;
	[tilespmem:s16+$0x0] =	vst.add.f32.msk $0xffff, v18  }
0x2b1: {  	v21 =	vmul.f32 v21, v10;
	[tilespmem:s16+$0x10] =	vst.add.f32.msk $0xffff, v19  }
0x2b2: {  	[tilespmem:s16+$0x20] =	vst.add.f32.msk $0xffff, v20;
	v19 =	vmul.f32 v22, v10  }
0x2b3: {  	s25 =	simm.s32 $0x400;
	s4 =	simm.s32 $0x0;
	v18 =	vmul.f32 v23, v10;
	[tilespmem:s16+$0x30] =	vst.add.f32.msk $0xffff, v21  }
.LBB2_23:
0x2b4: {  	s5 =	sand.u32 $0x400, s25;
	s4 =	sadd.s32 $0x80, s4;
	[tilespmem:s16+$0x40] =	vst.add.f32.msk $0xffff, v19;
	v17 =	vmul.f32 v17, v10;
	s2 =	sadd.s32 $0x40, s2  }
0x2b5: {  	s6 =	sand.u32 $0x380, s2;
	s31 =	sadd.s32 s5, s0;
	p0 =	slt.u32 s4, $0x780;
	[tilespmem:s16+$0x50] =	vst.add.f32.msk $0xffff, v18  }
0x2b6: {  	s31 =	sadd.s32 s6, s31;
	[tilespmem:s16+$0x60] =	vst.add.f32.msk $0xffff, v17  }
0x2b7: {  	v17 =	vld [tilespmem:s31+$0x70]  }
0x2b8: {  	v18 =	vld [tilespmem:s31+$0x0]  }
0x2b9: {  	v19 =	vld [tilespmem:s31+$0x10]  }
0x2ba: {  	v20 =	vld [tilespmem:s31+$0x20]  }
0x2bb: {  	v21 =	vld [tilespmem:s31+$0x30]  }
0x2bc: {  	s5 =	sadd.s32 s5, s1;
	v22 =	vld [tilespmem:s31+$0x40];
	v17 =	vmul.f32 v17, v10  }
0x2bd: {  	s16 =	sadd.s32 s6, s5;
	v18 =	vmul.f32 v18, v10;
	v23 =	vld [tilespmem:s31+$0x50]  }
0x2be: {  	v19 =	vmul.f32 v19, v10;
	[tilespmem:s16+$0x70] =	vst.add.f32.msk $0xffff, v17  }
.Ltmp10:
0x2bf: {  	v20 =	vmul.f32 v20, v10;
	v17 =	vld [tilespmem:s31+$0x60];
	(pc) =	sbr.rel @p0 .LBB2_23-.Ltmp10, $4  }
0x2c0: {  	[tilespmem:s16+$0x0] =	vst.add.f32.msk $0xffff, v18;
	v21 =	vmul.f32 v21, v10  }
0x2c1: {  	[tilespmem:s16+$0x10] =	vst.add.f32.msk $0xffff, v19;
	v19 =	vmul.f32 v22, v10  }
0x2c2: {  	[tilespmem:s16+$0x20] =	vst.add.f32.msk $0xffff, v20;
	v18 =	vmul.f32 v23, v10  }
0x2c3: {  	s25 =	sadd.s32 $0x400, s25;
	[tilespmem:s16+$0x30] =	vst.add.f32.msk $0xffff, v21  }
0x2c4: {  	s2 =	simm.s32 $0x0  }
0x2c5: {  	[tilespmem:s16+$0x40] =	vst.add.f32.msk $0xffff, v19;
	v17 =	vmul.f32 v17, v10;
	s0 =	sadd.s32 $0x5000, s17;
	s4 =	sand.u32 $0x400, s2  }
0x2c6: {  	[tilespmem:s16+$0x50] =	vst.add.f32.msk $0xffff, v18;
	s5 =	sand.u32 $0x380, s2;
	s6 =	sadd.s32 s4, s0  }
0x2c7: {  	[tilespmem:s16+$0x60] =	vst.add.f32.msk $0xffff, v17;
	s6 =	sadd.s32 s5, s6  }
0x2c8: {  	v17 =	vld [tilespmem:s6+$0x70]  }
0x2c9: {  	s1 =	sld [smem:$0x7FA];
	v18 =	vld [tilespmem:s6+$0x0]  }
0x2ca: {  	v19 =	vld [tilespmem:s6+$0x10]  }
0x2cb: {  	v20 =	vld [tilespmem:s6+$0x20]  }
0x2cc: {  	v21 =	vld [tilespmem:s6+$0x30];
	s1 =	sadd.s32 s18, s1  }
0x2cd: {  	v22 =	vld [tilespmem:s6+$0x40];
	s4 =	sadd.s32 s4, s1;
	v17 =	vmul.f32 v17, v11  }
0x2ce: {  	v23 =	vld [tilespmem:s6+$0x50];
	s16 =	sadd.s32 s5, s4  }
0x2cf: {  	v18 =	vmul.f32 v18, v11;
	[tilespmem:s16+$0x70] =	vst.add.f32.msk $0xffff, v17  }
0x2d0: {  	v19 =	vmul.f32 v19, v11;
	v17 =	vld [tilespmem:s6+$0x60]  }
0x2d1: {  	v20 =	vmul.f32 v20, v11;
	[tilespmem:s16+$0x0] =	vst.add.f32.msk $0xffff, v18  }
0x2d2: {  	v21 =	vmul.f32 v21, v11;
	[tilespmem:s16+$0x10] =	vst.add.f32.msk $0xffff, v19  }
0x2d3: {  	[tilespmem:s16+$0x20] =	vst.add.f32.msk $0xffff, v20;
	v19 =	vmul.f32 v22, v11  }
0x2d4: {  	s25 =	simm.s32 $0x400;
	s4 =	simm.s32 $0x0;
	v18 =	vmul.f32 v23, v11;
	[tilespmem:s16+$0x30] =	vst.add.f32.msk $0xffff, v21  }
.LBB2_25:
0x2d5: {  	s5 =	sand.u32 $0x400, s25;
	s4 =	sadd.s32 $0x80, s4;
	[tilespmem:s16+$0x40] =	vst.add.f32.msk $0xffff, v19;
	v17 =	vmul.f32 v17, v11;
	s2 =	sadd.s32 $0x40, s2  }
0x2d6: {  	s6 =	sand.u32 $0x380, s2;
	s31 =	sadd.s32 s5, s0;
	p0 =	slt.u32 s4, $0x780;
	[tilespmem:s16+$0x50] =	vst.add.f32.msk $0xffff, v18  }
0x2d7: {  	s31 =	sadd.s32 s6, s31;
	[tilespmem:s16+$0x60] =	vst.add.f32.msk $0xffff, v17  }
0x2d8: {  	v17 =	vld [tilespmem:s31+$0x70]  }
0x2d9: {  	v18 =	vld [tilespmem:s31+$0x0]  }
0x2da: {  	v19 =	vld [tilespmem:s31+$0x10]  }
0x2db: {  	v20 =	vld [tilespmem:s31+$0x20]  }
0x2dc: {  	v21 =	vld [tilespmem:s31+$0x30]  }
0x2dd: {  	s5 =	sadd.s32 s5, s1;
	v22 =	vld [tilespmem:s31+$0x40];
	v17 =	vmul.f32 v17, v11  }
0x2de: {  	s16 =	sadd.s32 s6, s5;
	v18 =	vmul.f32 v18, v11;
	v23 =	vld [tilespmem:s31+$0x50]  }
0x2df: {  	v19 =	vmul.f32 v19, v11;
	[tilespmem:s16+$0x70] =	vst.add.f32.msk $0xffff, v17  }
.Ltmp11:
0x2e0: {  	v20 =	vmul.f32 v20, v11;
	v17 =	vld [tilespmem:s31+$0x60];
	(pc) =	sbr.rel @p0 .LBB2_25-.Ltmp11, $4  }
0x2e1: {  	[tilespmem:s16+$0x0] =	vst.add.f32.msk $0xffff, v18;
	v21 =	vmul.f32 v21, v11  }
0x2e2: {  	[tilespmem:s16+$0x10] =	vst.add.f32.msk $0xffff, v19;
	v19 =	vmul.f32 v22, v11  }
0x2e3: {  	[tilespmem:s16+$0x20] =	vst.add.f32.msk $0xffff, v20;
	v18 =	vmul.f32 v23, v11  }
0x2e4: {  	s25 =	sadd.s32 $0x400, s25;
	[tilespmem:s16+$0x30] =	vst.add.f32.msk $0xffff, v21  }
0x2e5: {  	s2 =	simm.s32 $0x0  }
0x2e6: {  	[tilespmem:s16+$0x40] =	vst.add.f32.msk $0xffff, v19;
	v17 =	vmul.f32 v17, v11;
	s0 =	sadd.s32 $0x5800, s17;
	s4 =	sand.u32 $0x400, s2  }
0x2e7: {  	[tilespmem:s16+$0x50] =	vst.add.f32.msk $0xffff, v18;
	s5 =	sand.u32 $0x380, s2;
	s6 =	sadd.s32 s4, s0  }
0x2e8: {  	[tilespmem:s16+$0x60] =	vst.add.f32.msk $0xffff, v17;
	s6 =	sadd.s32 s5, s6  }
0x2e9: {  	v17 =	vld [tilespmem:s6+$0x70]  }
0x2ea: {  	s1 =	sld [smem:$0x7FB];
	v18 =	vld [tilespmem:s6+$0x0]  }
0x2eb: {  	v19 =	vld [tilespmem:s6+$0x10]  }
0x2ec: {  	v20 =	vld [tilespmem:s6+$0x20]  }
0x2ed: {  	v21 =	vld [tilespmem:s6+$0x30];
	s1 =	sadd.s32 s18, s1  }
0x2ee: {  	v22 =	vld [tilespmem:s6+$0x40];
	s4 =	sadd.s32 s4, s1;
	v17 =	vmul.f32 v17, v12  }
0x2ef: {  	v23 =	vld [tilespmem:s6+$0x50];
	s16 =	sadd.s32 s5, s4  }
0x2f0: {  	v18 =	vmul.f32 v18, v12;
	[tilespmem:s16+$0x70] =	vst.add.f32.msk $0xffff, v17  }
0x2f1: {  	v19 =	vmul.f32 v19, v12;
	v17 =	vld [tilespmem:s6+$0x60]  }
0x2f2: {  	v20 =	vmul.f32 v20, v12;
	[tilespmem:s16+$0x0] =	vst.add.f32.msk $0xffff, v18  }
0x2f3: {  	v21 =	vmul.f32 v21, v12;
	[tilespmem:s16+$0x10] =	vst.add.f32.msk $0xffff, v19  }
0x2f4: {  	[tilespmem:s16+$0x20] =	vst.add.f32.msk $0xffff, v20;
	v19 =	vmul.f32 v22, v12  }
0x2f5: {  	s25 =	simm.s32 $0x400;
	s4 =	simm.s32 $0x0;
	v18 =	vmul.f32 v23, v12;
	[tilespmem:s16+$0x30] =	vst.add.f32.msk $0xffff, v21  }
.LBB2_27:
0x2f6: {  	s5 =	sand.u32 $0x400, s25;
	s4 =	sadd.s32 $0x80, s4;
	[tilespmem:s16+$0x40] =	vst.add.f32.msk $0xffff, v19;
	v17 =	vmul.f32 v17, v12;
	s2 =	sadd.s32 $0x40, s2  }
0x2f7: {  	s6 =	sand.u32 $0x380, s2;
	s31 =	sadd.s32 s5, s0;
	p0 =	slt.u32 s4, $0x780;
	[tilespmem:s16+$0x50] =	vst.add.f32.msk $0xffff, v18  }
0x2f8: {  	s31 =	sadd.s32 s6, s31;
	[tilespmem:s16+$0x60] =	vst.add.f32.msk $0xffff, v17  }
0x2f9: {  	v17 =	vld [tilespmem:s31+$0x70]  }
0x2fa: {  	v18 =	vld [tilespmem:s31+$0x0]  }
0x2fb: {  	v19 =	vld [tilespmem:s31+$0x10]  }
0x2fc: {  	v20 =	vld [tilespmem:s31+$0x20]  }
0x2fd: {  	v21 =	vld [tilespmem:s31+$0x30]  }
0x2fe: {  	s5 =	sadd.s32 s5, s1;
	v22 =	vld [tilespmem:s31+$0x40];
	v17 =	vmul.f32 v17, v12  }
0x2ff: {  	s16 =	sadd.s32 s6, s5;
	v18 =	vmul.f32 v18, v12;
	v23 =	vld [tilespmem:s31+$0x50]  }
0x300: {  	v19 =	vmul.f32 v19, v12;
	[tilespmem:s16+$0x70] =	vst.add.f32.msk $0xffff, v17  }
.Ltmp12:
0x301: {  	v20 =	vmul.f32 v20, v12;
	v17 =	vld [tilespmem:s31+$0x60];
	(pc) =	sbr.rel @p0 .LBB2_27-.Ltmp12, $4  }
0x302: {  	[tilespmem:s16+$0x0] =	vst.add.f32.msk $0xffff, v18;
	v21 =	vmul.f32 v21, v12  }
0x303: {  	[tilespmem:s16+$0x10] =	vst.add.f32.msk $0xffff, v19;
	v19 =	vmul.f32 v22, v12  }
0x304: {  	[tilespmem:s16+$0x20] =	vst.add.f32.msk $0xffff, v20;
	v18 =	vmul.f32 v23, v12  }
0x305: {  	s25 =	sadd.s32 $0x400, s25;
	[tilespmem:s16+$0x30] =	vst.add.f32.msk $0xffff, v21  }
0x306: {  	s2 =	simm.s32 $0x0  }
0x307: {  	[tilespmem:s16+$0x40] =	vst.add.f32.msk $0xffff, v19;
	v17 =	vmul.f32 v17, v12;
	s0 =	sadd.s32 $0x6000, s17;
	s4 =	sand.u32 $0x400, s2  }
0x308: {  	[tilespmem:s16+$0x50] =	vst.add.f32.msk $0xffff, v18;
	s5 =	sand.u32 $0x380, s2;
	s6 =	sadd.s32 s4, s0  }
0x309: {  	[tilespmem:s16+$0x60] =	vst.add.f32.msk $0xffff, v17;
	s6 =	sadd.s32 s5, s6  }
0x30a: {  	v17 =	vld [tilespmem:s6+$0x70]  }
0x30b: {  	s1 =	sld [smem:$0x7FC];
	v18 =	vld [tilespmem:s6+$0x0]  }
0x30c: {  	v19 =	vld [tilespmem:s6+$0x10]  }
0x30d: {  	v20 =	vld [tilespmem:s6+$0x20]  }
0x30e: {  	v21 =	vld [tilespmem:s6+$0x30];
	s1 =	sadd.s32 s18, s1  }
0x30f: {  	v22 =	vld [tilespmem:s6+$0x40];
	s4 =	sadd.s32 s4, s1;
	v17 =	vmul.f32 v17, v13  }
0x310: {  	v23 =	vld [tilespmem:s6+$0x50];
	s16 =	sadd.s32 s5, s4  }
0x311: {  	v18 =	vmul.f32 v18, v13;
	[tilespmem:s16+$0x70] =	vst.add.f32.msk $0xffff, v17  }
0x312: {  	v19 =	vmul.f32 v19, v13;
	v17 =	vld [tilespmem:s6+$0x60]  }
0x313: {  	v20 =	vmul.f32 v20, v13;
	[tilespmem:s16+$0x0] =	vst.add.f32.msk $0xffff, v18  }
0x314: {  	v21 =	vmul.f32 v21, v13;
	[tilespmem:s16+$0x10] =	vst.add.f32.msk $0xffff, v19  }
0x315: {  	[tilespmem:s16+$0x20] =	vst.add.f32.msk $0xffff, v20;
	v19 =	vmul.f32 v22, v13  }
0x316: {  	s25 =	simm.s32 $0x400;
	s4 =	simm.s32 $0x0;
	v18 =	vmul.f32 v23, v13;
	[tilespmem:s16+$0x30] =	vst.add.f32.msk $0xffff, v21  }
.LBB2_29:
0x317: {  	s5 =	sand.u32 $0x400, s25;
	s4 =	sadd.s32 $0x80, s4;
	[tilespmem:s16+$0x40] =	vst.add.f32.msk $0xffff, v19;
	v17 =	vmul.f32 v17, v13;
	s2 =	sadd.s32 $0x40, s2  }
0x318: {  	s6 =	sand.u32 $0x380, s2;
	s31 =	sadd.s32 s5, s0;
	p0 =	slt.u32 s4, $0x780;
	[tilespmem:s16+$0x50] =	vst.add.f32.msk $0xffff, v18  }
0x319: {  	s31 =	sadd.s32 s6, s31;
	[tilespmem:s16+$0x60] =	vst.add.f32.msk $0xffff, v17  }
0x31a: {  	v17 =	vld [tilespmem:s31+$0x70]  }
0x31b: {  	v18 =	vld [tilespmem:s31+$0x0]  }
0x31c: {  	v19 =	vld [tilespmem:s31+$0x10]  }
0x31d: {  	v20 =	vld [tilespmem:s31+$0x20]  }
0x31e: {  	v21 =	vld [tilespmem:s31+$0x30]  }
0x31f: {  	s5 =	sadd.s32 s5, s1;
	v22 =	vld [tilespmem:s31+$0x40];
	v17 =	vmul.f32 v17, v13  }
0x320: {  	s16 =	sadd.s32 s6, s5;
	v18 =	vmul.f32 v18, v13;
	v23 =	vld [tilespmem:s31+$0x50]  }
0x321: {  	v19 =	vmul.f32 v19, v13;
	[tilespmem:s16+$0x70] =	vst.add.f32.msk $0xffff, v17  }
.Ltmp13:
0x322: {  	v20 =	vmul.f32 v20, v13;
	v17 =	vld [tilespmem:s31+$0x60];
	(pc) =	sbr.rel @p0 .LBB2_29-.Ltmp13, $4  }
0x323: {  	[tilespmem:s16+$0x0] =	vst.add.f32.msk $0xffff, v18;
	v21 =	vmul.f32 v21, v13  }
0x324: {  	[tilespmem:s16+$0x10] =	vst.add.f32.msk $0xffff, v19;
	v19 =	vmul.f32 v22, v13  }
0x325: {  	[tilespmem:s16+$0x20] =	vst.add.f32.msk $0xffff, v20;
	v18 =	vmul.f32 v23, v13  }
0x326: {  	s25 =	sadd.s32 $0x400, s25;
	[tilespmem:s16+$0x30] =	vst.add.f32.msk $0xffff, v21  }
0x327: {  	s2 =	simm.s32 $0x0  }
0x328: {  	[tilespmem:s16+$0x40] =	vst.add.f32.msk $0xffff, v19;
	v17 =	vmul.f32 v17, v13;
	s0 =	sadd.s32 $0x6800, s17;
	s4 =	sand.u32 $0x400, s2  }
0x329: {  	[tilespmem:s16+$0x50] =	vst.add.f32.msk $0xffff, v18;
	s5 =	sand.u32 $0x380, s2;
	s6 =	sadd.s32 s4, s0  }
0x32a: {  	[tilespmem:s16+$0x60] =	vst.add.f32.msk $0xffff, v17;
	s6 =	sadd.s32 s5, s6  }
0x32b: {  	v17 =	vld [tilespmem:s6+$0x70]  }
0x32c: {  	s1 =	sld [smem:$0x7FD];
	v18 =	vld [tilespmem:s6+$0x0]  }
0x32d: {  	v19 =	vld [tilespmem:s6+$0x10]  }
0x32e: {  	v20 =	vld [tilespmem:s6+$0x20]  }
0x32f: {  	v21 =	vld [tilespmem:s6+$0x30];
	s1 =	sadd.s32 s18, s1  }
0x330: {  	v22 =	vld [tilespmem:s6+$0x40];
	s4 =	sadd.s32 s4, s1;
	v17 =	vmul.f32 v17, v14  }
0x331: {  	v23 =	vld [tilespmem:s6+$0x50];
	s16 =	sadd.s32 s5, s4  }
0x332: {  	v18 =	vmul.f32 v18, v14;
	[tilespmem:s16+$0x70] =	vst.add.f32.msk $0xffff, v17  }
0x333: {  	v19 =	vmul.f32 v19, v14;
	v17 =	vld [tilespmem:s6+$0x60]  }
0x334: {  	v20 =	vmul.f32 v20, v14;
	[tilespmem:s16+$0x0] =	vst.add.f32.msk $0xffff, v18  }
0x335: {  	v21 =	vmul.f32 v21, v14;
	[tilespmem:s16+$0x10] =	vst.add.f32.msk $0xffff, v19  }
0x336: {  	[tilespmem:s16+$0x20] =	vst.add.f32.msk $0xffff, v20;
	v19 =	vmul.f32 v22, v14  }
0x337: {  	s25 =	simm.s32 $0x400;
	s4 =	simm.s32 $0x0;
	v18 =	vmul.f32 v23, v14;
	[tilespmem:s16+$0x30] =	vst.add.f32.msk $0xffff, v21  }
.LBB2_31:
0x338: {  	s5 =	sand.u32 $0x400, s25;
	s4 =	sadd.s32 $0x80, s4;
	[tilespmem:s16+$0x40] =	vst.add.f32.msk $0xffff, v19;
	v17 =	vmul.f32 v17, v14;
	s2 =	sadd.s32 $0x40, s2  }
0x339: {  	s6 =	sand.u32 $0x380, s2;
	s31 =	sadd.s32 s5, s0;
	p0 =	slt.u32 s4, $0x780;
	[tilespmem:s16+$0x50] =	vst.add.f32.msk $0xffff, v18  }
0x33a: {  	s31 =	sadd.s32 s6, s31;
	[tilespmem:s16+$0x60] =	vst.add.f32.msk $0xffff, v17  }
0x33b: {  	v17 =	vld [tilespmem:s31+$0x70]  }
0x33c: {  	v18 =	vld [tilespmem:s31+$0x0]  }
0x33d: {  	v19 =	vld [tilespmem:s31+$0x10]  }
0x33e: {  	v20 =	vld [tilespmem:s31+$0x20]  }
0x33f: {  	v21 =	vld [tilespmem:s31+$0x30]  }
0x340: {  	s5 =	sadd.s32 s5, s1;
	v22 =	vld [tilespmem:s31+$0x40];
	v17 =	vmul.f32 v17, v14  }
0x341: {  	s16 =	sadd.s32 s6, s5;
	v18 =	vmul.f32 v18, v14;
	v23 =	vld [tilespmem:s31+$0x50]  }
0x342: {  	v19 =	vmul.f32 v19, v14;
	[tilespmem:s16+$0x70] =	vst.add.f32.msk $0xffff, v17  }
.Ltmp14:
0x343: {  	v20 =	vmul.f32 v20, v14;
	v17 =	vld [tilespmem:s31+$0x60];
	(pc) =	sbr.rel @p0 .LBB2_31-.Ltmp14, $4  }
0x344: {  	[tilespmem:s16+$0x0] =	vst.add.f32.msk $0xffff, v18;
	v21 =	vmul.f32 v21, v14  }
0x345: {  	[tilespmem:s16+$0x10] =	vst.add.f32.msk $0xffff, v19;
	v19 =	vmul.f32 v22, v14  }
0x346: {  	[tilespmem:s16+$0x20] =	vst.add.f32.msk $0xffff, v20;
	v18 =	vmul.f32 v23, v14  }
0x347: {  	s25 =	sadd.s32 $0x400, s25;
	[tilespmem:s16+$0x30] =	vst.add.f32.msk $0xffff, v21  }
0x348: {  	s2 =	simm.s32 $0x0  }
0x349: {  	[tilespmem:s16+$0x40] =	vst.add.f32.msk $0xffff, v19;
	v17 =	vmul.f32 v17, v14;
	s0 =	sadd.s32 $0x7000, s17;
	s4 =	sand.u32 $0x400, s2  }
0x34a: {  	[tilespmem:s16+$0x50] =	vst.add.f32.msk $0xffff, v18;
	s5 =	sand.u32 $0x380, s2;
	s6 =	sadd.s32 s4, s0  }
0x34b: {  	[tilespmem:s16+$0x60] =	vst.add.f32.msk $0xffff, v17;
	s6 =	sadd.s32 s5, s6  }
0x34c: {  	v17 =	vld [tilespmem:s6+$0x70]  }
0x34d: {  	v18 =	vld [tilespmem:s6+$0x0]  }
0x34e: {  	v19 =	vld [tilespmem:s6+$0x10]  }
0x34f: {  	v20 =	vld [tilespmem:s6+$0x20]  }
0x350: {  	s1 =	sadd.s32 s18, s10;
	v21 =	vld [tilespmem:s6+$0x30]  }
0x351: {  	s4 =	sadd.s32 s4, s1;
	v22 =	vld [tilespmem:s6+$0x40];
	v17 =	vmul.f32 v17, v15  }
0x352: {  	s16 =	sadd.s32 s5, s4;
	v23 =	vld [tilespmem:s6+$0x50]  }
0x353: {  	v18 =	vmul.f32 v18, v15;
	[tilespmem:s16+$0x70] =	vst.add.f32.msk $0xffff, v17  }
0x354: {  	v19 =	vmul.f32 v19, v15;
	v17 =	vld [tilespmem:s6+$0x60]  }
0x355: {  	v20 =	vmul.f32 v20, v15;
	[tilespmem:s16+$0x0] =	vst.add.f32.msk $0xffff, v18  }
0x356: {  	v21 =	vmul.f32 v21, v15;
	[tilespmem:s16+$0x10] =	vst.add.f32.msk $0xffff, v19  }
0x357: {  	[tilespmem:s16+$0x20] =	vst.add.f32.msk $0xffff, v20;
	v19 =	vmul.f32 v22, v15  }
0x358: {  	s25 =	simm.s32 $0x400;
	s4 =	simm.s32 $0x0;
	v18 =	vmul.f32 v23, v15;
	[tilespmem:s16+$0x30] =	vst.add.f32.msk $0xffff, v21  }
.LBB2_33:
0x359: {  	s5 =	sand.u32 $0x400, s25;
	s4 =	sadd.s32 $0x80, s4;
	[tilespmem:s16+$0x40] =	vst.add.f32.msk $0xffff, v19;
	v17 =	vmul.f32 v17, v15;
	s2 =	sadd.s32 $0x40, s2  }
0x35a: {  	s6 =	sand.u32 $0x380, s2;
	s31 =	sadd.s32 s5, s0;
	p0 =	slt.u32 s4, $0x780;
	[tilespmem:s16+$0x50] =	vst.add.f32.msk $0xffff, v18  }
0x35b: {  	s31 =	sadd.s32 s6, s31;
	[tilespmem:s16+$0x60] =	vst.add.f32.msk $0xffff, v17  }
0x35c: {  	v17 =	vld [tilespmem:s31+$0x70]  }
0x35d: {  	v18 =	vld [tilespmem:s31+$0x0]  }
0x35e: {  	v19 =	vld [tilespmem:s31+$0x10]  }
0x35f: {  	v20 =	vld [tilespmem:s31+$0x20]  }
0x360: {  	v21 =	vld [tilespmem:s31+$0x30]  }
0x361: {  	s5 =	sadd.s32 s5, s1;
	v22 =	vld [tilespmem:s31+$0x40];
	v17 =	vmul.f32 v17, v15  }
0x362: {  	s16 =	sadd.s32 s6, s5;
	v18 =	vmul.f32 v18, v15;
	v23 =	vld [tilespmem:s31+$0x50]  }
0x363: {  	v19 =	vmul.f32 v19, v15;
	[tilespmem:s16+$0x70] =	vst.add.f32.msk $0xffff, v17  }
.Ltmp15:
0x364: {  	v20 =	vmul.f32 v20, v15;
	v17 =	vld [tilespmem:s31+$0x60];
	(pc) =	sbr.rel @p0 .LBB2_33-.Ltmp15, $4  }
0x365: {  	[tilespmem:s16+$0x0] =	vst.add.f32.msk $0xffff, v18;
	v21 =	vmul.f32 v21, v15  }
0x366: {  	[tilespmem:s16+$0x10] =	vst.add.f32.msk $0xffff, v19;
	v19 =	vmul.f32 v22, v15  }
0x367: {  	[tilespmem:s16+$0x20] =	vst.add.f32.msk $0xffff, v20;
	v18 =	vmul.f32 v23, v15  }
0x368: {  	s25 =	sadd.s32 $0x400, s25;
	[tilespmem:s16+$0x30] =	vst.add.f32.msk $0xffff, v21  }
0x369: {  	s2 =	simm.s32 $0x0  }
0x36a: {  	[tilespmem:s16+$0x40] =	vst.add.f32.msk $0xffff, v19;
	v17 =	vmul.f32 v17, v15;
	s0 =	sadd.s32 $0x7800, s17;
	s4 =	sand.u32 $0x400, s2  }
0x36b: {  	[tilespmem:s16+$0x50] =	vst.add.f32.msk $0xffff, v18;
	s5 =	sand.u32 $0x380, s2;
	s6 =	sadd.s32 s4, s0  }
0x36c: {  	[tilespmem:s16+$0x60] =	vst.add.f32.msk $0xffff, v17;
	s6 =	sadd.s32 s5, s6  }
0x36d: {  	v17 =	vld [tilespmem:s6+$0x70]  }
0x36e: {  	v18 =	vld [tilespmem:s6+$0x0]  }
0x36f: {  	v19 =	vld [tilespmem:s6+$0x10]  }
0x370: {  	v20 =	vld [tilespmem:s6+$0x20]  }
0x371: {  	s1 =	sadd.s32 s18, s8;
	v21 =	vld [tilespmem:s6+$0x30]  }
0x372: {  	s4 =	sadd.s32 s4, s1;
	v22 =	vld [tilespmem:s6+$0x40];
	v17 =	vmul.f32 v17, v16  }
0x373: {  	s16 =	sadd.s32 s5, s4;
	v23 =	vld [tilespmem:s6+$0x50]  }
0x374: {  	v18 =	vmul.f32 v18, v16;
	[tilespmem:s16+$0x70] =	vst.add.f32.msk $0xffff, v17  }
0x375: {  	v19 =	vmul.f32 v19, v16;
	v17 =	vld [tilespmem:s6+$0x60]  }
0x376: {  	v20 =	vmul.f32 v20, v16;
	[tilespmem:s16+$0x0] =	vst.add.f32.msk $0xffff, v18  }
0x377: {  	v21 =	vmul.f32 v21, v16;
	[tilespmem:s16+$0x10] =	vst.add.f32.msk $0xffff, v19  }
0x378: {  	[tilespmem:s16+$0x20] =	vst.add.f32.msk $0xffff, v20;
	v19 =	vmul.f32 v22, v16  }
0x379: {  	s17 =	simm.s32 $0x400;
	s4 =	simm.s32 $0x0;
	v18 =	vmul.f32 v23, v16;
	[tilespmem:s16+$0x30] =	vst.add.f32.msk $0xffff, v21  }
.LBB2_35:
0x37a: {  	s5 =	sand.u32 $0x400, s17;
	s4 =	sadd.s32 $0x80, s4;
	[tilespmem:s16+$0x40] =	vst.add.f32.msk $0xffff, v19;
	v17 =	vmul.f32 v17, v16;
	s2 =	sadd.s32 $0x40, s2  }
0x37b: {  	s6 =	sand.u32 $0x380, s2;
	s18 =	sadd.s32 s5, s0;
	p0 =	slt.u32 s4, $0x780;
	[tilespmem:s16+$0x50] =	vst.add.f32.msk $0xffff, v18  }
0x37c: {  	s18 =	sadd.s32 s6, s18;
	[tilespmem:s16+$0x60] =	vst.add.f32.msk $0xffff, v17  }
0x37d: {  	v17 =	vld [tilespmem:s18+$0x70]  }
0x37e: {  	v18 =	vld [tilespmem:s18+$0x0]  }
0x37f: {  	v19 =	vld [tilespmem:s18+$0x10]  }
0x380: {  	v20 =	vld [tilespmem:s18+$0x20]  }
0x381: {  	v21 =	vld [tilespmem:s18+$0x30]  }
0x382: {  	s5 =	sadd.s32 s5, s1;
	v22 =	vld [tilespmem:s18+$0x40];
	v17 =	vmul.f32 v17, v16  }
0x383: {  	s16 =	sadd.s32 s6, s5;
	v18 =	vmul.f32 v18, v16;
	v23 =	vld [tilespmem:s18+$0x50]  }
0x384: {  	v19 =	vmul.f32 v19, v16;
	[tilespmem:s16+$0x70] =	vst.add.f32.msk $0xffff, v17  }
.Ltmp16:
0x385: {  	v20 =	vmul.f32 v20, v16;
	v17 =	vld [tilespmem:s18+$0x60];
	(pc) =	sbr.rel @p0 .LBB2_35-.Ltmp16, $4  }
0x386: {  	[tilespmem:s16+$0x0] =	vst.add.f32.msk $0xffff, v18;
	v21 =	vmul.f32 v21, v16  }
0x387: {  	[tilespmem:s16+$0x10] =	vst.add.f32.msk $0xffff, v19;
	v19 =	vmul.f32 v22, v16  }
0x388: {  	[tilespmem:s16+$0x20] =	vst.add.f32.msk $0xffff, v20;
	v18 =	vmul.f32 v23, v16  }
0x389: {  	s17 =	sadd.s32 $0x400, s17;
	[tilespmem:s16+$0x30] =	vst.add.f32.msk $0xffff, v21  }
0x38a: {  	[tilespmem:s16+$0x40] =	vst.add.f32.msk $0xffff, v19;
	v17 =	vmul.f32 v17, v16  }
0x38b: {  	[tilespmem:s16+$0x50] =	vst.add.f32.msk $0xffff, v18  }
0x38c: {  	[tilespmem:s16+$0x60] =	vst.add.f32.msk $0xffff, v17  }
0x38d: {  	s1 =	rddreg [dreg:$0x15]  }
0x38e: {  	s2 =	rddreg [dreg:$0x1a]  }
0x38f: {  	s0 =	sadd.s32 $0x7, s15;
	s4 =	rddreg [dreg:$0x1b]  }
0x390: {  	s5 =	rddreg [dreg:$0x5];
	s1 =	sadd.s32 s12, s1;
	s2 =	sadd.s32 s2, s14  }
0x391: {  	[hbm4b:s1+s3] =	stream.linear.scatter [tilespmem:s2], [sflag:s0], $0x800, $0x38;
	[tilespmem:$0x1C080] =	vst v63  }
0x392: {  	s2 =	rddreg [dreg:$0x4]  }
0x393: {  	s15 =	rddreg [dreg:$0x6];
	s1 =	sadd.s32 s12, s2;
	s2 =	sadd.s32 s4, s14  }
0x394: {  	[hbm4b:s1+s3] =	stream.linear.scatter [tilespmem:s2], [sflag:s0], $0x800, $0x38;
	[tilespmem:$0x1C080] =	vst v63  }
0x395: {  	s6 =	sadd.s32 s29, s14;
	s17 =	rddreg [dreg:$0x8];
	s1 =	sadd.s32 s12, s5  }
0x396: {  	[hbm4b:s1+s3] =	stream.linear.scatter [tilespmem:s6], [sflag:s0], $0x800, $0x38;
	[tilespmem:$0x1C080] =	vst v63  }
0x397: {  	s16 =	sadd.s32 s13, s14;
	s25 =	rddreg [dreg:$0x9];
	s1 =	sadd.s32 s12, s15  }
0x398: {  	[hbm4b:s1+s3] =	stream.linear.scatter [tilespmem:s16], [sflag:s0], $0x800, $0x38;
	[tilespmem:$0x1C080] =	vst v63  }
0x399: {  	s18 =	sadd.s32 s30, s14;
	s4 =	rddreg [dreg:$0x1c];
	s1 =	sadd.s32 s12, s17  }
0x39a: {  	[hbm4b:s1+s3] =	stream.linear.scatter [tilespmem:s18], [sflag:s0], $0x800, $0x38;
	[tilespmem:$0x1C080] =	vst v63  }
0x39b: {  	s31 =	sadd.s32 s28, s14;
	s2 =	rddreg [dreg:$0xa];
	s1 =	sadd.s32 s12, s25  }
0x39c: {  	[hbm4b:s1+s3] =	stream.linear.scatter [tilespmem:s31], [sflag:s0], $0x800, $0x38;
	[tilespmem:$0x1C080] =	vst v63  }
0x39d: {  	s5 =	rddreg [dreg:$0xb];
	s1 =	sadd.s32 s12, s2;
	s2 =	sadd.s32 s4, s14  }
0x39e: {  	[hbm4b:s1+s3] =	stream.linear.scatter [tilespmem:s2], [sflag:s0], $0x800, $0x38;
	[tilespmem:$0x1C080] =	vst v63  }
0x39f: {  	s6 =	sadd.s32 s22, s14;
	s15 =	rddreg [dreg:$0xd];
	s1 =	sadd.s32 s12, s5  }
0x3a0: {  	[hbm4b:s1+s3] =	stream.linear.scatter [tilespmem:s6], [sflag:s0], $0x800, $0x38;
	[tilespmem:$0x1C080] =	vst v63  }
0x3a1: {  	s16 =	sadd.s32 s9, s14;
	s17 =	rddreg [dreg:$0xe];
	s1 =	sadd.s32 s12, s15  }
0x3a2: {  	[hbm4b:s1+s3] =	stream.linear.scatter [tilespmem:s16], [sflag:s0], $0x800, $0x38;
	[tilespmem:$0x1C080] =	vst v63  }
0x3a3: {  	s18 =	sadd.s32 s19, s14;
	s25 =	rddreg [dreg:$0x10];
	s1 =	sadd.s32 s12, s17  }
0x3a4: {  	[hbm4b:s1+s3] =	stream.linear.scatter [tilespmem:s18], [sflag:s0], $0x800, $0x38;
	[tilespmem:$0x1C080] =	vst v63  }
0x3a5: {  	s31 =	sadd.s32 s21, s14;
	s2 =	rddreg [dreg:$0x11];
	s1 =	sadd.s32 s12, s25  }
0x3a6: {  	[hbm4b:s1+s3] =	stream.linear.scatter [tilespmem:s31], [sflag:s0], $0x800, $0x38;
	[tilespmem:$0x1C080] =	vst v63  }
0x3a7: {  	s4 =	sadd.s32 s7, s14;
	s5 =	rddreg [dreg:$0x13];
	s1 =	sadd.s32 s12, s2  }
0x3a8: {  	[hbm4b:s1+s3] =	stream.linear.scatter [tilespmem:s4], [sflag:s0], $0x800, $0x38;
	[tilespmem:$0x1C080] =	vst v63  }
0x3a9: {  	s6 =	sadd.s32 s20, s14;
	s15 =	rddreg [dreg:$0x14];
	s1 =	sadd.s32 s12, s5  }
0x3aa: {  	[hbm4b:s1+s3] =	stream.linear.scatter [tilespmem:s6], [sflag:s0], $0x800, $0x38;
	[tilespmem:$0x1C080] =	vst v63  }
0x3ab: {  	p0 =	sne.s32 s11, $0x10;
	s16 =	sadd.s32 s26, s14;
	s1 =	sadd.s32 s12, s15  }
0x3ac: {  	[hbm4b:s1+s3] =	stream.linear.scatter [tilespmem:s16], [sflag:s0], $0x800, $0x38;
	[tilespmem:$0x1C080] =	vst v63  }
.Ltmp17:
0x3ad: {  	s17 =	rddreg [dreg:$0x16];
	(pc) =	sbr.rel @p0 .LBB2_2-.Ltmp17, $4  }
0x3ae: {  	s18 =	sadd.s32 s24, s14;
	s25 =	rddreg [dreg:$0x17];
	s1 =	sadd.s32 s12, s17  }
0x3af: {  	[hbm4b:s1+s3] =	stream.linear.scatter [tilespmem:s18], [sflag:s0], $0x800, $0x38;
	[tilespmem:$0x1C080] =	vst v63  }
0x3b0: {  	s31 =	sadd.s32 s23, s14;
	s1 =	sadd.s32 s12, s25  }
0x3b1: {  	[hbm4b:s1+s3] =	stream.linear.scatter [tilespmem:s31], [sflag:s0], $0x800, $0x38;
	[tilespmem:$0x1C080] =	vst v63  }
0x3b2: {  	s0 =	simm.s32 $0x6  }
0x3b3: {  	_ =	swait.ge [sflag:s0], $0x8000  }
0x3b4: {  	[sflag:s0] =	ssyncset.done $0x0  }
0x3b5: {  	s29 =	simm.s32 $0x4;
	[sflag:s0] =	ssyncadd.s32 $0xFFFF8000  }
0x3b6: {  	_ =	swait.ge [sflag:s29], $0x8000  }
0x3b7: {  	[sflag:s29] =	ssyncset.done $0x0  }
0x3b8: {  	s30 =	simm.s32 $0x7;
	[sflag:s29] =	ssyncadd.s32 $0xFFFF8000  }
0x3b9: {  	_ =	swait.ge [sflag:s30], $0x8000  }
0x3ba: {  	[sflag:s30] =	ssyncset.done $0x0  }
0x3bb: {  	s1 =	simm.s32 $0x8;
	[sflag:s30] =	ssyncadd.s32 $0xFFFF8000  }
0x3bc: {  	_ =	swait.ge [sflag:s1], $0x8000  }
0x3bd: {  	s2 =	rddreg [dreg:$0x19]  }
0x3be: {  	s31 =	rddreg [dreg:$0x18];
	s2 =	sadd.s32 $0x1, s2  }
0x3bf: {  	p0 =	sne.s32 s2, s31  }
.Ltmp18:
0x3c0: {  	_ = 	snop;
	(pc) =	sbr.rel @p0 .LBB2_1-.Ltmp18, $3  }
0x3c1: {  	_ =	sdelay $0x1  }
0x3c2: {  	[sflag:s1] =	ssyncset.done $0x0  }
0x3c3: {  	[sflag:s1] =	ssyncadd.s32 $0xFFFF8000  }
0x3c4: {  	_ =	sfence.sel $0x180000  }
0x3c5: {  	[bflag:$0x0] =	sbarrier.arrive $0xFFFF  }
0x3c6: {  	_ =	strace $0x90000047  }
0x3c7: {  	s0 =	stileid.u32;
	[bflag:$0x2] =	sbarrier.arrive $0xFFFF  }
0x3c8: {  	p0 =	sne.s32 s0, $0x0;
	s0 =	rddreg [dreg:$0x3]  }
0x3c9: {  	s0 =	sadd.s32 @!p0 $0x100000, s0  }
0x3ca: {  	[sflag:s0] =	ssyncadd.tile.s32 @!p0 $0x1;
	_ =	shalt  }
.Lfunc_end2:
_tile_overlayer_lowered:
.L_overlay_start_2:
0x3cb: {  	(tag) =	ssettag $0x2  }
0x3cc: {  	s0 =	rddreg [dreg:$0x0];
	s2 =	stileid.u32  }
0x3cd: {  	s1 =	rddreg [dreg:$0x1];
	p0 =	sne.s32 s2, $0x0  }
0x3ce: {  	s3 =	rddreg [dreg:$0x2];
	[bflag:$0x3] =	sbarrier.arrive $0xFFFF;
	s2 =	simm.s32 @!p0 $0x1C09  }
0x3cf: {  	[timem:s3], [sflag:s2] =	dma.local @!p0 [hbm:s0], s1  }
0x3d0: {  	s0 =	simm.s32 @!p0 $0x9  }
0x3d1: {  	_ =	swait.ge @!p0 [sflag:s0], s1  }
0x3d2: {  	s1 =	ssub.s32 @!p0 $0x0, s1;
	[sflag:s0] =	ssyncset.done @!p0 $0x0  }
0x3d3: {  	[sflag:s0] =	ssyncadd.s32 @!p0 s1  }
0x3d4: {  	[bflag:$0x3] =	sbarrier.arrive $0xFFFF  }
0x3d5: {  	_ =	shalt  }

</sc_bundles>
